<compile_context>
chip_gen: v7x
topology: tpu7x:2x2x1
jax: 0.10.2.dev20260603
libtpu: 0.0.44.dev20260713+nightly
codegen_flags: <defaults>
</compile_context>

<pallas_src>
import jax
import jax.numpy as jnp
from jax import lax
from jax.experimental import pallas as pl
from jax.experimental.pallas import tpu as pltpu
from jax.experimental.pallas import tpu_sc as plsc

_N = 10000
_E = 160000
_D = 256
_H = 128
_NS = 16
_NC = 2
_CH = 125
_NCH = _E // (_NS * _CH)
_SUP = 16
_NSUP = _NCH // _SUP
_NW = _NS * _NC
_CROWS = _E // (_NW * _CH)
_RPA = 624
_TAIL = _N - _NS * _RPA
_BLK = 1000

_f32 = jnp.float32



def _pre_body(x_ref, w_ref, o_ref):
    y = jnp.dot(x_ref[...], w_ref[...], preferred_element_type=_f32)
    o_ref[...] = jnp.maximum(y, 0.0)


def _pre_matmul(h_neigh, w_pre_t):
    return pl.pallas_call(
        _pre_body,
        grid=(_N // _BLK, _NC),
        in_specs=[pl.BlockSpec((_BLK, _D), lambda i, h: (i, 0)),
                  pl.BlockSpec((_D, _H), lambda i, h: (0, h))],
        out_specs=pl.BlockSpec((_BLK, _H),
                               lambda i, h: (h * (_N // _BLK) + i, 0)),
        out_shape=jax.ShapeDtypeStruct((_NC * _N, _H), _f32),
    )(h_neigh, w_pre_t)


def _final_body(x_ref, s0_ref, s1_ref, c0_ref, c1_ref, ws_t_ref, wn_t_ref,
                o_ref):
    count = c0_ref[:, 0:1] + c1_ref[:, 0:1]
    inv = 1.0 / jnp.maximum(count, 1.0)
    wn_t = wn_t_ref[...]
    acc = jnp.dot(x_ref[...], ws_t_ref[...], preferred_element_type=_f32)
    acc += jnp.dot(s0_ref[...] * inv, wn_t[:_H, :],
                   preferred_element_type=_f32)
    acc += jnp.dot(s1_ref[...] * inv, wn_t[_H:, :],
                   preferred_element_type=_f32)
    o_ref[...] = jnp.maximum(acc, 0.0)


def _final_update(h_self, s0, s1, cnt0, cnt1, ws_t, wn_t):
    return pl.pallas_call(
        _final_body,
        grid=(_N // _BLK,),
        in_specs=[pl.BlockSpec((_BLK, _D), lambda i: (i, 0)),
                  pl.BlockSpec((_BLK, _H), lambda i: (i, 0)),
                  pl.BlockSpec((_BLK, _H), lambda i: (i, 0)),
                  pl.BlockSpec((_BLK, _H), lambda i: (i, 0)),
                  pl.BlockSpec((_BLK, _H), lambda i: (i, 0)),
                  pl.BlockSpec((_D, _D), lambda i: (0, 0)),
                  pl.BlockSpec((_D, _D), lambda i: (0, 0))],
        out_specs=pl.BlockSpec((_BLK, _D), lambda i: (i, 0)),
        out_shape=jax.ShapeDtypeStruct((_N, _D), _f32),
    )(h_self, s0, s1, cnt0, cnt1, ws_t, wn_t)



def _zero_vmem(buf, nrows=_CH, width=_H):
    z16 = jnp.zeros((16,), _f32)

    def row(i, carry):
        for l in range(width // 16):
            buf[i, pl.ds(l * 16, 16)] = z16
        return carry
    lax.fori_loop(0, nrows, row, 0)


def _spread_zero(buf, dst, sid):
    base = sid * _RPA
    for q in range(_RPA // 104):
        off = pl.multiple_of(base + q * 104, 8)
        pltpu.sync_copy(buf.at[pl.ds(0, 104)], dst.at[pl.ds(off, 104)])

    @pl.when(sid == _NS - 1)
    def _():
        pltpu.sync_copy(buf.at[pl.ds(0, _TAIL)],
                        dst.at[pl.ds(_NS * _RPA, _TAIL)])


def _copy_out(acc, out, sid):
    rows = pl.ds(pl.multiple_of(sid * _RPA, 8), _RPA)
    pltpu.sync_copy(acc.at[rows], out.at[rows])

    @pl.when(sid == _NS - 1)
    def _():
        tail = pl.ds(_NS * _RPA, _TAIL)
        pltpu.sync_copy(acc.at[tail], out.at[tail])



def _sum_body(table, srclo_h, srchi_h, dst_h,
              sum0, sum1,
              srcA, dstA, srcB, dstB, gb0, gb1, accum,
              gsem0, gsem1, ssem0, ssem1, isem):
    cid = lax.axis_index("c")
    sid = lax.axis_index("s")
    tb = sid * _NCH

    _zero_vmem(gb0)
    _spread_zero(gb0, accum, sid)

    @pl.when(cid == 0)
    def _():
        pltpu.sync_copy(srclo_h.at[pl.ds(tb, _SUP // 2)], srcA)

    @pl.when(cid == 1)
    def _():
        pltpu.sync_copy(srchi_h.at[pl.ds(tb, _SUP // 2)], srcA)

    pltpu.sync_copy(dst_h.at[pl.ds(tb, _SUP // 2)], dstA)

    plsc.subcore_barrier()

    pltpu.async_copy(table.at[srcA.at[0]], gb0, gsem0)

    def refill(dst_rows, srcb, dstb):
        row0 = pl.multiple_of(dst_rows, 8)

        @pl.when(cid == 0)
        def _():
            pltpu.async_copy(srclo_h.at[pl.ds(row0, _SUP // 2)], srcb, isem)

        @pl.when(cid == 1)
        def _():
            pltpu.async_copy(srchi_h.at[pl.ds(row0, _SUP // 2)], srcb, isem)

        pltpu.async_copy(dst_h.at[pl.ds(row0, _SUP // 2)], dstb, isem)

    def wait_refill(srcb, dstb):
        row0 = pl.multiple_of(0, 8)
        pltpu.make_async_copy(
            srclo_h.at[pl.ds(row0, _SUP // 2)], srcb, isem).wait()
        pltpu.make_async_copy(
            dst_h.at[pl.ds(row0, _SUP // 2)], dstb, isem).wait()

    def super_body(s, carry):
        for k in range(_SUP):
            r = k % (_SUP // 2)
            mysrc, mydst = (srcA, dstA) if k < 8 else (srcB, dstB)
            gb, gs = (gb0, gsem0) if k % 2 == 0 else (gb1, gsem1)
            ogb, ogs = (gb1, gsem1) if k % 2 == 0 else (gb0, gsem0)
            ss = ssem0 if k % 2 == 0 else ssem1
            osem = ssem1 if k % 2 == 0 else ssem0

            pltpu.make_async_copy(table.at[mysrc.at[r]], gb, gs).wait()

            if k == 0:
                @pl.when(s > 0)
                def _():
                    pltpu.make_async_copy(
                        gb1, accum.at[dstB.at[7]], ssem1).wait()
            else:
                pdst = dstA if (k - 1) < 8 else dstB
                pltpu.make_async_copy(
                    ogb, accum.at[pdst.at[(k - 1) % 8]], osem).wait()

            if k == 0:
                refill(tb + s * _SUP + 8, srcB, dstB)
            if k == 8:
                @pl.when(s < _NSUP - 1)
                def _():
                    refill(tb + (s + 1) * _SUP, srcA, dstA)

            if k < _SUP - 1:
                nk = k + 1
                nsrc = srcB if nk >= 8 else srcA
                if nk == 8:
                    wait_refill(srcB, dstB)
                pltpu.async_copy(table.at[nsrc.at[nk % 8]], ogb, ogs)
            else:
                @pl.when(s < _NSUP - 1)
                def _():
                    wait_refill(srcA, dstA)
                    pltpu.async_copy(table.at[srcA.at[0]], ogb, ogs)

            pltpu.async_copy(gb, accum.at[mydst.at[r]], ss, add=True)
        return carry

    lax.fori_loop(0, _NSUP, super_body, 0)

    pltpu.make_async_copy(gb1, accum.at[dstB.at[7]], ssem1).wait()

    plsc.subcore_barrier()

    @pl.when(cid == 0)
    def _():
        _copy_out(accum, sum0, sid)

    @pl.when(cid == 1)
    def _():
        _copy_out(accum, sum1, sid)


def _sc_segment_sum(pre_cat, srclo2d, srchi2d, dst2d):
    kern = pl.kernel(
        _sum_body,
        out_type=[jax.ShapeDtypeStruct((_N, _H), _f32),
                  jax.ShapeDtypeStruct((_N, _H), _f32)],
        mesh=plsc.VectorSubcoreMesh(core_axis_name="c", subcore_axis_name="s",
                                    num_cores=_NC, num_subcores=_NS),
        scratch_types=[
            pltpu.VMEM((_SUP // 2, _CH), jnp.int32),
            pltpu.VMEM((_SUP // 2, _CH), jnp.int32),
            pltpu.VMEM((_SUP // 2, _CH), jnp.int32),
            pltpu.VMEM((_SUP // 2, _CH), jnp.int32),
            pltpu.VMEM((_CH, _H), _f32),
            pltpu.VMEM((_CH, _H), _f32),
            pltpu.VMEM_SHARED((_N, _H), _f32),
            pltpu.SemaphoreType.DMA,
            pltpu.SemaphoreType.DMA,
            pltpu.SemaphoreType.DMA,
            pltpu.SemaphoreType.DMA,
            pltpu.SemaphoreType.DMA,
        ],
    )
    return kern(pre_cat, srclo2d, srchi2d, dst2d)




def _cnt_body(dst_h, cnt0, cnt1, dstb, ones, zbuf, cacc, ssem):
    cid = lax.axis_index("c")
    sid = lax.axis_index("s")

    one16 = jnp.ones((16,), _f32)

    def row(i, carry):
        for l in range(_H // 16):
            ones[i, pl.ds(l * 16, 16)] = one16
        return carry
    lax.fori_loop(0, _CH, row, 0)
    _zero_vmem(zbuf)
    _spread_zero(zbuf, cacc, sid)

    wid = sid * _NC + cid
    pltpu.sync_copy(dst_h.at[pl.ds(pl.multiple_of(wid * _CROWS, 8), _CROWS)],
                    dstb)

    plsc.subcore_barrier()

    def grp(g, carry):
        descs = []
        for b in range(8):
            jj = g * 8 + b
            descs.append(
                pltpu.async_copy(ones, cacc.at[dstb.at[jj]], ssem, add=True))
        for d in descs:
            d.wait()
        return carry
    lax.fori_loop(0, _CROWS // 8, grp, 0)

    plsc.subcore_barrier()

    @pl.when(cid == 0)
    def _():
        _copy_out(cacc, cnt0, sid)

    @pl.when(cid == 1)
    def _():
        _copy_out(cacc, cnt1, sid)


def _sc_counts(dst2d):
    kern = pl.kernel(
        _cnt_body,
        out_type=[jax.ShapeDtypeStruct((_N, _H), _f32),
                  jax.ShapeDtypeStruct((_N, _H), _f32)],
        mesh=plsc.VectorSubcoreMesh(core_axis_name="c", subcore_axis_name="s",
                                    num_cores=_NC, num_subcores=_NS),
        scratch_types=[
            pltpu.VMEM((_CROWS, _CH), jnp.int32),
            pltpu.VMEM((_CH, _H), _f32),
            pltpu.VMEM((_CH, _H), _f32),
            pltpu.VMEM_SHARED((_N, _H), _f32),
            pltpu.SemaphoreType.DMA,
        ],
    )
    return kern(dst2d)



def kernel(h_neigh, h_self, edge_index, W_pre, W_self, W_neigh):
    src = edge_index[0]
    srclo2d = src.reshape(_NS * _NCH, _CH)
    srchi2d = (src + _N).reshape(_NS * _NCH, _CH)
    dst2d = edge_index[1].reshape(_NS * _NCH, _CH)
    cnt0, cnt1 = _sc_counts(dst2d)
    pre_cat = _pre_matmul(h_neigh, W_pre.T)
    s0, s1 = _sc_segment_sum(pre_cat, srclo2d, srchi2d, dst2d)
    return _final_update(h_self, s0, s1, cnt0, cnt1, W_self.T, W_neigh.T)

# --- scband reference (transcript-rebuilt; emitter-appended) ---
"""Pipeline reference for scband-conv-layer-7713761263920 (READ-ONLY COPY).

The authoritative reference and input builder live on the scoring server;
editing this copy changes nothing except your own understanding.
"""

import jax, jax.numpy as jnp
import numpy as np

N = 10000
E = 160000
D = 256
OUT = 256

def _xavier_uniform(key, shape, gain):
    fan_out, fan_in = shape
    bound = gain * float(np.sqrt(6.0 / (fan_in + fan_out)))
    return jax.random.uniform(key, shape, dtype=jnp.float32, minval=-bound, maxval=bound)

def setup_inputs(seed: int = 0) -> dict:
    key = jax.random.key(seed)
    k1, k2, k3, k4, k5, k6 = jax.random.split(key, 6)
    h_neigh = jax.random.normal(k1, (N, D), dtype=jnp.float32)
    h_self = jax.random.normal(k2, (N, D), dtype=jnp.float32)
    edge_index = jax.random.randint(k3, (2, E), 0, N, dtype=jnp.int32)
    gain = float(np.sqrt(2.0))  # calculate_gain('relu')
    W_pre = _xavier_uniform(k4, (D, D), gain)      # fc_preagg.weight [in_neigh, in_neigh]
    W_self = _xavier_uniform(k5, (OUT, D), gain)   # fc_self.weight [out, in_self]
    W_neigh = _xavier_uniform(k6, (OUT, D), gain)  # fc_neigh.weight [out, in_neigh]
    return {"h_neigh": h_neigh, "h_self": h_self, "edge_index": edge_index,
            "W_pre": W_pre, "W_self": W_self, "W_neigh": W_neigh}

def reference(h_neigh, h_self, edge_index, W_pre, W_self, W_neigh):
    # aggregator_type = 'mean_nn', dropout = 0.0 (identity), norm = False
    src = edge_index[0]
    dst = edge_index[1]
    # fc_preagg + relu on source node features
    pre = jax.nn.relu(h_neigh @ W_pre.T)
    # message passing: copy_src then mean aggregation per destination node
    msgs = jnp.take(pre, src, axis=0)                      # [E, D] gather
    summed = jax.ops.segment_sum(msgs, dst, num_segments=N)  # [N, D] scatter-add
    count = jax.ops.segment_sum(jnp.ones((E,), jnp.float32), dst, num_segments=N)
    neigh = summed / jnp.maximum(count, 1.0)[:, None]      # DGL mean -> 0 for isolated nodes
    # update: fc_self(h_self) + fc_neigh(neigh), then relu
    z = h_self @ W_self.T + neigh @ W_neigh.T
    return jax.nn.relu(z)

if __name__ == "__main__":
    import jax
    _d = setup_inputs()
    print(jax.jit(kernel)(*tuple(_d.values())))

</pallas_src>

<mosaic_0001>
#map = affine_map<(d0, d1) -> (0, 0)>
module attributes {stable_mosaic.version = 14 : i64} {
  func.func @_sum_body(%arg0: i32, %arg1: i32, %arg2: memref<20000x128xf32, #tpu.memory_space<hbm>>, %arg3: memref<1280x125xi32, #tpu.memory_space<hbm>>, %arg4: memref<1280x125xi32, #tpu.memory_space<hbm>>, %arg5: memref<1280x125xi32, #tpu.memory_space<hbm>>, %arg6: memref<10000x128xf32, #tpu.memory_space<hbm>>, %arg7: memref<10000x128xf32, #tpu.memory_space<hbm>>, %arg8: memref<8x125xi32, #tpu.memory_space<vmem>>, %arg9: memref<8x125xi32, #tpu.memory_space<vmem>>, %arg10: memref<8x125xi32, #tpu.memory_space<vmem>>, %arg11: memref<8x125xi32, #tpu.memory_space<vmem>>, %arg12: memref<125x128xf32, #tpu.memory_space<vmem>>, %arg13: memref<125x128xf32, #tpu.memory_space<vmem>>, %arg14: memref<10000x128xf32, #tpu.memory_space<vmem_shared>>, %arg15: memref<!tpu.dma_semaphore, #tpu.memory_space<semaphore_mem>>, %arg16: memref<!tpu.dma_semaphore, #tpu.memory_space<semaphore_mem>>, %arg17: memref<!tpu.dma_semaphore, #tpu.memory_space<semaphore_mem>>, %arg18: memref<!tpu.dma_semaphore, #tpu.memory_space<semaphore_mem>>, %arg19: memref<!tpu.dma_semaphore, #tpu.memory_space<semaphore_mem>>) attributes {dimension_semantics = [#tpu.dimension_semantics<core_parallel>, #tpu.dimension_semantics<subcore_parallel>], iteration_bounds = array<i64: 2, 16>, scalar_prefetch = 0 : i64, scratch_operands = 12 : i64, tpu.core_type = #tpu.core_type<sc_vector_subcore>, window_params = [{transform_indices = #map}, {transform_indices = #map}, {transform_indices = #map}, {transform_indices = #map}, {transform_indices = #map}, {transform_indices = #map}]} {
    %mul3A = arith.constant 80 : i32
    %mul3A_0 = arith.muli %arg1, %mul3A : i32
    %broadcast_in_dim3A = arith.constant 0.000000e+00 : f32
    %broadcast_in_dim3A_1 = vector.broadcast %broadcast_in_dim3A : f32 to vector<16xf32>
    %scan3A = arith.constant 0 : i32
    %scan3A_2 = arith.constant 0 : i32
    %scan3A_3 = arith.constant 125 : i32
    %scan3A_4 = arith.addi %scan3A_2, %scan3A_3 : i32
    %scan3A_5 = arith.constant 1 : i32
    scf.for %scan3A_66 = %scan3A_2 to %scan3A_4 step %scan3A_5  : i32 {
      %swap3A = arith.index_cast %scan3A_66 : i32 to index
      %swap3A_67 = arith.constant 0 : index
      %swap3A_68 = tpu.vector_load %arg12[%swap3A, %swap3A_67] {strides = array<i32>} : memref<125x128xf32, #tpu.memory_space<vmem>>, vector<1x16xf32>,
      %swap3A_69 = vector.shape_cast %swap3A_68 : vector<1x16xf32> to vector<16xf32>
      %swap3A_70 = vector.shape_cast %broadcast_in_dim3A_1 : vector<16xf32> to vector<1x16xf32>
      tpu.vector_store %arg12[%swap3A, %swap3A_67], %swap3A_70 {strides = array<i32>} : memref<125x128xf32, #tpu.memory_space<vmem>>, vector<1x16xf32>,
      %swap3A_71 = arith.index_cast %scan3A_66 : i32 to index
      %swap3A_72 = arith.constant 16 : index
      %swap3A_73 = tpu.vector_load %arg12[%swap3A_71, %swap3A_72] {strides = array<i32>} : memref<125x128xf32, #tpu.memory_space<vmem>>, vector<1x16xf32>,
      %swap3A_74 = vector.shape_cast %swap3A_73 : vector<1x16xf32> to vector<16xf32>
      %swap3A_75 = vector.shape_cast %broadcast_in_dim3A_1 : vector<16xf32> to vector<1x16xf32>
      tpu.vector_store %arg12[%swap3A_71, %swap3A_72], %swap3A_75 {strides = array<i32>} : memref<125x128xf32, #tpu.memory_space<vmem>>, vector<1x16xf32>,
      %swap3A_76 = arith.index_cast %scan3A_66 : i32 to index
      %swap3A_77 = arith.constant 32 : index
      %swap3A_78 = tpu.vector_load %arg12[%swap3A_76, %swap3A_77] {strides = array<i32>} : memref<125x128xf32, #tpu.memory_space<vmem>>, vector<1x16xf32>,
      %swap3A_79 = vector.shape_cast %swap3A_78 : vector<1x16xf32> to vector<16xf32>
      %swap3A_80 = vector.shape_cast %broadcast_in_dim3A_1 : vector<16xf32> to vector<1x16xf32>
      tpu.vector_store %arg12[%swap3A_76, %swap3A_77], %swap3A_80 {strides = array<i32>} : memref<125x128xf32, #tpu.memory_space<vmem>>, vector<1x16xf32>,
      %swap3A_81 = arith.index_cast %scan3A_66 : i32 to index
      %swap3A_82 = arith.constant 48 : index
      %swap3A_83 = tpu.vector_load %arg12[%swap3A_81, %swap3A_82] {strides = array<i32>} : memref<125x128xf32, #tpu.memory_space<vmem>>, vector<1x16xf32>,
      %swap3A_84 = vector.shape_cast %swap3A_83 : vector<1x16xf32> to vector<16xf32>
      %swap3A_85 = vector.shape_cast %broadcast_in_dim3A_1 : vector<16xf32> to vector<1x16xf32>
      tpu.vector_store %arg12[%swap3A_81, %swap3A_82], %swap3A_85 {strides = array<i32>} : memref<125x128xf32, #tpu.memory_space<vmem>>, vector<1x16xf32>,
      %swap3A_86 = arith.index_cast %scan3A_66 : i32 to index
      %swap3A_87 = arith.constant 64 : index
      %swap3A_88 = tpu.vector_load %arg12[%swap3A_86, %swap3A_87] {strides = array<i32>} : memref<125x128xf32, #tpu.memory_space<vmem>>, vector<1x16xf32>,
      %swap3A_89 = vector.shape_cast %swap3A_88 : vector<1x16xf32> to vector<16xf32>
      %swap3A_90 = vector.shape_cast %broadcast_in_dim3A_1 : vector<16xf32> to vector<1x16xf32>
      tpu.vector_store %arg12[%swap3A_86, %swap3A_87], %swap3A_90 {strides = array<i32>} : memref<125x128xf32, #tpu.memory_space<vmem>>, vector<1x16xf32>,
      %swap3A_91 = arith.index_cast %scan3A_66 : i32 to index
      %swap3A_92 = arith.constant 80 : index
      %swap3A_93 = tpu.vector_load %arg12[%swap3A_91, %swap3A_92] {strides = array<i32>} : memref<125x128xf32, #tpu.memory_space<vmem>>, vector<1x16xf32>,
      %swap3A_94 = vector.shape_cast %swap3A_93 : vector<1x16xf32> to vector<16xf32>
      %swap3A_95 = vector.shape_cast %broadcast_in_dim3A_1 : vector<16xf32> to vector<1x16xf32>
      tpu.vector_store %arg12[%swap3A_91, %swap3A_92], %swap3A_95 {strides = array<i32>} : memref<125x128xf32, #tpu.memory_space<vmem>>, vector<1x16xf32>,
      %swap3A_96 = arith.index_cast %scan3A_66 : i32 to index
      %swap3A_97 = arith.constant 96 : index
      %swap3A_98 = tpu.vector_load %arg12[%swap3A_96, %swap3A_97] {strides = array<i32>} : memref<125x128xf32, #tpu.memory_space<vmem>>, vector<1x16xf32>,
      %swap3A_99 = vector.shape_cast %swap3A_98 : vector<1x16xf32> to vector<16xf32>
      %swap3A_100 = vector.shape_cast %broadcast_in_dim3A_1 : vector<16xf32> to vector<1x16xf32>
      tpu.vector_store %arg12[%swap3A_96, %swap3A_97], %swap3A_100 {strides = array<i32>} : memref<125x128xf32, #tpu.memory_space<vmem>>, vector<1x16xf32>,
      %swap3A_101 = arith.index_cast %scan3A_66 : i32 to index
      %swap3A_102 = arith.constant 112 : index
      %swap3A_103 = tpu.vector_load %arg12[%swap3A_101, %swap3A_102] {strides = array<i32>} : memref<125x128xf32, #tpu.memory_space<vmem>>, vector<1x16xf32>,
      %swap3A_104 = vector.shape_cast %swap3A_103 : vector<1x16xf32> to vector<16xf32>
      %swap3A_105 = vector.shape_cast %broadcast_in_dim3A_1 : vector<16xf32> to vector<1x16xf32>
      tpu.vector_store %arg12[%swap3A_101, %swap3A_102], %swap3A_105 {strides = array<i32>} : memref<125x128xf32, #tpu.memory_space<vmem>>, vector<1x16xf32>,
    }
    %scan3A_6 = arith.constant 125 : i32
    %mul3A_7 = arith.constant 624 : i32
    %mul3A_8 = arith.muli %arg1, %mul3A_7 : i32
    %add3A = arith.constant 0 : i32
    %add3A_9 = arith.addi %mul3A_8, %add3A : i32
    %multiple_of3A = tpu.assume_multiple %add3A_9, 8 : i32
    "tpu.region"() ({
      %run_scoped3A = tpu.sem_alloc : memref<!tpu.dma_semaphore, #tpu.memory_space<semaphore_mem>>
      %dma_start3A_66 = arith.constant 0 : i32
      %dma_start3A_67 = arith.constant 0 : i32
      %dma_start3A_68 = tpu.memref_slice %arg12[%dma_start3A_66, %dma_start3A_67] : memref<125x128xf32, #tpu.memory_space<vmem>> -> memref<104x128xf32, #tpu.memory_space<vmem>>
      %dma_start3A_69 = arith.constant 0 : i32
      %dma_start3A_70 = tpu.memref_slice %arg14[%multiple_of3A, %dma_start3A_69] : memref<10000x128xf32, #tpu.memory_space<vmem_shared>> -> memref<104x128xf32, #tpu.memory_space<vmem_shared>>
      %dma_start3A_71 = arith.constant 0 : i32
      %dma_start3A_72 = tpu.memref_slice %arg14[%multiple_of3A, %dma_start3A_71] : memref<10000x128xf32, #tpu.memory_space<vmem_shared>> -> memref<104x128xf32, #tpu.memory_space<vmem_shared>>
      %dma_start3A_73 = arith.constant 0 : i32
      %dma_start3A_74 = arith.constant 0 : i32
      %dma_start3A_75 = tpu.memref_slice %arg12[%dma_start3A_73, %dma_start3A_74] : memref<125x128xf32, #tpu.memory_space<vmem>> -> memref<104x128xf32, #tpu.memory_space<vmem>>
      tpu.enqueue_dma source(%dma_start3A_75 : memref<104x128xf32, #tpu.memory_space<vmem>>) target(%dma_start3A_72 : memref<104x128xf32, #tpu.memory_space<vmem_shared>>) target_semaphore(%run_scoped3A : memref<!tpu.dma_semaphore, #tpu.memory_space<semaphore_mem>>)
      %dma_wait3A_76 = arith.constant 0 : i32
      %dma_wait3A_77 = arith.constant 0 : i32
      %dma_wait3A_78 = tpu.memref_slice %arg12[%dma_wait3A_76, %dma_wait3A_77] : memref<125x128xf32, #tpu.memory_space<vmem>> -> memref<104x128xf32, #tpu.memory_space<vmem>>
      %dma_wait3A_79 = arith.constant 0 : i32
      %dma_wait3A_80 = tpu.memref_slice %arg14[%multiple_of3A, %dma_wait3A_79] : memref<10000x128xf32, #tpu.memory_space<vmem_shared>> -> memref<104x128xf32, #tpu.memory_space<vmem_shared>>
      %dma_wait3A_81 = arith.constant 0 : i32
      %dma_wait3A_82 = tpu.memref_slice %arg14[%multiple_of3A, %dma_wait3A_81] : memref<10000x128xf32, #tpu.memory_space<vmem_shared>> -> memref<104x128xf32, #tpu.memory_space<vmem_shared>>
      %dma_wait3A_83 = arith.constant 0 : i32
      %dma_wait3A_84 = arith.constant 0 : i32
      %dma_wait3A_85 = tpu.memref_slice %arg12[%dma_wait3A_83, %dma_wait3A_84] : memref<125x128xf32, #tpu.memory_space<vmem>> -> memref<104x128xf32, #tpu.memory_space<vmem>>
      tpu.wait_dma2 semaphore(%run_scoped3A : memref<!tpu.dma_semaphore, #tpu.memory_space<semaphore_mem>>) src(%dma_wait3A_85 : memref<104x128xf32, #tpu.memory_space<vmem>>) dst(%dma_wait3A_82 : memref<104x128xf32, #tpu.memory_space<vmem_shared>>)
      tpu.yield
    }) : () -> ()
    %add3A_10 = arith.constant 104 : i32
    %add3A_11 = arith.addi %mul3A_8, %add3A_10 : i32
    %multiple_of3A_12 = tpu.assume_multiple %add3A_11, 8 : i32
    "tpu.region"() ({
      %run_scoped3A = tpu.sem_alloc : memref<!tpu.dma_semaphore, #tpu.memory_space<semaphore_mem>>
      %dma_start3A_66 = arith.constant 0 : i32
      %dma_start3A_67 = arith.constant 0 : i32
      %dma_start3A_68 = tpu.memref_slice %arg12[%dma_start3A_66, %dma_start3A_67] : memref<125x128xf32, #tpu.memory_space<vmem>> -> memref<104x128xf32, #tpu.memory_space<vmem>>
      %dma_start3A_69 = arith.constant 0 : i32
      %dma_start3A_70 = tpu.memref_slice %arg14[%multiple_of3A_12, %dma_start3A_69] : memref<10000x128xf32, #tpu.memory_space<vmem_shared>> -> memref<104x128xf32, #tpu.memory_space<vmem_shared>>
      %dma_start3A_71 = arith.constant 0 : i32
      %dma_start3A_72 = tpu.memref_slice %arg14[%multiple_of3A_12, %dma_start3A_71] : memref<10000x128xf32, #tpu.memory_space<vmem_shared>> -> memref<104x128xf32, #tpu.memory_space<vmem_shared>>
      %dma_start3A_73 = arith.constant 0 : i32
      %dma_start3A_74 = arith.constant 0 : i32
      %dma_start3A_75 = tpu.memref_slice %arg12[%dma_start3A_73, %dma_start3A_74] : memref<125x128xf32, #tpu.memory_space<vmem>> -> memref<104x128xf32, #tpu.memory_space<vmem>>
      tpu.enqueue_dma source(%dma_start3A_75 : memref<104x128xf32, #tpu.memory_space<vmem>>) target(%dma_start3A_72 : memref<104x128xf32, #tpu.memory_space<vmem_shared>>) target_semaphore(%run_scoped3A : memref<!tpu.dma_semaphore, #tpu.memory_space<semaphore_mem>>)
      %dma_wait3A_76 = arith.constant 0 : i32
      %dma_wait3A_77 = arith.constant 0 : i32
      %dma_wait3A_78 = tpu.memref_slice %arg12[%dma_wait3A_76, %dma_wait3A_77] : memref<125x128xf32, #tpu.memory_space<vmem>> -> memref<104x128xf32, #tpu.memory_space<vmem>>
      %dma_wait3A_79 = arith.constant 0 : i32
      %dma_wait3A_80 = tpu.memref_slice %arg14[%multiple_of3A_12, %dma_wait3A_79] : memref<10000x128xf32, #tpu.memory_space<vmem_shared>> -> memref<104x128xf32, #tpu.memory_space<vmem_shared>>
      %dma_wait3A_81 = arith.constant 0 : i32
      %dma_wait3A_82 = tpu.memref_slice %arg14[%multiple_of3A_12, %dma_wait3A_81] : memref<10000x128xf32, #tpu.memory_space<vmem_shared>> -> memref<104x128xf32, #tpu.memory_space<vmem_shared>>
      %dma_wait3A_83 = arith.constant 0 : i32
      %dma_wait3A_84 = arith.constant 0 : i32
      %dma_wait3A_85 = tpu.memref_slice %arg12[%dma_wait3A_83, %dma_wait3A_84] : memref<125x128xf32, #tpu.memory_space<vmem>> -> memref<104x128xf32, #tpu.memory_space<vmem>>
      tpu.wait_dma2 semaphore(%run_scoped3A : memref<!tpu.dma_semaphore, #tpu.memory_space<semaphore_mem>>) src(%dma_wait3A_85 : memref<104x128xf32, #tpu.memory_space<vmem>>) dst(%dma_wait3A_82 : memref<104x128xf32, #tpu.memory_space<vmem_shared>>)
      tpu.yield
    }) : () -> ()
    %add3A_13 = arith.constant 208 : i32
    %add3A_14 = arith.addi %mul3A_8, %add3A_13 : i32
    %multiple_of3A_15 = tpu.assume_multiple %add3A_14, 8 : i32
    "tpu.region"() ({
      %run_scoped3A = tpu.sem_alloc : memref<!tpu.dma_semaphore, #tpu.memory_space<semaphore_mem>>
      %dma_start3A_66 = arith.constant 0 : i32
      %dma_start3A_67 = arith.constant 0 : i32
      %dma_start3A_68 = tpu.memref_slice %arg12[%dma_start3A_66, %dma_start3A_67] : memref<125x128xf32, #tpu.memory_space<vmem>> -> memref<104x128xf32, #tpu.memory_space<vmem>>
      %dma_start3A_69 = arith.constant 0 : i32
      %dma_start3A_70 = tpu.memref_slice %arg14[%multiple_of3A_15, %dma_start3A_69] : memref<10000x128xf32, #tpu.memory_space<vmem_shared>> -> memref<104x128xf32, #tpu.memory_space<vmem_shared>>
      %dma_start3A_71 = arith.constant 0 : i32
      %dma_start3A_72 = tpu.memref_slice %arg14[%multiple_of3A_15, %dma_start3A_71] : memref<10000x128xf32, #tpu.memory_space<vmem_shared>> -> memref<104x128xf32, #tpu.memory_space<vmem_shared>>
      %dma_start3A_73 = arith.constant 0 : i32
      %dma_start3A_74 = arith.constant 0 : i32
      %dma_start3A_75 = tpu.memref_slice %arg12[%dma_start3A_73, %dma_start3A_74] : memref<125x128xf32, #tpu.memory_space<vmem>> -> memref<104x128xf32, #tpu.memory_space<vmem>>
      tpu.enqueue_dma source(%dma_start3A_75 : memref<104x128xf32, #tpu.memory_space<vmem>>) target(%dma_start3A_72 : memref<104x128xf32, #tpu.memory_space<vmem_shared>>) target_semaphore(%run_scoped3A : memref<!tpu.dma_semaphore, #tpu.memory_space<semaphore_mem>>)
      %dma_wait3A_76 = arith.constant 0 : i32
      %dma_wait3A_77 = arith.constant 0 : i32
      %dma_wait3A_78 = tpu.memref_slice %arg12[%dma_wait3A_76, %dma_wait3A_77] : memref<125x128xf32, #tpu.memory_space<vmem>> -> memref<104x128xf32, #tpu.memory_space<vmem>>
      %dma_wait3A_79 = arith.constant 0 : i32
      %dma_wait3A_80 = tpu.memref_slice %arg14[%multiple_of3A_15, %dma_wait3A_79] : memref<10000x128xf32, #tpu.memory_space<vmem_shared>> -> memref<104x128xf32, #tpu.memory_space<vmem_shared>>
      %dma_wait3A_81 = arith.constant 0 : i32
      %dma_wait3A_82 = tpu.memref_slice %arg14[%multiple_of3A_15, %dma_wait3A_81] : memref<10000x128xf32, #tpu.memory_space<vmem_shared>> -> memref<104x128xf32, #tpu.memory_space<vmem_shared>>
      %dma_wait3A_83 = arith.constant 0 : i32
      %dma_wait3A_84 = arith.constant 0 : i32
      %dma_wait3A_85 = tpu.memref_slice %arg12[%dma_wait3A_83, %dma_wait3A_84] : memref<125x128xf32, #tpu.memory_space<vmem>> -> memref<104x128xf32, #tpu.memory_space<vmem>>
      tpu.wait_dma2 semaphore(%run_scoped3A : memref<!tpu.dma_semaphore, #tpu.memory_space<semaphore_mem>>) src(%dma_wait3A_85 : memref<104x128xf32, #tpu.memory_space<vmem>>) dst(%dma_wait3A_82 : memref<104x128xf32, #tpu.memory_space<vmem_shared>>)
      tpu.yield
    }) : () -> ()
    %add3A_16 = arith.constant 312 : i32
    %add3A_17 = arith.addi %mul3A_8, %add3A_16 : i32
    %multiple_of3A_18 = tpu.assume_multiple %add3A_17, 8 : i32
    "tpu.region"() ({
      %run_scoped3A = tpu.sem_alloc : memref<!tpu.dma_semaphore, #tpu.memory_space<semaphore_mem>>
      %dma_start3A_66 = arith.constant 0 : i32
      %dma_start3A_67 = arith.constant 0 : i32
      %dma_start3A_68 = tpu.memref_slice %arg12[%dma_start3A_66, %dma_start3A_67] : memref<125x128xf32, #tpu.memory_space<vmem>> -> memref<104x128xf32, #tpu.memory_space<vmem>>
      %dma_start3A_69 = arith.constant 0 : i32
      %dma_start3A_70 = tpu.memref_slice %arg14[%multiple_of3A_18, %dma_start3A_69] : memref<10000x128xf32, #tpu.memory_space<vmem_shared>> -> memref<104x128xf32, #tpu.memory_space<vmem_shared>>
      %dma_start3A_71 = arith.constant 0 : i32
      %dma_start3A_72 = tpu.memref_slice %arg14[%multiple_of3A_18, %dma_start3A_71] : memref<10000x128xf32, #tpu.memory_space<vmem_shared>> -> memref<104x128xf32, #tpu.memory_space<vmem_shared>>
      %dma_start3A_73 = arith.constant 0 : i32
      %dma_start3A_74 = arith.constant 0 : i32
      %dma_start3A_75 = tpu.memref_slice %arg12[%dma_start3A_73, %dma_start3A_74] : memref<125x128xf32, #tpu.memory_space<vmem>> -> memref<104x128xf32, #tpu.memory_space<vmem>>
      tpu.enqueue_dma source(%dma_start3A_75 : memref<104x128xf32, #tpu.memory_space<vmem>>) target(%dma_start3A_72 : memref<104x128xf32, #tpu.memory_space<vmem_shared>>) target_semaphore(%run_scoped3A : memref<!tpu.dma_semaphore, #tpu.memory_space<semaphore_mem>>)
      %dma_wait3A_76 = arith.constant 0 : i32
      %dma_wait3A_77 = arith.constant 0 : i32
      %dma_wait3A_78 = tpu.memref_slice %arg12[%dma_wait3A_76, %dma_wait3A_77] : memref<125x128xf32, #tpu.memory_space<vmem>> -> memref<104x128xf32, #tpu.memory_space<vmem>>
      %dma_wait3A_79 = arith.constant 0 : i32
      %dma_wait3A_80 = tpu.memref_slice %arg14[%multiple_of3A_18, %dma_wait3A_79] : memref<10000x128xf32, #tpu.memory_space<vmem_shared>> -> memref<104x128xf32, #tpu.memory_space<vmem_shared>>
      %dma_wait3A_81 = arith.constant 0 : i32
      %dma_wait3A_82 = tpu.memref_slice %arg14[%multiple_of3A_18, %dma_wait3A_81] : memref<10000x128xf32, #tpu.memory_space<vmem_shared>> -> memref<104x128xf32, #tpu.memory_space<vmem_shared>>
      %dma_wait3A_83 = arith.constant 0 : i32
      %dma_wait3A_84 = arith.constant 0 : i32
      %dma_wait3A_85 = tpu.memref_slice %arg12[%dma_wait3A_83, %dma_wait3A_84] : memref<125x128xf32, #tpu.memory_space<vmem>> -> memref<104x128xf32, #tpu.memory_space<vmem>>
      tpu.wait_dma2 semaphore(%run_scoped3A : memref<!tpu.dma_semaphore, #tpu.memory_space<semaphore_mem>>) src(%dma_wait3A_85 : memref<104x128xf32, #tpu.memory_space<vmem>>) dst(%dma_wait3A_82 : memref<104x128xf32, #tpu.memory_space<vmem_shared>>)
      tpu.yield
    }) : () -> ()
    %add3A_19 = arith.constant 416 : i32
    %add3A_20 = arith.addi %mul3A_8, %add3A_19 : i32
    %multiple_of3A_21 = tpu.assume_multiple %add3A_20, 8 : i32
    "tpu.region"() ({
      %run_scoped3A = tpu.sem_alloc : memref<!tpu.dma_semaphore, #tpu.memory_space<semaphore_mem>>
      %dma_start3A_66 = arith.constant 0 : i32
      %dma_start3A_67 = arith.constant 0 : i32
      %dma_start3A_68 = tpu.memref_slice %arg12[%dma_start3A_66, %dma_start3A_67] : memref<125x128xf32, #tpu.memory_space<vmem>> -> memref<104x128xf32, #tpu.memory_space<vmem>>
      %dma_start3A_69 = arith.constant 0 : i32
      %dma_start3A_70 = tpu.memref_slice %arg14[%multiple_of3A_21, %dma_start3A_69] : memref<10000x128xf32, #tpu.memory_space<vmem_shared>> -> memref<104x128xf32, #tpu.memory_space<vmem_shared>>
      %dma_start3A_71 = arith.constant 0 : i32
      %dma_start3A_72 = tpu.memref_slice %arg14[%multiple_of3A_21, %dma_start3A_71] : memref<10000x128xf32, #tpu.memory_space<vmem_shared>> -> memref<104x128xf32, #tpu.memory_space<vmem_shared>>
      %dma_start3A_73 = arith.constant 0 : i32
      %dma_start3A_74 = arith.constant 0 : i32
      %dma_start3A_75 = tpu.memref_slice %arg12[%dma_start3A_73, %dma_start3A_74] : memref<125x128xf32, #tpu.memory_space<vmem>> -> memref<104x128xf32, #tpu.memory_space<vmem>>
      tpu.enqueue_dma source(%dma_start3A_75 : memref<104x128xf32, #tpu.memory_space<vmem>>) target(%dma_start3A_72 : memref<104x128xf32, #tpu.memory_space<vmem_shared>>) target_semaphore(%run_scoped3A : memref<!tpu.dma_semaphore, #tpu.memory_space<semaphore_mem>>)
      %dma_wait3A_76 = arith.constant 0 : i32
      %dma_wait3A_77 = arith.constant 0 : i32
      %dma_wait3A_78 = tpu.memref_slice %arg12[%dma_wait3A_76, %dma_wait3A_77] : memref<125x128xf32, #tpu.memory_space<vmem>> -> memref<104x128xf32, #tpu.memory_space<vmem>>
      %dma_wait3A_79 = arith.constant 0 : i32
      %dma_wait3A_80 = tpu.memref_slice %arg14[%multiple_of3A_21, %dma_wait3A_79] : memref<10000x128xf32, #tpu.memory_space<vmem_shared>> -> memref<104x128xf32, #tpu.memory_space<vmem_shared>>
      %dma_wait3A_81 = arith.constant 0 : i32
      %dma_wait3A_82 = tpu.memref_slice %arg14[%multiple_of3A_21, %dma_wait3A_81] : memref<10000x128xf32, #tpu.memory_space<vmem_shared>> -> memref<104x128xf32, #tpu.memory_space<vmem_shared>>
      %dma_wait3A_83 = arith.constant 0 : i32
      %dma_wait3A_84 = arith.constant 0 : i32
      %dma_wait3A_85 = tpu.memref_slice %arg12[%dma_wait3A_83, %dma_wait3A_84] : memref<125x128xf32, #tpu.memory_space<vmem>> -> memref<104x128xf32, #tpu.memory_space<vmem>>
      tpu.wait_dma2 semaphore(%run_scoped3A : memref<!tpu.dma_semaphore, #tpu.memory_space<semaphore_mem>>) src(%dma_wait3A_85 : memref<104x128xf32, #tpu.memory_space<vmem>>) dst(%dma_wait3A_82 : memref<104x128xf32, #tpu.memory_space<vmem_shared>>)
      tpu.yield
    }) : () -> ()
    %add3A_22 = arith.constant 520 : i32
    %add3A_23 = arith.addi %mul3A_8, %add3A_22 : i32
    %multiple_of3A_24 = tpu.assume_multiple %add3A_23, 8 : i32
    "tpu.region"() ({
      %run_scoped3A = tpu.sem_alloc : memref<!tpu.dma_semaphore, #tpu.memory_space<semaphore_mem>>
      %dma_start3A_66 = arith.constant 0 : i32
      %dma_start3A_67 = arith.constant 0 : i32
      %dma_start3A_68 = tpu.memref_slice %arg12[%dma_start3A_66, %dma_start3A_67] : memref<125x128xf32, #tpu.memory_space<vmem>> -> memref<104x128xf32, #tpu.memory_space<vmem>>
      %dma_start3A_69 = arith.constant 0 : i32
      %dma_start3A_70 = tpu.memref_slice %arg14[%multiple_of3A_24, %dma_start3A_69] : memref<10000x128xf32, #tpu.memory_space<vmem_shared>> -> memref<104x128xf32, #tpu.memory_space<vmem_shared>>
      %dma_start3A_71 = arith.constant 0 : i32
      %dma_start3A_72 = tpu.memref_slice %arg14[%multiple_of3A_24, %dma_start3A_71] : memref<10000x128xf32, #tpu.memory_space<vmem_shared>> -> memref<104x128xf32, #tpu.memory_space<vmem_shared>>
      %dma_start3A_73 = arith.constant 0 : i32
      %dma_start3A_74 = arith.constant 0 : i32
      %dma_start3A_75 = tpu.memref_slice %arg12[%dma_start3A_73, %dma_start3A_74] : memref<125x128xf32, #tpu.memory_space<vmem>> -> memref<104x128xf32, #tpu.memory_space<vmem>>
      tpu.enqueue_dma source(%dma_start3A_75 : memref<104x128xf32, #tpu.memory_space<vmem>>) target(%dma_start3A_72 : memref<104x128xf32, #tpu.memory_space<vmem_shared>>) target_semaphore(%run_scoped3A : memref<!tpu.dma_semaphore, #tpu.memory_space<semaphore_mem>>)
      %dma_wait3A_76 = arith.constant 0 : i32
      %dma_wait3A_77 = arith.constant 0 : i32
      %dma_wait3A_78 = tpu.memref_slice %arg12[%dma_wait3A_76, %dma_wait3A_77] : memref<125x128xf32, #tpu.memory_space<vmem>> -> memref<104x128xf32, #tpu.memory_space<vmem>>
      %dma_wait3A_79 = arith.constant 0 : i32
      %dma_wait3A_80 = tpu.memref_slice %arg14[%multiple_of3A_24, %dma_wait3A_79] : memref<10000x128xf32, #tpu.memory_space<vmem_shared>> -> memref<104x128xf32, #tpu.memory_space<vmem_shared>>
      %dma_wait3A_81 = arith.constant 0 : i32
      %dma_wait3A_82 = tpu.memref_slice %arg14[%multiple_of3A_24, %dma_wait3A_81] : memref<10000x128xf32, #tpu.memory_space<vmem_shared>> -> memref<104x128xf32, #tpu.memory_space<vmem_shared>>
      %dma_wait3A_83 = arith.constant 0 : i32
      %dma_wait3A_84 = arith.constant 0 : i32
      %dma_wait3A_85 = tpu.memref_slice %arg12[%dma_wait3A_83, %dma_wait3A_84] : memref<125x128xf32, #tpu.memory_space<vmem>> -> memref<104x128xf32, #tpu.memory_space<vmem>>
      tpu.wait_dma2 semaphore(%run_scoped3A : memref<!tpu.dma_semaphore, #tpu.memory_space<semaphore_mem>>) src(%dma_wait3A_85 : memref<104x128xf32, #tpu.memory_space<vmem>>) dst(%dma_wait3A_82 : memref<104x128xf32, #tpu.memory_space<vmem_shared>>)
      tpu.yield
    }) : () -> ()
    %eq3A = arith.constant 15 : i32
    %eq3A_25 = arith.cmpi eq, %arg1, %eq3A : i32
    %convert_element_type3A = arith.extui %eq3A_25 : i1 to i32
    %cond3A = arith.constant 0 : i32
    %cond3A_26 = arith.cmpi ne, %convert_element_type3A, %cond3A : i32
    scf.if %cond3A_26 {
      "tpu.region"() ({
        %run_scoped3A = tpu.sem_alloc : memref<!tpu.dma_semaphore, #tpu.memory_space<semaphore_mem>>
        %dma_start3A_66 = arith.constant 0 : i32
        %dma_start3A_67 = arith.constant 0 : i32
        %dma_start3A_68 = tpu.memref_slice %arg12[%dma_start3A_66, %dma_start3A_67] : memref<125x128xf32, #tpu.memory_space<vmem>> -> memref<16x128xf32, #tpu.memory_space<vmem>>
        %dma_start3A_69 = arith.constant 9984 : i32
        %dma_start3A_70 = arith.constant 0 : i32
        %dma_start3A_71 = tpu.memref_slice %arg14[%dma_start3A_69, %dma_start3A_70] : memref<10000x128xf32, #tpu.memory_space<vmem_shared>> -> memref<16x128xf32, #tpu.memory_space<vmem_shared>>
        %dma_start3A_72 = arith.constant 9984 : i32
        %dma_start3A_73 = arith.constant 0 : i32
        %dma_start3A_74 = tpu.memref_slice %arg14[%dma_start3A_72, %dma_start3A_73] : memref<10000x128xf32, #tpu.memory_space<vmem_shared>> -> memref<16x128xf32, #tpu.memory_space<vmem_shared>>
        %dma_start3A_75 = arith.constant 0 : i32
        %dma_start3A_76 = arith.constant 0 : i32
        %dma_start3A_77 = tpu.memref_slice %arg12[%dma_start3A_75, %dma_start3A_76] : memref<125x128xf32, #tpu.memory_space<vmem>> -> memref<16x128xf32, #tpu.memory_space<vmem>>
        tpu.enqueue_dma source(%dma_start3A_77 : memref<16x128xf32, #tpu.memory_space<vmem>>) target(%dma_start3A_74 : memref<16x128xf32, #tpu.memory_space<vmem_shared>>) target_semaphore(%run_scoped3A : memref<!tpu.dma_semaphore, #tpu.memory_space<semaphore_mem>>)
        %dma_wait3A_78 = arith.constant 0 : i32
        %dma_wait3A_79 = arith.constant 0 : i32
        %dma_wait3A_80 = tpu.memref_slice %arg12[%dma_wait3A_78, %dma_wait3A_79] : memref<125x128xf32, #tpu.memory_space<vmem>> -> memref<16x128xf32, #tpu.memory_space<vmem>>
        %dma_wait3A_81 = arith.constant 9984 : i32
        %dma_wait3A_82 = arith.constant 0 : i32
        %dma_wait3A_83 = tpu.memref_slice %arg14[%dma_wait3A_81, %dma_wait3A_82] : memref<10000x128xf32, #tpu.memory_space<vmem_shared>> -> memref<16x128xf32, #tpu.memory_space<vmem_shared>>
        %dma_wait3A_84 = arith.constant 9984 : i32
        %dma_wait3A_85 = arith.constant 0 : i32
        %dma_wait3A_86 = tpu.memref_slice %arg14[%dma_wait3A_84, %dma_wait3A_85] : memref<10000x128xf32, #tpu.memory_space<vmem_shared>> -> memref<16x128xf32, #tpu.memory_space<vmem_shared>>
        %dma_wait3A_87 = arith.constant 0 : i32
        %dma_wait3A_88 = arith.constant 0 : i32
        %dma_wait3A_89 = tpu.memref_slice %arg12[%dma_wait3A_87, %dma_wait3A_88] : memref<125x128xf32, #tpu.memory_space<vmem>> -> memref<16x128xf32, #tpu.memory_space<vmem>>
        tpu.wait_dma2 semaphore(%run_scoped3A : memref<!tpu.dma_semaphore, #tpu.memory_space<semaphore_mem>>) src(%dma_wait3A_89 : memref<16x128xf32, #tpu.memory_space<vmem>>) dst(%dma_wait3A_86 : memref<16x128xf32, #tpu.memory_space<vmem_shared>>)
        tpu.yield
      }) : () -> ()
    } else {
    }
    %eq3A_27 = arith.constant 0 : i32
    %eq3A_28 = arith.cmpi eq, %arg0, %eq3A_27 : i32
    %convert_element_type3A_29 = arith.extui %eq3A_28 : i1 to i32
    %cond3A_30 = arith.constant 0 : i32
    %cond3A_31 = arith.cmpi ne, %convert_element_type3A_29, %cond3A_30 : i32
    scf.if %cond3A_31 {
      "tpu.region"() ({
        %run_scoped3A = tpu.sem_alloc : memref<!tpu.dma_semaphore, #tpu.memory_space<semaphore_mem>>
        %dma_start3A_66 = arith.constant 0 : i32
        %dma_start3A_67 = tpu.memref_slice %arg3[%mul3A_0, %dma_start3A_66] : memref<1280x125xi32, #tpu.memory_space<hbm>> -> memref<8x125xi32, #tpu.memory_space<hbm>>
        %dma_start3A_68 = arith.constant 0 : i32
        %dma_start3A_69 = tpu.memref_slice %arg3[%mul3A_0, %dma_start3A_68] : memref<1280x125xi32, #tpu.memory_space<hbm>> -> memref<8x125xi32, #tpu.memory_space<hbm>>
        tpu.enqueue_dma source(%dma_start3A_69 : memref<8x125xi32, #tpu.memory_space<hbm>>) target(%arg8 : memref<8x125xi32, #tpu.memory_space<vmem>>) target_semaphore(%run_scoped3A : memref<!tpu.dma_semaphore, #tpu.memory_space<semaphore_mem>>)
        %dma_wait3A_70 = arith.constant 0 : i32
        %dma_wait3A_71 = tpu.memref_slice %arg3[%mul3A_0, %dma_wait3A_70] : memref<1280x125xi32, #tpu.memory_space<hbm>> -> memref<8x125xi32, #tpu.memory_space<hbm>>
        %dma_wait3A_72 = arith.constant 0 : i32
        %dma_wait3A_73 = tpu.memref_slice %arg3[%mul3A_0, %dma_wait3A_72] : memref<1280x125xi32, #tpu.memory_space<hbm>> -> memref<8x125xi32, #tpu.memory_space<hbm>>
        tpu.wait_dma2 semaphore(%run_scoped3A : memref<!tpu.dma_semaphore, #tpu.memory_space<semaphore_mem>>) src(%dma_wait3A_73 : memref<8x125xi32, #tpu.memory_space<hbm>>) dst(%arg8 : memref<8x125xi32, #tpu.memory_space<vmem>>)
        tpu.yield
      }) : () -> ()
    } else {
    }
    %eq3A_32 = arith.constant 1 : i32
    %eq3A_33 = arith.cmpi eq, %arg0, %eq3A_32 : i32
    %convert_element_type3A_34 = arith.extui %eq3A_33 : i1 to i32
    %cond3A_35 = arith.constant 0 : i32
    %cond3A_36 = arith.cmpi ne, %convert_element_type3A_34, %cond3A_35 : i32
    scf.if %cond3A_36 {
      "tpu.region"() ({
        %run_scoped3A = tpu.sem_alloc : memref<!tpu.dma_semaphore, #tpu.memory_space<semaphore_mem>>
        %dma_start3A_66 = arith.constant 0 : i32
        %dma_start3A_67 = tpu.memref_slice %arg4[%mul3A_0, %dma_start3A_66] : memref<1280x125xi32, #tpu.memory_space<hbm>> -> memref<8x125xi32, #tpu.memory_space<hbm>>
        %dma_start3A_68 = arith.constant 0 : i32
        %dma_start3A_69 = tpu.memref_slice %arg4[%mul3A_0, %dma_start3A_68] : memref<1280x125xi32, #tpu.memory_space<hbm>> -> memref<8x125xi32, #tpu.memory_space<hbm>>
        tpu.enqueue_dma source(%dma_start3A_69 : memref<8x125xi32, #tpu.memory_space<hbm>>) target(%arg8 : memref<8x125xi32, #tpu.memory_space<vmem>>) target_semaphore(%run_scoped3A : memref<!tpu.dma_semaphore, #tpu.memory_space<semaphore_mem>>)
        %dma_wait3A_70 = arith.constant 0 : i32
        %dma_wait3A_71 = tpu.memref_slice %arg4[%mul3A_0, %dma_wait3A_70] : memref<1280x125xi32, #tpu.memory_space<hbm>> -> memref<8x125xi32, #tpu.memory_space<hbm>>
        %dma_wait3A_72 = arith.constant 0 : i32
        %dma_wait3A_73 = tpu.memref_slice %arg4[%mul3A_0, %dma_wait3A_72] : memref<1280x125xi32, #tpu.memory_space<hbm>> -> memref<8x125xi32, #tpu.memory_space<hbm>>
        tpu.wait_dma2 semaphore(%run_scoped3A : memref<!tpu.dma_semaphore, #tpu.memory_space<semaphore_mem>>) src(%dma_wait3A_73 : memref<8x125xi32, #tpu.memory_space<hbm>>) dst(%arg8 : memref<8x125xi32, #tpu.memory_space<vmem>>)
        tpu.yield
      }) : () -> ()
    } else {
    }
    "tpu.region"() ({
      %run_scoped3A = tpu.sem_alloc : memref<!tpu.dma_semaphore, #tpu.memory_space<semaphore_mem>>
      %dma_start3A_66 = arith.constant 0 : i32
      %dma_start3A_67 = tpu.memref_slice %arg5[%mul3A_0, %dma_start3A_66] : memref<1280x125xi32, #tpu.memory_space<hbm>> -> memref<8x125xi32, #tpu.memory_space<hbm>>
      %dma_start3A_68 = arith.constant 0 : i32
      %dma_start3A_69 = tpu.memref_slice %arg5[%mul3A_0, %dma_start3A_68] : memref<1280x125xi32, #tpu.memory_space<hbm>> -> memref<8x125xi32, #tpu.memory_space<hbm>>
      tpu.enqueue_dma source(%dma_start3A_69 : memref<8x125xi32, #tpu.memory_space<hbm>>) target(%arg9 : memref<8x125xi32, #tpu.memory_space<vmem>>) target_semaphore(%run_scoped3A : memref<!tpu.dma_semaphore, #tpu.memory_space<semaphore_mem>>)
      %dma_wait3A_70 = arith.constant 0 : i32
      %dma_wait3A_71 = tpu.memref_slice %arg5[%mul3A_0, %dma_wait3A_70] : memref<1280x125xi32, #tpu.memory_space<hbm>> -> memref<8x125xi32, #tpu.memory_space<hbm>>
      %dma_wait3A_72 = arith.constant 0 : i32
      %dma_wait3A_73 = tpu.memref_slice %arg5[%mul3A_0, %dma_wait3A_72] : memref<1280x125xi32, #tpu.memory_space<hbm>> -> memref<8x125xi32, #tpu.memory_space<hbm>>
      tpu.wait_dma2 semaphore(%run_scoped3A : memref<!tpu.dma_semaphore, #tpu.memory_space<semaphore_mem>>) src(%dma_wait3A_73 : memref<8x125xi32, #tpu.memory_space<hbm>>) dst(%arg9 : memref<8x125xi32, #tpu.memory_space<vmem>>)
      tpu.yield
    }) : () -> ()
    %barrier3A = arith.constant 0 : index
    tpu.barrier barrier_id(%barrier3A)
    %dma_start3A = arith.constant 0 : i32
    %dma_start3A_37 = arith.constant 0 : i32
    %dma_start3A_38 = tpu.memref_slice %arg8[%dma_start3A, %dma_start3A_37] : memref<8x125xi32, #tpu.memory_space<vmem>> -> memref<1x125xi32, #tpu.memory_space<vmem>>
    %dma_start3A_39 = tpu.memref_squeeze %dma_start3A_38 : memref<1x125xi32, #tpu.memory_space<vmem>> -> memref<125xi32, #tpu.memory_space<vmem>>
    %dma_start3A_40 = arith.constant 0 : i32
    %dma_start3A_41 = arith.constant 0 : i32
    %dma_start3A_42 = tpu.memref_slice %arg2[%dma_start3A_40, %dma_start3A_41] : memref<20000x128xf32, #tpu.memory_space<hbm>> -> memref<20000x128xf32, #tpu.memory_space<hbm>>
    tpu.enqueue_indirect_dma source(%dma_start3A_42 : memref<20000x128xf32, #tpu.memory_space<hbm>>) target(%arg12 : memref<125x128xf32, #tpu.memory_space<vmem>>) offsets(%dma_start3A_39 : memref<125xi32, #tpu.memory_space<vmem>>) semaphore(%arg15 : memref<!tpu.dma_semaphore, #tpu.memory_space<semaphore_mem>>)
    %scan3A_43 = arith.constant 0 : i32
    %scan3A_44 = arith.constant 0 : i32
    %scan3A_45 = arith.constant 5 : i32
    %scan3A_46 = arith.addi %scan3A_44, %scan3A_45 : i32
    %scan3A_47 = arith.constant 1 : i32
    scf.for %scan3A_66 = %scan3A_44 to %scan3A_46 step %scan3A_47  : i32 {
      %dma_wait3A_67 = arith.constant 0 : i32
      %dma_wait3A_68 = arith.constant 0 : i32
      %dma_wait3A_69 = tpu.memref_slice %arg8[%dma_wait3A_67, %dma_wait3A_68] : memref<8x125xi32, #tpu.memory_space<vmem>> -> memref<1x125xi32, #tpu.memory_space<vmem>>
      %dma_wait3A_70 = tpu.memref_squeeze %dma_wait3A_69 : memref<1x125xi32, #tpu.memory_space<vmem>> -> memref<125xi32, #tpu.memory_space<vmem>>
      %dma_wait3A_71 = arith.constant 0 : i32
      %dma_wait3A_72 = arith.constant 0 : i32
      %dma_wait3A_73 = tpu.memref_slice %arg2[%dma_wait3A_71, %dma_wait3A_72] : memref<20000x128xf32, #tpu.memory_space<hbm>> -> memref<20000x128xf32, #tpu.memory_space<hbm>>
      tpu.wait_indirect_dma semaphore(%arg15 : memref<!tpu.dma_semaphore, #tpu.memory_space<semaphore_mem>>) src(%dma_wait3A_73 : memref<20000x128xf32, #tpu.memory_space<hbm>>) dst(%arg12 : memref<125x128xf32, #tpu.memory_space<vmem>>)
      %gt3A = arith.constant 0 : i32
      %gt3A_74 = arith.cmpi sgt, %scan3A_66, %gt3A : i32
      %convert_element_type3A_75 = arith.extui %gt3A_74 : i1 to i32
      %cond3A_76 = arith.constant 0 : i32
      %cond3A_77 = arith.cmpi ne, %convert_element_type3A_75, %cond3A_76 : i32
      scf.if %cond3A_77 {
        %dma_wait3A_544 = arith.constant 7 : i32
        %dma_wait3A_545 = arith.constant 0 : i32
        %dma_wait3A_546 = tpu.memref_slice %arg11[%dma_wait3A_544, %dma_wait3A_545] : memref<8x125xi32, #tpu.memory_space<vmem>> -> memref<1x125xi32, #tpu.memory_space<vmem>>
        %dma_wait3A_547 = tpu.memref_squeeze %dma_wait3A_546 : memref<1x125xi32, #tpu.memory_space<vmem>> -> memref<125xi32, #tpu.memory_space<vmem>>
        %dma_wait3A_548 = arith.constant 0 : i32
        %dma_wait3A_549 = arith.constant 0 : i32
        %dma_wait3A_550 = tpu.memref_slice %arg14[%dma_wait3A_548, %dma_wait3A_549] : memref<10000x128xf32, #tpu.memory_space<vmem_shared>> -> memref<10000x128xf32, #tpu.memory_space<vmem_shared>>
        tpu.wait_indirect_dma semaphore(%arg18 : memref<!tpu.dma_semaphore, #tpu.memory_space<semaphore_mem>>) src(%arg13 : memref<125x128xf32, #tpu.memory_space<vmem>>) dst(%dma_wait3A_550 : memref<10000x128xf32, #tpu.memory_space<vmem_shared>>)
      } else {
      }
      %mul3A_78 = arith.constant 16 : i32
      %mul3A_79 = arith.muli %scan3A_66, %mul3A_78 : i32
      %add3A_80 = arith.addi %mul3A_0, %mul3A_79 : i32
      %add3A_81 = arith.constant 8 : i32
      %add3A_82 = arith.addi %add3A_80, %add3A_81 : i32
      %multiple_of3A_83 = tpu.assume_multiple %add3A_82, 8 : i32
      %eq3A_84 = arith.constant 0 : i32
      %eq3A_85 = arith.cmpi eq, %arg0, %eq3A_84 : i32
      %convert_element_type3A_86 = arith.extui %eq3A_85 : i1 to i32
      %cond3A_87 = arith.constant 0 : i32
      %cond3A_88 = arith.cmpi ne, %convert_element_type3A_86, %cond3A_87 : i32
      scf.if %cond3A_88 {
        %dma_start3A_544 = arith.constant 0 : i32
        %dma_start3A_545 = tpu.memref_slice %arg3[%multiple_of3A_83, %dma_start3A_544] : memref<1280x125xi32, #tpu.memory_space<hbm>> -> memref<8x125xi32, #tpu.memory_space<hbm>>
        %dma_start3A_546 = arith.constant 0 : i32
        %dma_start3A_547 = tpu.memref_slice %arg3[%multiple_of3A_83, %dma_start3A_546] : memref<1280x125xi32, #tpu.memory_space<hbm>> -> memref<8x125xi32, #tpu.memory_space<hbm>>
        tpu.enqueue_dma source(%dma_start3A_547 : memref<8x125xi32, #tpu.memory_space<hbm>>) target(%arg10 : memref<8x125xi32, #tpu.memory_space<vmem>>) target_semaphore(%arg19 : memref<!tpu.dma_semaphore, #tpu.memory_space<semaphore_mem>>)
      } else {
      }
      %eq3A_89 = arith.constant 1 : i32
      %eq3A_90 = arith.cmpi eq, %arg0, %eq3A_89 : i32
      %convert_element_type3A_91 = arith.extui %eq3A_90 : i1 to i32
      %cond3A_92 = arith.constant 0 : i32
      %cond3A_93 = arith.cmpi ne, %convert_element_type3A_91, %cond3A_92 : i32
      scf.if %cond3A_93 {
        %dma_start3A_544 = arith.constant 0 : i32
        %dma_start3A_545 = tpu.memref_slice %arg4[%multiple_of3A_83, %dma_start3A_544] : memref<1280x125xi32, #tpu.memory_space<hbm>> -> memref<8x125xi32, #tpu.memory_space<hbm>>
        %dma_start3A_546 = arith.constant 0 : i32
        %dma_start3A_547 = tpu.memref_slice %arg4[%multiple_of3A_83, %dma_start3A_546] : memref<1280x125xi32, #tpu.memory_space<hbm>> -> memref<8x125xi32, #tpu.memory_space<hbm>>
        tpu.enqueue_dma source(%dma_start3A_547 : memref<8x125xi32, #tpu.memory_space<hbm>>) target(%arg10 : memref<8x125xi32, #tpu.memory_space<vmem>>) target_semaphore(%arg19 : memref<!tpu.dma_semaphore, #tpu.memory_space<semaphore_mem>>)
      } else {
      }
      %dma_start3A_94 = arith.constant 0 : i32
      %dma_start3A_95 = tpu.memref_slice %arg5[%multiple_of3A_83, %dma_start3A_94] : memref<1280x125xi32, #tpu.memory_space<hbm>> -> memref<8x125xi32, #tpu.memory_space<hbm>>
      %dma_start3A_96 = arith.constant 0 : i32
      %dma_start3A_97 = tpu.memref_slice %arg5[%multiple_of3A_83, %dma_start3A_96] : memref<1280x125xi32, #tpu.memory_space<hbm>> -> memref<8x125xi32, #tpu.memory_space<hbm>>
      tpu.enqueue_dma source(%dma_start3A_97 : memref<8x125xi32, #tpu.memory_space<hbm>>) target(%arg11 : memref<8x125xi32, #tpu.memory_space<vmem>>) target_semaphore(%arg19 : memref<!tpu.dma_semaphore, #tpu.memory_space<semaphore_mem>>)
      %dma_start3A_98 = arith.constant 1 : i32
      %dma_start3A_99 = arith.constant 0 : i32
      %dma_start3A_100 = tpu.memref_slice %arg8[%dma_start3A_98, %dma_start3A_99] : memref<8x125xi32, #tpu.memory_space<vmem>> -> memref<1x125xi32, #tpu.memory_space<vmem>>
      %dma_start3A_101 = tpu.memref_squeeze %dma_start3A_100 : memref<1x125xi32, #tpu.memory_space<vmem>> -> memref<125xi32, #tpu.memory_space<vmem>>
      %dma_start3A_102 = arith.constant 0 : i32
      %dma_start3A_103 = arith.constant 0 : i32
      %dma_start3A_104 = tpu.memref_slice %arg2[%dma_start3A_102, %dma_start3A_103] : memref<20000x128xf32, #tpu.memory_space<hbm>> -> memref<20000x128xf32, #tpu.memory_space<hbm>>
      tpu.enqueue_indirect_dma source(%dma_start3A_104 : memref<20000x128xf32, #tpu.memory_space<hbm>>) target(%arg13 : memref<125x128xf32, #tpu.memory_space<vmem>>) offsets(%dma_start3A_101 : memref<125xi32, #tpu.memory_space<vmem>>) semaphore(%arg16 : memref<!tpu.dma_semaphore, #tpu.memory_space<semaphore_mem>>)
      %dma_start3A_105 = arith.constant 0 : i32
      %dma_start3A_106 = arith.constant 0 : i32
      %dma_start3A_107 = tpu.memref_slice %arg9[%dma_start3A_105, %dma_start3A_106] : memref<8x125xi32, #tpu.memory_space<vmem>> -> memref<1x125xi32, #tpu.memory_space<vmem>>
      %dma_start3A_108 = tpu.memref_squeeze %dma_start3A_107 : memref<1x125xi32, #tpu.memory_space<vmem>> -> memref<125xi32, #tpu.memory_space<vmem>>
      %dma_start3A_109 = arith.constant 0 : i32
      %dma_start3A_110 = arith.constant 0 : i32
      %dma_start3A_111 = tpu.memref_slice %arg14[%dma_start3A_109, %dma_start3A_110] : memref<10000x128xf32, #tpu.memory_space<vmem_shared>> -> memref<10000x128xf32, #tpu.memory_space<vmem_shared>>
      tpu.enqueue_indirect_dma source(%arg12 : memref<125x128xf32, #tpu.memory_space<vmem>>) target(%dma_start3A_111 : memref<10000x128xf32, #tpu.memory_space<vmem_shared>>) offsets(%dma_start3A_108 : memref<125xi32, #tpu.memory_space<vmem>>) semaphore(%arg17 : memref<!tpu.dma_semaphore, #tpu.memory_space<semaphore_mem>>) {add = true}
      %dma_wait3A_112 = arith.constant 1 : i32
      %dma_wait3A_113 = arith.constant 0 : i32
      %dma_wait3A_114 = tpu.memref_slice %arg8[%dma_wait3A_112, %dma_wait3A_113] : memref<8x125xi32, #tpu.memory_space<vmem>> -> memref<1x125xi32, #tpu.memory_space<vmem>>
      %dma_wait3A_115 = tpu.memref_squeeze %dma_wait3A_114 : memref<1x125xi32, #tpu.memory_space<vmem>> -> memref<125xi32, #tpu.memory_space<vmem>>
      %dma_wait3A_116 = arith.constant 0 : i32
      %dma_wait3A_117 = arith.constant 0 : i32
      %dma_wait3A_118 = tpu.memref_slice %arg2[%dma_wait3A_116, %dma_wait3A_117] : memref<20000x128xf32, #tpu.memory_space<hbm>> -> memref<20000x128xf32, #tpu.memory_space<hbm>>
      tpu.wait_indirect_dma semaphore(%arg16 : memref<!tpu.dma_semaphore, #tpu.memory_space<semaphore_mem>>) src(%dma_wait3A_118 : memref<20000x128xf32, #tpu.memory_space<hbm>>) dst(%arg13 : memref<125x128xf32, #tpu.memory_space<vmem>>)
      %dma_wait3A_119 = arith.constant 0 : i32
      %dma_wait3A_120 = arith.constant 0 : i32
      %dma_wait3A_121 = tpu.memref_slice %arg9[%dma_wait3A_119, %dma_wait3A_120] : memref<8x125xi32, #tpu.memory_space<vmem>> -> memref<1x125xi32, #tpu.memory_space<vmem>>
      %dma_wait3A_122 = tpu.memref_squeeze %dma_wait3A_121 : memref<1x125xi32, #tpu.memory_space<vmem>> -> memref<125xi32, #tpu.memory_space<vmem>>
      %dma_wait3A_123 = arith.constant 0 : i32
      %dma_wait3A_124 = arith.constant 0 : i32
      %dma_wait3A_125 = tpu.memref_slice %arg14[%dma_wait3A_123, %dma_wait3A_124] : memref<10000x128xf32, #tpu.memory_space<vmem_shared>> -> memref<10000x128xf32, #tpu.memory_space<vmem_shared>>
      tpu.wait_indirect_dma semaphore(%arg17 : memref<!tpu.dma_semaphore, #tpu.memory_space<semaphore_mem>>) src(%arg12 : memref<125x128xf32, #tpu.memory_space<vmem>>) dst(%dma_wait3A_125 : memref<10000x128xf32, #tpu.memory_space<vmem_shared>>)
      %dma_start3A_126 = arith.constant 2 : i32
      %dma_start3A_127 = arith.constant 0 : i32
      %dma_start3A_128 = tpu.memref_slice %arg8[%dma_start3A_126, %dma_start3A_127] : memref<8x125xi32, #tpu.memory_space<vmem>> -> memref<1x125xi32, #tpu.memory_space<vmem>>
      %dma_start3A_129 = tpu.memref_squeeze %dma_start3A_128 : memref<1x125xi32, #tpu.memory_space<vmem>> -> memref<125xi32, #tpu.memory_space<vmem>>
      %dma_start3A_130 = arith.constant 0 : i32
      %dma_start3A_131 = arith.constant 0 : i32
      %dma_start3A_132 = tpu.memref_slice %arg2[%dma_start3A_130, %dma_start3A_131] : memref<20000x128xf32, #tpu.memory_space<hbm>> -> memref<20000x128xf32, #tpu.memory_space<hbm>>
      tpu.enqueue_indirect_dma source(%dma_start3A_132 : memref<20000x128xf32, #tpu.memory_space<hbm>>) target(%arg12 : memref<125x128xf32, #tpu.memory_space<vmem>>) offsets(%dma_start3A_129 : memref<125xi32, #tpu.memory_space<vmem>>) semaphore(%arg15 : memref<!tpu.dma_semaphore, #tpu.memory_space<semaphore_mem>>)
      %dma_start3A_133 = arith.constant 1 : i32
      %dma_start3A_134 = arith.constant 0 : i32
      %dma_start3A_135 = tpu.memref_slice %arg9[%dma_start3A_133, %dma_start3A_134] : memref<8x125xi32, #tpu.memory_space<vmem>> -> memref<1x125xi32, #tpu.memory_space<vmem>>
      %dma_start3A_136 = tpu.memref_squeeze %dma_start3A_135 : memref<1x125xi32, #tpu.memory_space<vmem>> -> memref<125xi32, #tpu.memory_space<vmem>>
      %dma_start3A_137 = arith.constant 0 : i32
      %dma_start3A_138 = arith.constant 0 : i32
      %dma_start3A_139 = tpu.memref_slice %arg14[%dma_start3A_137, %dma_start3A_138] : memref<10000x128xf32, #tpu.memory_space<vmem_shared>> -> memref<10000x128xf32, #tpu.memory_space<vmem_shared>>
      tpu.enqueue_indirect_dma source(%arg13 : memref<125x128xf32, #tpu.memory_space<vmem>>) target(%dma_start3A_139 : memref<10000x128xf32, #tpu.memory_space<vmem_shared>>) offsets(%dma_start3A_136 : memref<125xi32, #tpu.memory_space<vmem>>) semaphore(%arg18 : memref<!tpu.dma_semaphore, #tpu.memory_space<semaphore_mem>>) {add = true}
      %dma_wait3A_140 = arith.constant 2 : i32
      %dma_wait3A_141 = arith.constant 0 : i32
      %dma_wait3A_142 = tpu.memref_slice %arg8[%dma_wait3A_140, %dma_wait3A_141] : memref<8x125xi32, #tpu.memory_space<vmem>> -> memref<1x125xi32, #tpu.memory_space<vmem>>
      %dma_wait3A_143 = tpu.memref_squeeze %dma_wait3A_142 : memref<1x125xi32, #tpu.memory_space<vmem>> -> memref<125xi32, #tpu.memory_space<vmem>>
      %dma_wait3A_144 = arith.constant 0 : i32
      %dma_wait3A_145 = arith.constant 0 : i32
      %dma_wait3A_146 = tpu.memref_slice %arg2[%dma_wait3A_144, %dma_wait3A_145] : memref<20000x128xf32, #tpu.memory_space<hbm>> -> memref<20000x128xf32, #tpu.memory_space<hbm>>
      tpu.wait_indirect_dma semaphore(%arg15 : memref<!tpu.dma_semaphore, #tpu.memory_space<semaphore_mem>>) src(%dma_wait3A_146 : memref<20000x128xf32, #tpu.memory_space<hbm>>) dst(%arg12 : memref<125x128xf32, #tpu.memory_space<vmem>>)
      %dma_wait3A_147 = arith.constant 1 : i32
      %dma_wait3A_148 = arith.constant 0 : i32
      %dma_wait3A_149 = tpu.memref_slice %arg9[%dma_wait3A_147, %dma_wait3A_148] : memref<8x125xi32, #tpu.memory_space<vmem>> -> memref<1x125xi32, #tpu.memory_space<vmem>>
      %dma_wait3A_150 = tpu.memref_squeeze %dma_wait3A_149 : memref<1x125xi32, #tpu.memory_space<vmem>> -> memref<125xi32, #tpu.memory_space<vmem>>
      %dma_wait3A_151 = arith.constant 0 : i32
      %dma_wait3A_152 = arith.constant 0 : i32
      %dma_wait3A_153 = tpu.memref_slice %arg14[%dma_wait3A_151, %dma_wait3A_152] : memref<10000x128xf32, #tpu.memory_space<vmem_shared>> -> memref<10000x128xf32, #tpu.memory_space<vmem_shared>>
      tpu.wait_indirect_dma semaphore(%arg18 : memref<!tpu.dma_semaphore, #tpu.memory_space<semaphore_mem>>) src(%arg13 : memref<125x128xf32, #tpu.memory_space<vmem>>) dst(%dma_wait3A_153 : memref<10000x128xf32, #tpu.memory_space<vmem_shared>>)
      %dma_start3A_154 = arith.constant 3 : i32
      %dma_start3A_155 = arith.constant 0 : i32
      %dma_start3A_156 = tpu.memref_slice %arg8[%dma_start3A_154, %dma_start3A_155] : memref<8x125xi32, #tpu.memory_space<vmem>> -> memref<1x125xi32, #tpu.memory_space<vmem>>
      %dma_start3A_157 = tpu.memref_squeeze %dma_start3A_156 : memref<1x125xi32, #tpu.memory_space<vmem>> -> memref<125xi32, #tpu.memory_space<vmem>>
      %dma_start3A_158 = arith.constant 0 : i32
      %dma_start3A_159 = arith.constant 0 : i32
      %dma_start3A_160 = tpu.memref_slice %arg2[%dma_start3A_158, %dma_start3A_159] : memref<20000x128xf32, #tpu.memory_space<hbm>> -> memref<20000x128xf32, #tpu.memory_space<hbm>>
      tpu.enqueue_indirect_dma source(%dma_start3A_160 : memref<20000x128xf32, #tpu.memory_space<hbm>>) target(%arg13 : memref<125x128xf32, #tpu.memory_space<vmem>>) offsets(%dma_start3A_157 : memref<125xi32, #tpu.memory_space<vmem>>) semaphore(%arg16 : memref<!tpu.dma_semaphore, #tpu.memory_space<semaphore_mem>>)
      %dma_start3A_161 = arith.constant 2 : i32
      %dma_start3A_162 = arith.constant 0 : i32
      %dma_start3A_163 = tpu.memref_slice %arg9[%dma_start3A_161, %dma_start3A_162] : memref<8x125xi32, #tpu.memory_space<vmem>> -> memref<1x125xi32, #tpu.memory_space<vmem>>
      %dma_start3A_164 = tpu.memref_squeeze %dma_start3A_163 : memref<1x125xi32, #tpu.memory_space<vmem>> -> memref<125xi32, #tpu.memory_space<vmem>>
      %dma_start3A_165 = arith.constant 0 : i32
      %dma_start3A_166 = arith.constant 0 : i32
      %dma_start3A_167 = tpu.memref_slice %arg14[%dma_start3A_165, %dma_start3A_166] : memref<10000x128xf32, #tpu.memory_space<vmem_shared>> -> memref<10000x128xf32, #tpu.memory_space<vmem_shared>>
      tpu.enqueue_indirect_dma source(%arg12 : memref<125x128xf32, #tpu.memory_space<vmem>>) target(%dma_start3A_167 : memref<10000x128xf32, #tpu.memory_space<vmem_shared>>) offsets(%dma_start3A_164 : memref<125xi32, #tpu.memory_space<vmem>>) semaphore(%arg17 : memref<!tpu.dma_semaphore, #tpu.memory_space<semaphore_mem>>) {add = true}
      %dma_wait3A_168 = arith.constant 3 : i32
      %dma_wait3A_169 = arith.constant 0 : i32
      %dma_wait3A_170 = tpu.memref_slice %arg8[%dma_wait3A_168, %dma_wait3A_169] : memref<8x125xi32, #tpu.memory_space<vmem>> -> memref<1x125xi32, #tpu.memory_space<vmem>>
      %dma_wait3A_171 = tpu.memref_squeeze %dma_wait3A_170 : memref<1x125xi32, #tpu.memory_space<vmem>> -> memref<125xi32, #tpu.memory_space<vmem>>
      %dma_wait3A_172 = arith.constant 0 : i32
      %dma_wait3A_173 = arith.constant 0 : i32
      %dma_wait3A_174 = tpu.memref_slice %arg2[%dma_wait3A_172, %dma_wait3A_173] : memref<20000x128xf32, #tpu.memory_space<hbm>> -> memref<20000x128xf32, #tpu.memory_space<hbm>>
      tpu.wait_indirect_dma semaphore(%arg16 : memref<!tpu.dma_semaphore, #tpu.memory_space<semaphore_mem>>) src(%dma_wait3A_174 : memref<20000x128xf32, #tpu.memory_space<hbm>>) dst(%arg13 : memref<125x128xf32, #tpu.memory_space<vmem>>)
      %dma_wait3A_175 = arith.constant 2 : i32
      %dma_wait3A_176 = arith.constant 0 : i32
      %dma_wait3A_177 = tpu.memref_slice %arg9[%dma_wait3A_175, %dma_wait3A_176] : memref<8x125xi32, #tpu.memory_space<vmem>> -> memref<1x125xi32, #tpu.memory_space<vmem>>
      %dma_wait3A_178 = tpu.memref_squeeze %dma_wait3A_177 : memref<1x125xi32, #tpu.memory_space<vmem>> -> memref<125xi32, #tpu.memory_space<vmem>>
      %dma_wait3A_179 = arith.constant 0 : i32
      %dma_wait3A_180 = arith.constant 0 : i32
      %dma_wait3A_181 = tpu.memref_slice %arg14[%dma_wait3A_179, %dma_wait3A_180] : memref<10000x128xf32, #tpu.memory_space<vmem_shared>> -> memref<10000x128xf32, #tpu.memory_space<vmem_shared>>
      tpu.wait_indirect_dma semaphore(%arg17 : memref<!tpu.dma_semaphore, #tpu.memory_space<semaphore_mem>>) src(%arg12 : memref<125x128xf32, #tpu.memory_space<vmem>>) dst(%dma_wait3A_181 : memref<10000x128xf32, #tpu.memory_space<vmem_shared>>)
      %dma_start3A_182 = arith.constant 4 : i32
      %dma_start3A_183 = arith.constant 0 : i32
      %dma_start3A_184 = tpu.memref_slice %arg8[%dma_start3A_182, %dma_start3A_183] : memref<8x125xi32, #tpu.memory_space<vmem>> -> memref<1x125xi32, #tpu.memory_space<vmem>>
      %dma_start3A_185 = tpu.memref_squeeze %dma_start3A_184 : memref<1x125xi32, #tpu.memory_space<vmem>> -> memref<125xi32, #tpu.memory_space<vmem>>
      %dma_start3A_186 = arith.constant 0 : i32
      %dma_start3A_187 = arith.constant 0 : i32
      %dma_start3A_188 = tpu.memref_slice %arg2[%dma_start3A_186, %dma_start3A_187] : memref<20000x128xf32, #tpu.memory_space<hbm>> -> memref<20000x128xf32, #tpu.memory_space<hbm>>
      tpu.enqueue_indirect_dma source(%dma_start3A_188 : memref<20000x128xf32, #tpu.memory_space<hbm>>) target(%arg12 : memref<125x128xf32, #tpu.memory_space<vmem>>) offsets(%dma_start3A_185 : memref<125xi32, #tpu.memory_space<vmem>>) semaphore(%arg15 : memref<!tpu.dma_semaphore, #tpu.memory_space<semaphore_mem>>)
      %dma_start3A_189 = arith.constant 3 : i32
      %dma_start3A_190 = arith.constant 0 : i32
      %dma_start3A_191 = tpu.memref_slice %arg9[%dma_start3A_189, %dma_start3A_190] : memref<8x125xi32, #tpu.memory_space<vmem>> -> memref<1x125xi32, #tpu.memory_space<vmem>>
      %dma_start3A_192 = tpu.memref_squeeze %dma_start3A_191 : memref<1x125xi32, #tpu.memory_space<vmem>> -> memref<125xi32, #tpu.memory_space<vmem>>
      %dma_start3A_193 = arith.constant 0 : i32
      %dma_start3A_194 = arith.constant 0 : i32
      %dma_start3A_195 = tpu.memref_slice %arg14[%dma_start3A_193, %dma_start3A_194] : memref<10000x128xf32, #tpu.memory_space<vmem_shared>> -> memref<10000x128xf32, #tpu.memory_space<vmem_shared>>
      tpu.enqueue_indirect_dma source(%arg13 : memref<125x128xf32, #tpu.memory_space<vmem>>) target(%dma_start3A_195 : memref<10000x128xf32, #tpu.memory_space<vmem_shared>>) offsets(%dma_start3A_192 : memref<125xi32, #tpu.memory_space<vmem>>) semaphore(%arg18 : memref<!tpu.dma_semaphore, #tpu.memory_space<semaphore_mem>>) {add = true}
      %dma_wait3A_196 = arith.constant 4 : i32
      %dma_wait3A_197 = arith.constant 0 : i32
      %dma_wait3A_198 = tpu.memref_slice %arg8[%dma_wait3A_196, %dma_wait3A_197] : memref<8x125xi32, #tpu.memory_space<vmem>> -> memref<1x125xi32, #tpu.memory_space<vmem>>
      %dma_wait3A_199 = tpu.memref_squeeze %dma_wait3A_198 : memref<1x125xi32, #tpu.memory_space<vmem>> -> memref<125xi32, #tpu.memory_space<vmem>>
      %dma_wait3A_200 = arith.constant 0 : i32
      %dma_wait3A_201 = arith.constant 0 : i32
      %dma_wait3A_202 = tpu.memref_slice %arg2[%dma_wait3A_200, %dma_wait3A_201] : memref<20000x128xf32, #tpu.memory_space<hbm>> -> memref<20000x128xf32, #tpu.memory_space<hbm>>
      tpu.wait_indirect_dma semaphore(%arg15 : memref<!tpu.dma_semaphore, #tpu.memory_space<semaphore_mem>>) src(%dma_wait3A_202 : memref<20000x128xf32, #tpu.memory_space<hbm>>) dst(%arg12 : memref<125x128xf32, #tpu.memory_space<vmem>>)
      %dma_wait3A_203 = arith.constant 3 : i32
      %dma_wait3A_204 = arith.constant 0 : i32
      %dma_wait3A_205 = tpu.memref_slice %arg9[%dma_wait3A_203, %dma_wait3A_204] : memref<8x125xi32, #tpu.memory_space<vmem>> -> memref<1x125xi32, #tpu.memory_space<vmem>>
      %dma_wait3A_206 = tpu.memref_squeeze %dma_wait3A_205 : memref<1x125xi32, #tpu.memory_space<vmem>> -> memref<125xi32, #tpu.memory_space<vmem>>
      %dma_wait3A_207 = arith.constant 0 : i32
      %dma_wait3A_208 = arith.constant 0 : i32
      %dma_wait3A_209 = tpu.memref_slice %arg14[%dma_wait3A_207, %dma_wait3A_208] : memref<10000x128xf32, #tpu.memory_space<vmem_shared>> -> memref<10000x128xf32, #tpu.memory_space<vmem_shared>>
      tpu.wait_indirect_dma semaphore(%arg18 : memref<!tpu.dma_semaphore, #tpu.memory_space<semaphore_mem>>) src(%arg13 : memref<125x128xf32, #tpu.memory_space<vmem>>) dst(%dma_wait3A_209 : memref<10000x128xf32, #tpu.memory_space<vmem_shared>>)
      %dma_start3A_210 = arith.constant 5 : i32
      %dma_start3A_211 = arith.constant 0 : i32
      %dma_start3A_212 = tpu.memref_slice %arg8[%dma_start3A_210, %dma_start3A_211] : memref<8x125xi32, #tpu.memory_space<vmem>> -> memref<1x125xi32, #tpu.memory_space<vmem>>
      %dma_start3A_213 = tpu.memref_squeeze %dma_start3A_212 : memref<1x125xi32, #tpu.memory_space<vmem>> -> memref<125xi32, #tpu.memory_space<vmem>>
      %dma_start3A_214 = arith.constant 0 : i32
      %dma_start3A_215 = arith.constant 0 : i32
      %dma_start3A_216 = tpu.memref_slice %arg2[%dma_start3A_214, %dma_start3A_215] : memref<20000x128xf32, #tpu.memory_space<hbm>> -> memref<20000x128xf32, #tpu.memory_space<hbm>>
      tpu.enqueue_indirect_dma source(%dma_start3A_216 : memref<20000x128xf32, #tpu.memory_space<hbm>>) target(%arg13 : memref<125x128xf32, #tpu.memory_space<vmem>>) offsets(%dma_start3A_213 : memref<125xi32, #tpu.memory_space<vmem>>) semaphore(%arg16 : memref<!tpu.dma_semaphore, #tpu.memory_space<semaphore_mem>>)
      %dma_start3A_217 = arith.constant 4 : i32
      %dma_start3A_218 = arith.constant 0 : i32
      %dma_start3A_219 = tpu.memref_slice %arg9[%dma_start3A_217, %dma_start3A_218] : memref<8x125xi32, #tpu.memory_space<vmem>> -> memref<1x125xi32, #tpu.memory_space<vmem>>
      %dma_start3A_220 = tpu.memref_squeeze %dma_start3A_219 : memref<1x125xi32, #tpu.memory_space<vmem>> -> memref<125xi32, #tpu.memory_space<vmem>>
      %dma_start3A_221 = arith.constant 0 : i32
      %dma_start3A_222 = arith.constant 0 : i32
      %dma_start3A_223 = tpu.memref_slice %arg14[%dma_start3A_221, %dma_start3A_222] : memref<10000x128xf32, #tpu.memory_space<vmem_shared>> -> memref<10000x128xf32, #tpu.memory_space<vmem_shared>>
      tpu.enqueue_indirect_dma source(%arg12 : memref<125x128xf32, #tpu.memory_space<vmem>>) target(%dma_start3A_223 : memref<10000x128xf32, #tpu.memory_space<vmem_shared>>) offsets(%dma_start3A_220 : memref<125xi32, #tpu.memory_space<vmem>>) semaphore(%arg17 : memref<!tpu.dma_semaphore, #tpu.memory_space<semaphore_mem>>) {add = true}
      %dma_wait3A_224 = arith.constant 5 : i32
      %dma_wait3A_225 = arith.constant 0 : i32
      %dma_wait3A_226 = tpu.memref_slice %arg8[%dma_wait3A_224, %dma_wait3A_225] : memref<8x125xi32, #tpu.memory_space<vmem>> -> memref<1x125xi32, #tpu.memory_space<vmem>>
      %dma_wait3A_227 = tpu.memref_squeeze %dma_wait3A_226 : memref<1x125xi32, #tpu.memory_space<vmem>> -> memref<125xi32, #tpu.memory_space<vmem>>
      %dma_wait3A_228 = arith.constant 0 : i32
      %dma_wait3A_229 = arith.constant 0 : i32
      %dma_wait3A_230 = tpu.memref_slice %arg2[%dma_wait3A_228, %dma_wait3A_229] : memref<20000x128xf32, #tpu.memory_space<hbm>> -> memref<20000x128xf32, #tpu.memory_space<hbm>>
      tpu.wait_indirect_dma semaphore(%arg16 : memref<!tpu.dma_semaphore, #tpu.memory_space<semaphore_mem>>) src(%dma_wait3A_230 : memref<20000x128xf32, #tpu.memory_space<hbm>>) dst(%arg13 : memref<125x128xf32, #tpu.memory_space<vmem>>)
      %dma_wait3A_231 = arith.constant 4 : i32
      %dma_wait3A_232 = arith.constant 0 : i32
      %dma_wait3A_233 = tpu.memref_slice %arg9[%dma_wait3A_231, %dma_wait3A_232] : memref<8x125xi32, #tpu.memory_space<vmem>> -> memref<1x125xi32, #tpu.memory_space<vmem>>
      %dma_wait3A_234 = tpu.memref_squeeze %dma_wait3A_233 : memref<1x125xi32, #tpu.memory_space<vmem>> -> memref<125xi32, #tpu.memory_space<vmem>>
      %dma_wait3A_235 = arith.constant 0 : i32
      %dma_wait3A_236 = arith.constant 0 : i32
      %dma_wait3A_237 = tpu.memref_slice %arg14[%dma_wait3A_235, %dma_wait3A_236] : memref<10000x128xf32, #tpu.memory_space<vmem_shared>> -> memref<10000x128xf32, #tpu.memory_space<vmem_shared>>
      tpu.wait_indirect_dma semaphore(%arg17 : memref<!tpu.dma_semaphore, #tpu.memory_space<semaphore_mem>>) src(%arg12 : memref<125x128xf32, #tpu.memory_space<vmem>>) dst(%dma_wait3A_237 : memref<10000x128xf32, #tpu.memory_space<vmem_shared>>)
      %dma_start3A_238 = arith.constant 6 : i32
      %dma_start3A_239 = arith.constant 0 : i32
      %dma_start3A_240 = tpu.memref_slice %arg8[%dma_start3A_238, %dma_start3A_239] : memref<8x125xi32, #tpu.memory_space<vmem>> -> memref<1x125xi32, #tpu.memory_space<vmem>>
      %dma_start3A_241 = tpu.memref_squeeze %dma_start3A_240 : memref<1x125xi32, #tpu.memory_space<vmem>> -> memref<125xi32, #tpu.memory_space<vmem>>
      %dma_start3A_242 = arith.constant 0 : i32
      %dma_start3A_243 = arith.constant 0 : i32
      %dma_start3A_244 = tpu.memref_slice %arg2[%dma_start3A_242, %dma_start3A_243] : memref<20000x128xf32, #tpu.memory_space<hbm>> -> memref<20000x128xf32, #tpu.memory_space<hbm>>
      tpu.enqueue_indirect_dma source(%dma_start3A_244 : memref<20000x128xf32, #tpu.memory_space<hbm>>) target(%arg12 : memref<125x128xf32, #tpu.memory_space<vmem>>) offsets(%dma_start3A_241 : memref<125xi32, #tpu.memory_space<vmem>>) semaphore(%arg15 : memref<!tpu.dma_semaphore, #tpu.memory_space<semaphore_mem>>)
      %dma_start3A_245 = arith.constant 5 : i32
      %dma_start3A_246 = arith.constant 0 : i32
      %dma_start3A_247 = tpu.memref_slice %arg9[%dma_start3A_245, %dma_start3A_246] : memref<8x125xi32, #tpu.memory_space<vmem>> -> memref<1x125xi32, #tpu.memory_space<vmem>>
      %dma_start3A_248 = tpu.memref_squeeze %dma_start3A_247 : memref<1x125xi32, #tpu.memory_space<vmem>> -> memref<125xi32, #tpu.memory_space<vmem>>
      %dma_start3A_249 = arith.constant 0 : i32
      %dma_start3A_250 = arith.constant 0 : i32
      %dma_start3A_251 = tpu.memref_slice %arg14[%dma_start3A_249, %dma_start3A_250] : memref<10000x128xf32, #tpu.memory_space<vmem_shared>> -> memref<10000x128xf32, #tpu.memory_space<vmem_shared>>
      tpu.enqueue_indirect_dma source(%arg13 : memref<125x128xf32, #tpu.memory_space<vmem>>) target(%dma_start3A_251 : memref<10000x128xf32, #tpu.memory_space<vmem_shared>>) offsets(%dma_start3A_248 : memref<125xi32, #tpu.memory_space<vmem>>) semaphore(%arg18 : memref<!tpu.dma_semaphore, #tpu.memory_space<semaphore_mem>>) {add = true}
      %dma_wait3A_252 = arith.constant 6 : i32
      %dma_wait3A_253 = arith.constant 0 : i32
      %dma_wait3A_254 = tpu.memref_slice %arg8[%dma_wait3A_252, %dma_wait3A_253] : memref<8x125xi32, #tpu.memory_space<vmem>> -> memref<1x125xi32, #tpu.memory_space<vmem>>
      %dma_wait3A_255 = tpu.memref_squeeze %dma_wait3A_254 : memref<1x125xi32, #tpu.memory_space<vmem>> -> memref<125xi32, #tpu.memory_space<vmem>>
      %dma_wait3A_256 = arith.constant 0 : i32
      %dma_wait3A_257 = arith.constant 0 : i32
      %dma_wait3A_258 = tpu.memref_slice %arg2[%dma_wait3A_256, %dma_wait3A_257] : memref<20000x128xf32, #tpu.memory_space<hbm>> -> memref<20000x128xf32, #tpu.memory_space<hbm>>
      tpu.wait_indirect_dma semaphore(%arg15 : memref<!tpu.dma_semaphore, #tpu.memory_space<semaphore_mem>>) src(%dma_wait3A_258 : memref<20000x128xf32, #tpu.memory_space<hbm>>) dst(%arg12 : memref<125x128xf32, #tpu.memory_space<vmem>>)
      %dma_wait3A_259 = arith.constant 5 : i32
      %dma_wait3A_260 = arith.constant 0 : i32
      %dma_wait3A_261 = tpu.memref_slice %arg9[%dma_wait3A_259, %dma_wait3A_260] : memref<8x125xi32, #tpu.memory_space<vmem>> -> memref<1x125xi32, #tpu.memory_space<vmem>>
      %dma_wait3A_262 = tpu.memref_squeeze %dma_wait3A_261 : memref<1x125xi32, #tpu.memory_space<vmem>> -> memref<125xi32, #tpu.memory_space<vmem>>
      %dma_wait3A_263 = arith.constant 0 : i32
      %dma_wait3A_264 = arith.constant 0 : i32
      %dma_wait3A_265 = tpu.memref_slice %arg14[%dma_wait3A_263, %dma_wait3A_264] : memref<10000x128xf32, #tpu.memory_space<vmem_shared>> -> memref<10000x128xf32, #tpu.memory_space<vmem_shared>>
      tpu.wait_indirect_dma semaphore(%arg18 : memref<!tpu.dma_semaphore, #tpu.memory_space<semaphore_mem>>) src(%arg13 : memref<125x128xf32, #tpu.memory_space<vmem>>) dst(%dma_wait3A_265 : memref<10000x128xf32, #tpu.memory_space<vmem_shared>>)
      %dma_start3A_266 = arith.constant 7 : i32
      %dma_start3A_267 = arith.constant 0 : i32
      %dma_start3A_268 = tpu.memref_slice %arg8[%dma_start3A_266, %dma_start3A_267] : memref<8x125xi32, #tpu.memory_space<vmem>> -> memref<1x125xi32, #tpu.memory_space<vmem>>
      %dma_start3A_269 = tpu.memref_squeeze %dma_start3A_268 : memref<1x125xi32, #tpu.memory_space<vmem>> -> memref<125xi32, #tpu.memory_space<vmem>>
      %dma_start3A_270 = arith.constant 0 : i32
      %dma_start3A_271 = arith.constant 0 : i32
      %dma_start3A_272 = tpu.memref_slice %arg2[%dma_start3A_270, %dma_start3A_271] : memref<20000x128xf32, #tpu.memory_space<hbm>> -> memref<20000x128xf32, #tpu.memory_space<hbm>>
      tpu.enqueue_indirect_dma source(%dma_start3A_272 : memref<20000x128xf32, #tpu.memory_space<hbm>>) target(%arg13 : memref<125x128xf32, #tpu.memory_space<vmem>>) offsets(%dma_start3A_269 : memref<125xi32, #tpu.memory_space<vmem>>) semaphore(%arg16 : memref<!tpu.dma_semaphore, #tpu.memory_space<semaphore_mem>>)
      %dma_start3A_273 = arith.constant 6 : i32
      %dma_start3A_274 = arith.constant 0 : i32
      %dma_start3A_275 = tpu.memref_slice %arg9[%dma_start3A_273, %dma_start3A_274] : memref<8x125xi32, #tpu.memory_space<vmem>> -> memref<1x125xi32, #tpu.memory_space<vmem>>
      %dma_start3A_276 = tpu.memref_squeeze %dma_start3A_275 : memref<1x125xi32, #tpu.memory_space<vmem>> -> memref<125xi32, #tpu.memory_space<vmem>>
      %dma_start3A_277 = arith.constant 0 : i32
      %dma_start3A_278 = arith.constant 0 : i32
      %dma_start3A_279 = tpu.memref_slice %arg14[%dma_start3A_277, %dma_start3A_278] : memref<10000x128xf32, #tpu.memory_space<vmem_shared>> -> memref<10000x128xf32, #tpu.memory_space<vmem_shared>>
      tpu.enqueue_indirect_dma source(%arg12 : memref<125x128xf32, #tpu.memory_space<vmem>>) target(%dma_start3A_279 : memref<10000x128xf32, #tpu.memory_space<vmem_shared>>) offsets(%dma_start3A_276 : memref<125xi32, #tpu.memory_space<vmem>>) semaphore(%arg17 : memref<!tpu.dma_semaphore, #tpu.memory_space<semaphore_mem>>) {add = true}
      %dma_wait3A_280 = arith.constant 7 : i32
      %dma_wait3A_281 = arith.constant 0 : i32
      %dma_wait3A_282 = tpu.memref_slice %arg8[%dma_wait3A_280, %dma_wait3A_281] : memref<8x125xi32, #tpu.memory_space<vmem>> -> memref<1x125xi32, #tpu.memory_space<vmem>>
      %dma_wait3A_283 = tpu.memref_squeeze %dma_wait3A_282 : memref<1x125xi32, #tpu.memory_space<vmem>> -> memref<125xi32, #tpu.memory_space<vmem>>
      %dma_wait3A_284 = arith.constant 0 : i32
      %dma_wait3A_285 = arith.constant 0 : i32
      %dma_wait3A_286 = tpu.memref_slice %arg2[%dma_wait3A_284, %dma_wait3A_285] : memref<20000x128xf32, #tpu.memory_space<hbm>> -> memref<20000x128xf32, #tpu.memory_space<hbm>>
      tpu.wait_indirect_dma semaphore(%arg16 : memref<!tpu.dma_semaphore, #tpu.memory_space<semaphore_mem>>) src(%dma_wait3A_286 : memref<20000x128xf32, #tpu.memory_space<hbm>>) dst(%arg13 : memref<125x128xf32, #tpu.memory_space<vmem>>)
      %dma_wait3A_287 = arith.constant 6 : i32
      %dma_wait3A_288 = arith.constant 0 : i32
      %dma_wait3A_289 = tpu.memref_slice %arg9[%dma_wait3A_287, %dma_wait3A_288] : memref<8x125xi32, #tpu.memory_space<vmem>> -> memref<1x125xi32, #tpu.memory_space<vmem>>
      %dma_wait3A_290 = tpu.memref_squeeze %dma_wait3A_289 : memref<1x125xi32, #tpu.memory_space<vmem>> -> memref<125xi32, #tpu.memory_space<vmem>>
      %dma_wait3A_291 = arith.constant 0 : i32
      %dma_wait3A_292 = arith.constant 0 : i32
      %dma_wait3A_293 = tpu.memref_slice %arg14[%dma_wait3A_291, %dma_wait3A_292] : memref<10000x128xf32, #tpu.memory_space<vmem_shared>> -> memref<10000x128xf32, #tpu.memory_space<vmem_shared>>
      tpu.wait_indirect_dma semaphore(%arg17 : memref<!tpu.dma_semaphore, #tpu.memory_space<semaphore_mem>>) src(%arg12 : memref<125x128xf32, #tpu.memory_space<vmem>>) dst(%dma_wait3A_293 : memref<10000x128xf32, #tpu.memory_space<vmem_shared>>)
      %multiple_of3A_294 = arith.constant 0 : i32
      %multiple_of3A_295 = tpu.assume_multiple %multiple_of3A_294, 8 : i32
      %dma_wait3A_296 = arith.constant 0 : i32
      %dma_wait3A_297 = tpu.memref_slice %arg3[%multiple_of3A_295, %dma_wait3A_296] : memref<1280x125xi32, #tpu.memory_space<hbm>> -> memref<8x125xi32, #tpu.memory_space<hbm>>
      %dma_wait3A_298 = arith.constant 0 : i32
      %dma_wait3A_299 = tpu.memref_slice %arg3[%multiple_of3A_295, %dma_wait3A_298] : memref<1280x125xi32, #tpu.memory_space<hbm>> -> memref<8x125xi32, #tpu.memory_space<hbm>>
      tpu.wait_dma2 semaphore(%arg19 : memref<!tpu.dma_semaphore, #tpu.memory_space<semaphore_mem>>) src(%dma_wait3A_299 : memref<8x125xi32, #tpu.memory_space<hbm>>) dst(%arg10 : memref<8x125xi32, #tpu.memory_space<vmem>>)
      %dma_wait3A_300 = arith.constant 0 : i32
      %dma_wait3A_301 = tpu.memref_slice %arg5[%multiple_of3A_295, %dma_wait3A_300] : memref<1280x125xi32, #tpu.memory_space<hbm>> -> memref<8x125xi32, #tpu.memory_space<hbm>>
      %dma_wait3A_302 = arith.constant 0 : i32
      %dma_wait3A_303 = tpu.memref_slice %arg5[%multiple_of3A_295, %dma_wait3A_302] : memref<1280x125xi32, #tpu.memory_space<hbm>> -> memref<8x125xi32, #tpu.memory_space<hbm>>
      tpu.wait_dma2 semaphore(%arg19 : memref<!tpu.dma_semaphore, #tpu.memory_space<semaphore_mem>>) src(%dma_wait3A_303 : memref<8x125xi32, #tpu.memory_space<hbm>>) dst(%arg11 : memref<8x125xi32, #tpu.memory_space<vmem>>)
      %dma_start3A_304 = arith.constant 0 : i32
      %dma_start3A_305 = arith.constant 0 : i32
      %dma_start3A_306 = tpu.memref_slice %arg10[%dma_start3A_304, %dma_start3A_305] : memref<8x125xi32, #tpu.memory_space<vmem>> -> memref<1x125xi32, #tpu.memory_space<vmem>>
      %dma_start3A_307 = tpu.memref_squeeze %dma_start3A_306 : memref<1x125xi32, #tpu.memory_space<vmem>> -> memref<125xi32, #tpu.memory_space<vmem>>
      %dma_start3A_308 = arith.constant 0 : i32
      %dma_start3A_309 = arith.constant 0 : i32
      %dma_start3A_310 = tpu.memref_slice %arg2[%dma_start3A_308, %dma_start3A_309] : memref<20000x128xf32, #tpu.memory_space<hbm>> -> memref<20000x128xf32, #tpu.memory_space<hbm>>
      tpu.enqueue_indirect_dma source(%dma_start3A_310 : memref<20000x128xf32, #tpu.memory_space<hbm>>) target(%arg12 : memref<125x128xf32, #tpu.memory_space<vmem>>) offsets(%dma_start3A_307 : memref<125xi32, #tpu.memory_space<vmem>>) semaphore(%arg15 : memref<!tpu.dma_semaphore, #tpu.memory_space<semaphore_mem>>)
      %dma_start3A_311 = arith.constant 7 : i32
      %dma_start3A_312 = arith.constant 0 : i32
      %dma_start3A_313 = tpu.memref_slice %arg9[%dma_start3A_311, %dma_start3A_312] : memref<8x125xi32, #tpu.memory_space<vmem>> -> memref<1x125xi32, #tpu.memory_space<vmem>>
      %dma_start3A_314 = tpu.memref_squeeze %dma_start3A_313 : memref<1x125xi32, #tpu.memory_space<vmem>> -> memref<125xi32, #tpu.memory_space<vmem>>
      %dma_start3A_315 = arith.constant 0 : i32
      %dma_start3A_316 = arith.constant 0 : i32
      %dma_start3A_317 = tpu.memref_slice %arg14[%dma_start3A_315, %dma_start3A_316] : memref<10000x128xf32, #tpu.memory_space<vmem_shared>> -> memref<10000x128xf32, #tpu.memory_space<vmem_shared>>
      tpu.enqueue_indirect_dma source(%arg13 : memref<125x128xf32, #tpu.memory_space<vmem>>) target(%dma_start3A_317 : memref<10000x128xf32, #tpu.memory_space<vmem_shared>>) offsets(%dma_start3A_314 : memref<125xi32, #tpu.memory_space<vmem>>) semaphore(%arg18 : memref<!tpu.dma_semaphore, #tpu.memory_space<semaphore_mem>>) {add = true}
      %dma_wait3A_318 = arith.constant 0 : i32
      %dma_wait3A_319 = arith.constant 0 : i32
      %dma_wait3A_320 = tpu.memref_slice %arg10[%dma_wait3A_318, %dma_wait3A_319] : memref<8x125xi32, #tpu.memory_space<vmem>> -> memref<1x125xi32, #tpu.memory_space<vmem>>
      %dma_wait3A_321 = tpu.memref_squeeze %dma_wait3A_320 : memref<1x125xi32, #tpu.memory_space<vmem>> -> memref<125xi32, #tpu.memory_space<vmem>>
      %dma_wait3A_322 = arith.constant 0 : i32
      %dma_wait3A_323 = arith.constant 0 : i32
      %dma_wait3A_324 = tpu.memref_slice %arg2[%dma_wait3A_322, %dma_wait3A_323] : memref<20000x128xf32, #tpu.memory_space<hbm>> -> memref<20000x128xf32, #tpu.memory_space<hbm>>
      tpu.wait_indirect_dma semaphore(%arg15 : memref<!tpu.dma_semaphore, #tpu.memory_space<semaphore_mem>>) src(%dma_wait3A_324 : memref<20000x128xf32, #tpu.memory_space<hbm>>) dst(%arg12 : memref<125x128xf32, #tpu.memory_space<vmem>>)
      %dma_wait3A_325 = arith.constant 7 : i32
      %dma_wait3A_326 = arith.constant 0 : i32
      %dma_wait3A_327 = tpu.memref_slice %arg9[%dma_wait3A_325, %dma_wait3A_326] : memref<8x125xi32, #tpu.memory_space<vmem>> -> memref<1x125xi32, #tpu.memory_space<vmem>>
      %dma_wait3A_328 = tpu.memref_squeeze %dma_wait3A_327 : memref<1x125xi32, #tpu.memory_space<vmem>> -> memref<125xi32, #tpu.memory_space<vmem>>
      %dma_wait3A_329 = arith.constant 0 : i32
      %dma_wait3A_330 = arith.constant 0 : i32
      %dma_wait3A_331 = tpu.memref_slice %arg14[%dma_wait3A_329, %dma_wait3A_330] : memref<10000x128xf32, #tpu.memory_space<vmem_shared>> -> memref<10000x128xf32, #tpu.memory_space<vmem_shared>>
      tpu.wait_indirect_dma semaphore(%arg18 : memref<!tpu.dma_semaphore, #tpu.memory_space<semaphore_mem>>) src(%arg13 : memref<125x128xf32, #tpu.memory_space<vmem>>) dst(%dma_wait3A_331 : memref<10000x128xf32, #tpu.memory_space<vmem_shared>>)
      %lt3A = arith.constant 4 : i32
      %lt3A_332 = arith.cmpi slt, %scan3A_66, %lt3A : i32
      %convert_element_type3A_333 = arith.extui %lt3A_332 : i1 to i32
      %cond3A_334 = arith.constant 0 : i32
      %cond3A_335 = arith.cmpi ne, %convert_element_type3A_333, %cond3A_334 : i32
      scf.if %cond3A_335 {
        %add3A_544 = arith.constant 1 : i32
        %add3A_545 = arith.addi %scan3A_66, %add3A_544 : i32
        %mul3A_546 = arith.constant 16 : i32
        %mul3A_547 = arith.muli %add3A_545, %mul3A_546 : i32
        %add3A_548 = arith.addi %mul3A_0, %mul3A_547 : i32
        %multiple_of3A_549 = tpu.assume_multiple %add3A_548, 8 : i32
        %eq3A_550 = arith.constant 0 : i32
        %eq3A_551 = arith.cmpi eq, %arg0, %eq3A_550 : i32
        %convert_element_type3A_552 = arith.extui %eq3A_551 : i1 to i32
        %cond3A_553 = arith.constant 0 : i32
        %cond3A_554 = arith.cmpi ne, %convert_element_type3A_552, %cond3A_553 : i32
        scf.if %cond3A_554 {
          %dma_start3A_564 = arith.constant 0 : i32
          %dma_start3A_565 = tpu.memref_slice %arg3[%multiple_of3A_549, %dma_start3A_564] : memref<1280x125xi32, #tpu.memory_space<hbm>> -> memref<8x125xi32, #tpu.memory_space<hbm>>
          %dma_start3A_566 = arith.constant 0 : i32
          %dma_start3A_567 = tpu.memref_slice %arg3[%multiple_of3A_549, %dma_start3A_566] : memref<1280x125xi32, #tpu.memory_space<hbm>> -> memref<8x125xi32, #tpu.memory_space<hbm>>
          tpu.enqueue_dma source(%dma_start3A_567 : memref<8x125xi32, #tpu.memory_space<hbm>>) target(%arg8 : memref<8x125xi32, #tpu.memory_space<vmem>>) target_semaphore(%arg19 : memref<!tpu.dma_semaphore, #tpu.memory_space<semaphore_mem>>)
        } else {
        }
        %eq3A_555 = arith.constant 1 : i32
        %eq3A_556 = arith.cmpi eq, %arg0, %eq3A_555 : i32
        %convert_element_type3A_557 = arith.extui %eq3A_556 : i1 to i32
        %cond3A_558 = arith.constant 0 : i32
        %cond3A_559 = arith.cmpi ne, %convert_element_type3A_557, %cond3A_558 : i32
        scf.if %cond3A_559 {
          %dma_start3A_564 = arith.constant 0 : i32
          %dma_start3A_565 = tpu.memref_slice %arg4[%multiple_of3A_549, %dma_start3A_564] : memref<1280x125xi32, #tpu.memory_space<hbm>> -> memref<8x125xi32, #tpu.memory_space<hbm>>
          %dma_start3A_566 = arith.constant 0 : i32
          %dma_start3A_567 = tpu.memref_slice %arg4[%multiple_of3A_549, %dma_start3A_566] : memref<1280x125xi32, #tpu.memory_space<hbm>> -> memref<8x125xi32, #tpu.memory_space<hbm>>
          tpu.enqueue_dma source(%dma_start3A_567 : memref<8x125xi32, #tpu.memory_space<hbm>>) target(%arg8 : memref<8x125xi32, #tpu.memory_space<vmem>>) target_semaphore(%arg19 : memref<!tpu.dma_semaphore, #tpu.memory_space<semaphore_mem>>)
        } else {
        }
        %dma_start3A_560 = arith.constant 0 : i32
        %dma_start3A_561 = tpu.memref_slice %arg5[%multiple_of3A_549, %dma_start3A_560] : memref<1280x125xi32, #tpu.memory_space<hbm>> -> memref<8x125xi32, #tpu.memory_space<hbm>>
        %dma_start3A_562 = arith.constant 0 : i32
        %dma_start3A_563 = tpu.memref_slice %arg5[%multiple_of3A_549, %dma_start3A_562] : memref<1280x125xi32, #tpu.memory_space<hbm>> -> memref<8x125xi32, #tpu.memory_space<hbm>>
        tpu.enqueue_dma source(%dma_start3A_563 : memref<8x125xi32, #tpu.memory_space<hbm>>) target(%arg9 : memref<8x125xi32, #tpu.memory_space<vmem>>) target_semaphore(%arg19 : memref<!tpu.dma_semaphore, #tpu.memory_space<semaphore_mem>>)
      } else {
      }
      %dma_start3A_336 = arith.constant 1 : i32
      %dma_start3A_337 = arith.constant 0 : i32
      %dma_start3A_338 = tpu.memref_slice %arg10[%dma_start3A_336, %dma_start3A_337] : memref<8x125xi32, #tpu.memory_space<vmem>> -> memref<1x125xi32, #tpu.memory_space<vmem>>
      %dma_start3A_339 = tpu.memref_squeeze %dma_start3A_338 : memref<1x125xi32, #tpu.memory_space<vmem>> -> memref<125xi32, #tpu.memory_space<vmem>>
      %dma_start3A_340 = arith.constant 0 : i32
      %dma_start3A_341 = arith.constant 0 : i32
      %dma_start3A_342 = tpu.memref_slice %arg2[%dma_start3A_340, %dma_start3A_341] : memref<20000x128xf32, #tpu.memory_space<hbm>> -> memref<20000x128xf32, #tpu.memory_space<hbm>>
      tpu.enqueue_indirect_dma source(%dma_start3A_342 : memref<20000x128xf32, #tpu.memory_space<hbm>>) target(%arg13 : memref<125x128xf32, #tpu.memory_space<vmem>>) offsets(%dma_start3A_339 : memref<125xi32, #tpu.memory_space<vmem>>) semaphore(%arg16 : memref<!tpu.dma_semaphore, #tpu.memory_space<semaphore_mem>>)
      %dma_start3A_343 = arith.constant 0 : i32
      %dma_start3A_344 = arith.constant 0 : i32
      %dma_start3A_345 = tpu.memref_slice %arg11[%dma_start3A_343, %dma_start3A_344] : memref<8x125xi32, #tpu.memory_space<vmem>> -> memref<1x125xi32, #tpu.memory_space<vmem>>
      %dma_start3A_346 = tpu.memref_squeeze %dma_start3A_345 : memref<1x125xi32, #tpu.memory_space<vmem>> -> memref<125xi32, #tpu.memory_space<vmem>>
      %dma_start3A_347 = arith.constant 0 : i32
      %dma_start3A_348 = arith.constant 0 : i32
      %dma_start3A_349 = tpu.memref_slice %arg14[%dma_start3A_347, %dma_start3A_348] : memref<10000x128xf32, #tpu.memory_space<vmem_shared>> -> memref<10000x128xf32, #tpu.memory_space<vmem_shared>>
      tpu.enqueue_indirect_dma source(%arg12 : memref<125x128xf32, #tpu.memory_space<vmem>>) target(%dma_start3A_349 : memref<10000x128xf32, #tpu.memory_space<vmem_shared>>) offsets(%dma_start3A_346 : memref<125xi32, #tpu.memory_space<vmem>>) semaphore(%arg17 : memref<!tpu.dma_semaphore, #tpu.memory_space<semaphore_mem>>) {add = true}
      %dma_wait3A_350 = arith.constant 1 : i32
      %dma_wait3A_351 = arith.constant 0 : i32
      %dma_wait3A_352 = tpu.memref_slice %arg10[%dma_wait3A_350, %dma_wait3A_351] : memref<8x125xi32, #tpu.memory_space<vmem>> -> memref<1x125xi32, #tpu.memory_space<vmem>>
      %dma_wait3A_353 = tpu.memref_squeeze %dma_wait3A_352 : memref<1x125xi32, #tpu.memory_space<vmem>> -> memref<125xi32, #tpu.memory_space<vmem>>
      %dma_wait3A_354 = arith.constant 0 : i32
      %dma_wait3A_355 = arith.constant 0 : i32
      %dma_wait3A_356 = tpu.memref_slice %arg2[%dma_wait3A_354, %dma_wait3A_355] : memref<20000x128xf32, #tpu.memory_space<hbm>> -> memref<20000x128xf32, #tpu.memory_space<hbm>>
      tpu.wait_indirect_dma semaphore(%arg16 : memref<!tpu.dma_semaphore, #tpu.memory_space<semaphore_mem>>) src(%dma_wait3A_356 : memref<20000x128xf32, #tpu.memory_space<hbm>>) dst(%arg13 : memref<125x128xf32, #tpu.memory_space<vmem>>)
      %dma_wait3A_357 = arith.constant 0 : i32
      %dma_wait3A_358 = arith.constant 0 : i32
      %dma_wait3A_359 = tpu.memref_slice %arg11[%dma_wait3A_357, %dma_wait3A_358] : memref<8x125xi32, #tpu.memory_space<vmem>> -> memref<1x125xi32, #tpu.memory_space<vmem>>
      %dma_wait3A_360 = tpu.memref_squeeze %dma_wait3A_359 : memref<1x125xi32, #tpu.memory_space<vmem>> -> memref<125xi32, #tpu.memory_space<vmem>>
      %dma_wait3A_361 = arith.constant 0 : i32
      %dma_wait3A_362 = arith.constant 0 : i32
      %dma_wait3A_363 = tpu.memref_slice %arg14[%dma_wait3A_361, %dma_wait3A_362] : memref<10000x128xf32, #tpu.memory_space<vmem_shared>> -> memref<10000x128xf32, #tpu.memory_space<vmem_shared>>
      tpu.wait_indirect_dma semaphore(%arg17 : memref<!tpu.dma_semaphore, #tpu.memory_space<semaphore_mem>>) src(%arg12 : memref<125x128xf32, #tpu.memory_space<vmem>>) dst(%dma_wait3A_363 : memref<10000x128xf32, #tpu.memory_space<vmem_shared>>)
      %dma_start3A_364 = arith.constant 2 : i32
      %dma_start3A_365 = arith.constant 0 : i32
      %dma_start3A_366 = tpu.memref_slice %arg10[%dma_start3A_364, %dma_start3A_365] : memref<8x125xi32, #tpu.memory_space<vmem>> -> memref<1x125xi32, #tpu.memory_space<vmem>>
      %dma_start3A_367 = tpu.memref_squeeze %dma_start3A_366 : memref<1x125xi32, #tpu.memory_space<vmem>> -> memref<125xi32, #tpu.memory_space<vmem>>
      %dma_start3A_368 = arith.constant 0 : i32
      %dma_start3A_369 = arith.constant 0 : i32
      %dma_start3A_370 = tpu.memref_slice %arg2[%dma_start3A_368, %dma_start3A_369] : memref<20000x128xf32, #tpu.memory_space<hbm>> -> memref<20000x128xf32, #tpu.memory_space<hbm>>
      tpu.enqueue_indirect_dma source(%dma_start3A_370 : memref<20000x128xf32, #tpu.memory_space<hbm>>) target(%arg12 : memref<125x128xf32, #tpu.memory_space<vmem>>) offsets(%dma_start3A_367 : memref<125xi32, #tpu.memory_space<vmem>>) semaphore(%arg15 : memref<!tpu.dma_semaphore, #tpu.memory_space<semaphore_mem>>)
      %dma_start3A_371 = arith.constant 1 : i32
      %dma_start3A_372 = arith.constant 0 : i32
      %dma_start3A_373 = tpu.memref_slice %arg11[%dma_start3A_371, %dma_start3A_372] : memref<8x125xi32, #tpu.memory_space<vmem>> -> memref<1x125xi32, #tpu.memory_space<vmem>>
      %dma_start3A_374 = tpu.memref_squeeze %dma_start3A_373 : memref<1x125xi32, #tpu.memory_space<vmem>> -> memref<125xi32, #tpu.memory_space<vmem>>
      %dma_start3A_375 = arith.constant 0 : i32
      %dma_start3A_376 = arith.constant 0 : i32
      %dma_start3A_377 = tpu.memref_slice %arg14[%dma_start3A_375, %dma_start3A_376] : memref<10000x128xf32, #tpu.memory_space<vmem_shared>> -> memref<10000x128xf32, #tpu.memory_space<vmem_shared>>
      tpu.enqueue_indirect_dma source(%arg13 : memref<125x128xf32, #tpu.memory_space<vmem>>) target(%dma_start3A_377 : memref<10000x128xf32, #tpu.memory_space<vmem_shared>>) offsets(%dma_start3A_374 : memref<125xi32, #tpu.memory_space<vmem>>) semaphore(%arg18 : memref<!tpu.dma_semaphore, #tpu.memory_space<semaphore_mem>>) {add = true}
      %dma_wait3A_378 = arith.constant 2 : i32
      %dma_wait3A_379 = arith.constant 0 : i32
      %dma_wait3A_380 = tpu.memref_slice %arg10[%dma_wait3A_378, %dma_wait3A_379] : memref<8x125xi32, #tpu.memory_space<vmem>> -> memref<1x125xi32, #tpu.memory_space<vmem>>
      %dma_wait3A_381 = tpu.memref_squeeze %dma_wait3A_380 : memref<1x125xi32, #tpu.memory_space<vmem>> -> memref<125xi32, #tpu.memory_space<vmem>>
      %dma_wait3A_382 = arith.constant 0 : i32
      %dma_wait3A_383 = arith.constant 0 : i32
      %dma_wait3A_384 = tpu.memref_slice %arg2[%dma_wait3A_382, %dma_wait3A_383] : memref<20000x128xf32, #tpu.memory_space<hbm>> -> memref<20000x128xf32, #tpu.memory_space<hbm>>
      tpu.wait_indirect_dma semaphore(%arg15 : memref<!tpu.dma_semaphore, #tpu.memory_space<semaphore_mem>>) src(%dma_wait3A_384 : memref<20000x128xf32, #tpu.memory_space<hbm>>) dst(%arg12 : memref<125x128xf32, #tpu.memory_space<vmem>>)
      %dma_wait3A_385 = arith.constant 1 : i32
      %dma_wait3A_386 = arith.constant 0 : i32
      %dma_wait3A_387 = tpu.memref_slice %arg11[%dma_wait3A_385, %dma_wait3A_386] : memref<8x125xi32, #tpu.memory_space<vmem>> -> memref<1x125xi32, #tpu.memory_space<vmem>>
      %dma_wait3A_388 = tpu.memref_squeeze %dma_wait3A_387 : memref<1x125xi32, #tpu.memory_space<vmem>> -> memref<125xi32, #tpu.memory_space<vmem>>
      %dma_wait3A_389 = arith.constant 0 : i32
      %dma_wait3A_390 = arith.constant 0 : i32
      %dma_wait3A_391 = tpu.memref_slice %arg14[%dma_wait3A_389, %dma_wait3A_390] : memref<10000x128xf32, #tpu.memory_space<vmem_shared>> -> memref<10000x128xf32, #tpu.memory_space<vmem_shared>>
      tpu.wait_indirect_dma semaphore(%arg18 : memref<!tpu.dma_semaphore, #tpu.memory_space<semaphore_mem>>) src(%arg13 : memref<125x128xf32, #tpu.memory_space<vmem>>) dst(%dma_wait3A_391 : memref<10000x128xf32, #tpu.memory_space<vmem_shared>>)
      %dma_start3A_392 = arith.constant 3 : i32
      %dma_start3A_393 = arith.constant 0 : i32
      %dma_start3A_394 = tpu.memref_slice %arg10[%dma_start3A_392, %dma_start3A_393] : memref<8x125xi32, #tpu.memory_space<vmem>> -> memref<1x125xi32, #tpu.memory_space<vmem>>
      %dma_start3A_395 = tpu.memref_squeeze %dma_start3A_394 : memref<1x125xi32, #tpu.memory_space<vmem>> -> memref<125xi32, #tpu.memory_space<vmem>>
      %dma_start3A_396 = arith.constant 0 : i32
      %dma_start3A_397 = arith.constant 0 : i32
      %dma_start3A_398 = tpu.memref_slice %arg2[%dma_start3A_396, %dma_start3A_397] : memref<20000x128xf32, #tpu.memory_space<hbm>> -> memref<20000x128xf32, #tpu.memory_space<hbm>>
      tpu.enqueue_indirect_dma source(%dma_start3A_398 : memref<20000x128xf32, #tpu.memory_space<hbm>>) target(%arg13 : memref<125x128xf32, #tpu.memory_space<vmem>>) offsets(%dma_start3A_395 : memref<125xi32, #tpu.memory_space<vmem>>) semaphore(%arg16 : memref<!tpu.dma_semaphore, #tpu.memory_space<semaphore_mem>>)
      %dma_start3A_399 = arith.constant 2 : i32
      %dma_start3A_400 = arith.constant 0 : i32
      %dma_start3A_401 = tpu.memref_slice %arg11[%dma_start3A_399, %dma_start3A_400] : memref<8x125xi32, #tpu.memory_space<vmem>> -> memref<1x125xi32, #tpu.memory_space<vmem>>
      %dma_start3A_402 = tpu.memref_squeeze %dma_start3A_401 : memref<1x125xi32, #tpu.memory_space<vmem>> -> memref<125xi32, #tpu.memory_space<vmem>>
      %dma_start3A_403 = arith.constant 0 : i32
      %dma_start3A_404 = arith.constant 0 : i32
      %dma_start3A_405 = tpu.memref_slice %arg14[%dma_start3A_403, %dma_start3A_404] : memref<10000x128xf32, #tpu.memory_space<vmem_shared>> -> memref<10000x128xf32, #tpu.memory_space<vmem_shared>>
      tpu.enqueue_indirect_dma source(%arg12 : memref<125x128xf32, #tpu.memory_space<vmem>>) target(%dma_start3A_405 : memref<10000x128xf32, #tpu.memory_space<vmem_shared>>) offsets(%dma_start3A_402 : memref<125xi32, #tpu.memory_space<vmem>>) semaphore(%arg17 : memref<!tpu.dma_semaphore, #tpu.memory_space<semaphore_mem>>) {add = true}
      %dma_wait3A_406 = arith.constant 3 : i32
      %dma_wait3A_407 = arith.constant 0 : i32
      %dma_wait3A_408 = tpu.memref_slice %arg10[%dma_wait3A_406, %dma_wait3A_407] : memref<8x125xi32, #tpu.memory_space<vmem>> -> memref<1x125xi32, #tpu.memory_space<vmem>>
      %dma_wait3A_409 = tpu.memref_squeeze %dma_wait3A_408 : memref<1x125xi32, #tpu.memory_space<vmem>> -> memref<125xi32, #tpu.memory_space<vmem>>
      %dma_wait3A_410 = arith.constant 0 : i32
      %dma_wait3A_411 = arith.constant 0 : i32
      %dma_wait3A_412 = tpu.memref_slice %arg2[%dma_wait3A_410, %dma_wait3A_411] : memref<20000x128xf32, #tpu.memory_space<hbm>> -> memref<20000x128xf32, #tpu.memory_space<hbm>>
      tpu.wait_indirect_dma semaphore(%arg16 : memref<!tpu.dma_semaphore, #tpu.memory_space<semaphore_mem>>) src(%dma_wait3A_412 : memref<20000x128xf32, #tpu.memory_space<hbm>>) dst(%arg13 : memref<125x128xf32, #tpu.memory_space<vmem>>)
      %dma_wait3A_413 = arith.constant 2 : i32
      %dma_wait3A_414 = arith.constant 0 : i32
      %dma_wait3A_415 = tpu.memref_slice %arg11[%dma_wait3A_413, %dma_wait3A_414] : memref<8x125xi32, #tpu.memory_space<vmem>> -> memref<1x125xi32, #tpu.memory_space<vmem>>
      %dma_wait3A_416 = tpu.memref_squeeze %dma_wait3A_415 : memref<1x125xi32, #tpu.memory_space<vmem>> -> memref<125xi32, #tpu.memory_space<vmem>>
      %dma_wait3A_417 = arith.constant 0 : i32
      %dma_wait3A_418 = arith.constant 0 : i32
      %dma_wait3A_419 = tpu.memref_slice %arg14[%dma_wait3A_417, %dma_wait3A_418] : memref<10000x128xf32, #tpu.memory_space<vmem_shared>> -> memref<10000x128xf32, #tpu.memory_space<vmem_shared>>
      tpu.wait_indirect_dma semaphore(%arg17 : memref<!tpu.dma_semaphore, #tpu.memory_space<semaphore_mem>>) src(%arg12 : memref<125x128xf32, #tpu.memory_space<vmem>>) dst(%dma_wait3A_419 : memref<10000x128xf32, #tpu.memory_space<vmem_shared>>)
      %dma_start3A_420 = arith.constant 4 : i32
      %dma_start3A_421 = arith.constant 0 : i32
      %dma_start3A_422 = tpu.memref_slice %arg10[%dma_start3A_420, %dma_start3A_421] : memref<8x125xi32, #tpu.memory_space<vmem>> -> memref<1x125xi32, #tpu.memory_space<vmem>>
      %dma_start3A_423 = tpu.memref_squeeze %dma_start3A_422 : memref<1x125xi32, #tpu.memory_space<vmem>> -> memref<125xi32, #tpu.memory_space<vmem>>
      %dma_start3A_424 = arith.constant 0 : i32
      %dma_start3A_425 = arith.constant 0 : i32
      %dma_start3A_426 = tpu.memref_slice %arg2[%dma_start3A_424, %dma_start3A_425] : memref<20000x128xf32, #tpu.memory_space<hbm>> -> memref<20000x128xf32, #tpu.memory_space<hbm>>
      tpu.enqueue_indirect_dma source(%dma_start3A_426 : memref<20000x128xf32, #tpu.memory_space<hbm>>) target(%arg12 : memref<125x128xf32, #tpu.memory_space<vmem>>) offsets(%dma_start3A_423 : memref<125xi32, #tpu.memory_space<vmem>>) semaphore(%arg15 : memref<!tpu.dma_semaphore, #tpu.memory_space<semaphore_mem>>)
      %dma_start3A_427 = arith.constant 3 : i32
      %dma_start3A_428 = arith.constant 0 : i32
      %dma_start3A_429 = tpu.memref_slice %arg11[%dma_start3A_427, %dma_start3A_428] : memref<8x125xi32, #tpu.memory_space<vmem>> -> memref<1x125xi32, #tpu.memory_space<vmem>>
      %dma_start3A_430 = tpu.memref_squeeze %dma_start3A_429 : memref<1x125xi32, #tpu.memory_space<vmem>> -> memref<125xi32, #tpu.memory_space<vmem>>
      %dma_start3A_431 = arith.constant 0 : i32
      %dma_start3A_432 = arith.constant 0 : i32
      %dma_start3A_433 = tpu.memref_slice %arg14[%dma_start3A_431, %dma_start3A_432] : memref<10000x128xf32, #tpu.memory_space<vmem_shared>> -> memref<10000x128xf32, #tpu.memory_space<vmem_shared>>
      tpu.enqueue_indirect_dma source(%arg13 : memref<125x128xf32, #tpu.memory_space<vmem>>) target(%dma_start3A_433 : memref<10000x128xf32, #tpu.memory_space<vmem_shared>>) offsets(%dma_start3A_430 : memref<125xi32, #tpu.memory_space<vmem>>) semaphore(%arg18 : memref<!tpu.dma_semaphore, #tpu.memory_space<semaphore_mem>>) {add = true}
      %dma_wait3A_434 = arith.constant 4 : i32
      %dma_wait3A_435 = arith.constant 0 : i32
      %dma_wait3A_436 = tpu.memref_slice %arg10[%dma_wait3A_434, %dma_wait3A_435] : memref<8x125xi32, #tpu.memory_space<vmem>> -> memref<1x125xi32, #tpu.memory_space<vmem>>
      %dma_wait3A_437 = tpu.memref_squeeze %dma_wait3A_436 : memref<1x125xi32, #tpu.memory_space<vmem>> -> memref<125xi32, #tpu.memory_space<vmem>>
      %dma_wait3A_438 = arith.constant 0 : i32
      %dma_wait3A_439 = arith.constant 0 : i32
      %dma_wait3A_440 = tpu.memref_slice %arg2[%dma_wait3A_438, %dma_wait3A_439] : memref<20000x128xf32, #tpu.memory_space<hbm>> -> memref<20000x128xf32, #tpu.memory_space<hbm>>
      tpu.wait_indirect_dma semaphore(%arg15 : memref<!tpu.dma_semaphore, #tpu.memory_space<semaphore_mem>>) src(%dma_wait3A_440 : memref<20000x128xf32, #tpu.memory_space<hbm>>) dst(%arg12 : memref<125x128xf32, #tpu.memory_space<vmem>>)
      %dma_wait3A_441 = arith.constant 3 : i32
      %dma_wait3A_442 = arith.constant 0 : i32
      %dma_wait3A_443 = tpu.memref_slice %arg11[%dma_wait3A_441, %dma_wait3A_442] : memref<8x125xi32, #tpu.memory_space<vmem>> -> memref<1x125xi32, #tpu.memory_space<vmem>>
      %dma_wait3A_444 = tpu.memref_squeeze %dma_wait3A_443 : memref<1x125xi32, #tpu.memory_space<vmem>> -> memref<125xi32, #tpu.memory_space<vmem>>
      %dma_wait3A_445 = arith.constant 0 : i32
      %dma_wait3A_446 = arith.constant 0 : i32
      %dma_wait3A_447 = tpu.memref_slice %arg14[%dma_wait3A_445, %dma_wait3A_446] : memref<10000x128xf32, #tpu.memory_space<vmem_shared>> -> memref<10000x128xf32, #tpu.memory_space<vmem_shared>>
      tpu.wait_indirect_dma semaphore(%arg18 : memref<!tpu.dma_semaphore, #tpu.memory_space<semaphore_mem>>) src(%arg13 : memref<125x128xf32, #tpu.memory_space<vmem>>) dst(%dma_wait3A_447 : memref<10000x128xf32, #tpu.memory_space<vmem_shared>>)
      %dma_start3A_448 = arith.constant 5 : i32
      %dma_start3A_449 = arith.constant 0 : i32
      %dma_start3A_450 = tpu.memref_slice %arg10[%dma_start3A_448, %dma_start3A_449] : memref<8x125xi32, #tpu.memory_space<vmem>> -> memref<1x125xi32, #tpu.memory_space<vmem>>
      %dma_start3A_451 = tpu.memref_squeeze %dma_start3A_450 : memref<1x125xi32, #tpu.memory_space<vmem>> -> memref<125xi32, #tpu.memory_space<vmem>>
      %dma_start3A_452 = arith.constant 0 : i32
      %dma_start3A_453 = arith.constant 0 : i32
      %dma_start3A_454 = tpu.memref_slice %arg2[%dma_start3A_452, %dma_start3A_453] : memref<20000x128xf32, #tpu.memory_space<hbm>> -> memref<20000x128xf32, #tpu.memory_space<hbm>>
      tpu.enqueue_indirect_dma source(%dma_start3A_454 : memref<20000x128xf32, #tpu.memory_space<hbm>>) target(%arg13 : memref<125x128xf32, #tpu.memory_space<vmem>>) offsets(%dma_start3A_451 : memref<125xi32, #tpu.memory_space<vmem>>) semaphore(%arg16 : memref<!tpu.dma_semaphore, #tpu.memory_space<semaphore_mem>>)
      %dma_start3A_455 = arith.constant 4 : i32
      %dma_start3A_456 = arith.constant 0 : i32
      %dma_start3A_457 = tpu.memref_slice %arg11[%dma_start3A_455, %dma_start3A_456] : memref<8x125xi32, #tpu.memory_space<vmem>> -> memref<1x125xi32, #tpu.memory_space<vmem>>
      %dma_start3A_458 = tpu.memref_squeeze %dma_start3A_457 : memref<1x125xi32, #tpu.memory_space<vmem>> -> memref<125xi32, #tpu.memory_space<vmem>>
      %dma_start3A_459 = arith.constant 0 : i32
      %dma_start3A_460 = arith.constant 0 : i32
      %dma_start3A_461 = tpu.memref_slice %arg14[%dma_start3A_459, %dma_start3A_460] : memref<10000x128xf32, #tpu.memory_space<vmem_shared>> -> memref<10000x128xf32, #tpu.memory_space<vmem_shared>>
      tpu.enqueue_indirect_dma source(%arg12 : memref<125x128xf32, #tpu.memory_space<vmem>>) target(%dma_start3A_461 : memref<10000x128xf32, #tpu.memory_space<vmem_shared>>) offsets(%dma_start3A_458 : memref<125xi32, #tpu.memory_space<vmem>>) semaphore(%arg17 : memref<!tpu.dma_semaphore, #tpu.memory_space<semaphore_mem>>) {add = true}
      %dma_wait3A_462 = arith.constant 5 : i32
      %dma_wait3A_463 = arith.constant 0 : i32
      %dma_wait3A_464 = tpu.memref_slice %arg10[%dma_wait3A_462, %dma_wait3A_463] : memref<8x125xi32, #tpu.memory_space<vmem>> -> memref<1x125xi32, #tpu.memory_space<vmem>>
      %dma_wait3A_465 = tpu.memref_squeeze %dma_wait3A_464 : memref<1x125xi32, #tpu.memory_space<vmem>> -> memref<125xi32, #tpu.memory_space<vmem>>
      %dma_wait3A_466 = arith.constant 0 : i32
      %dma_wait3A_467 = arith.constant 0 : i32
      %dma_wait3A_468 = tpu.memref_slice %arg2[%dma_wait3A_466, %dma_wait3A_467] : memref<20000x128xf32, #tpu.memory_space<hbm>> -> memref<20000x128xf32, #tpu.memory_space<hbm>>
      tpu.wait_indirect_dma semaphore(%arg16 : memref<!tpu.dma_semaphore, #tpu.memory_space<semaphore_mem>>) src(%dma_wait3A_468 : memref<20000x128xf32, #tpu.memory_space<hbm>>) dst(%arg13 : memref<125x128xf32, #tpu.memory_space<vmem>>)
      %dma_wait3A_469 = arith.constant 4 : i32
      %dma_wait3A_470 = arith.constant 0 : i32
      %dma_wait3A_471 = tpu.memref_slice %arg11[%dma_wait3A_469, %dma_wait3A_470] : memref<8x125xi32, #tpu.memory_space<vmem>> -> memref<1x125xi32, #tpu.memory_space<vmem>>
      %dma_wait3A_472 = tpu.memref_squeeze %dma_wait3A_471 : memref<1x125xi32, #tpu.memory_space<vmem>> -> memref<125xi32, #tpu.memory_space<vmem>>
      %dma_wait3A_473 = arith.constant 0 : i32
      %dma_wait3A_474 = arith.constant 0 : i32
      %dma_wait3A_475 = tpu.memref_slice %arg14[%dma_wait3A_473, %dma_wait3A_474] : memref<10000x128xf32, #tpu.memory_space<vmem_shared>> -> memref<10000x128xf32, #tpu.memory_space<vmem_shared>>
      tpu.wait_indirect_dma semaphore(%arg17 : memref<!tpu.dma_semaphore, #tpu.memory_space<semaphore_mem>>) src(%arg12 : memref<125x128xf32, #tpu.memory_space<vmem>>) dst(%dma_wait3A_475 : memref<10000x128xf32, #tpu.memory_space<vmem_shared>>)
      %dma_start3A_476 = arith.constant 6 : i32
      %dma_start3A_477 = arith.constant 0 : i32
      %dma_start3A_478 = tpu.memref_slice %arg10[%dma_start3A_476, %dma_start3A_477] : memref<8x125xi32, #tpu.memory_space<vmem>> -> memref<1x125xi32, #tpu.memory_space<vmem>>
      %dma_start3A_479 = tpu.memref_squeeze %dma_start3A_478 : memref<1x125xi32, #tpu.memory_space<vmem>> -> memref<125xi32, #tpu.memory_space<vmem>>
      %dma_start3A_480 = arith.constant 0 : i32
      %dma_start3A_481 = arith.constant 0 : i32
      %dma_start3A_482 = tpu.memref_slice %arg2[%dma_start3A_480, %dma_start3A_481] : memref<20000x128xf32, #tpu.memory_space<hbm>> -> memref<20000x128xf32, #tpu.memory_space<hbm>>
      tpu.enqueue_indirect_dma source(%dma_start3A_482 : memref<20000x128xf32, #tpu.memory_space<hbm>>) target(%arg12 : memref<125x128xf32, #tpu.memory_space<vmem>>) offsets(%dma_start3A_479 : memref<125xi32, #tpu.memory_space<vmem>>) semaphore(%arg15 : memref<!tpu.dma_semaphore, #tpu.memory_space<semaphore_mem>>)
      %dma_start3A_483 = arith.constant 5 : i32
      %dma_start3A_484 = arith.constant 0 : i32
      %dma_start3A_485 = tpu.memref_slice %arg11[%dma_start3A_483, %dma_start3A_484] : memref<8x125xi32, #tpu.memory_space<vmem>> -> memref<1x125xi32, #tpu.memory_space<vmem>>
      %dma_start3A_486 = tpu.memref_squeeze %dma_start3A_485 : memref<1x125xi32, #tpu.memory_space<vmem>> -> memref<125xi32, #tpu.memory_space<vmem>>
      %dma_start3A_487 = arith.constant 0 : i32
      %dma_start3A_488 = arith.constant 0 : i32
      %dma_start3A_489 = tpu.memref_slice %arg14[%dma_start3A_487, %dma_start3A_488] : memref<10000x128xf32, #tpu.memory_space<vmem_shared>> -> memref<10000x128xf32, #tpu.memory_space<vmem_shared>>
      tpu.enqueue_indirect_dma source(%arg13 : memref<125x128xf32, #tpu.memory_space<vmem>>) target(%dma_start3A_489 : memref<10000x128xf32, #tpu.memory_space<vmem_shared>>) offsets(%dma_start3A_486 : memref<125xi32, #tpu.memory_space<vmem>>) semaphore(%arg18 : memref<!tpu.dma_semaphore, #tpu.memory_space<semaphore_mem>>) {add = true}
      %dma_wait3A_490 = arith.constant 6 : i32
      %dma_wait3A_491 = arith.constant 0 : i32
      %dma_wait3A_492 = tpu.memref_slice %arg10[%dma_wait3A_490, %dma_wait3A_491] : memref<8x125xi32, #tpu.memory_space<vmem>> -> memref<1x125xi32, #tpu.memory_space<vmem>>
      %dma_wait3A_493 = tpu.memref_squeeze %dma_wait3A_492 : memref<1x125xi32, #tpu.memory_space<vmem>> -> memref<125xi32, #tpu.memory_space<vmem>>
      %dma_wait3A_494 = arith.constant 0 : i32
      %dma_wait3A_495 = arith.constant 0 : i32
      %dma_wait3A_496 = tpu.memref_slice %arg2[%dma_wait3A_494, %dma_wait3A_495] : memref<20000x128xf32, #tpu.memory_space<hbm>> -> memref<20000x128xf32, #tpu.memory_space<hbm>>
      tpu.wait_indirect_dma semaphore(%arg15 : memref<!tpu.dma_semaphore, #tpu.memory_space<semaphore_mem>>) src(%dma_wait3A_496 : memref<20000x128xf32, #tpu.memory_space<hbm>>) dst(%arg12 : memref<125x128xf32, #tpu.memory_space<vmem>>)
      %dma_wait3A_497 = arith.constant 5 : i32
      %dma_wait3A_498 = arith.constant 0 : i32
      %dma_wait3A_499 = tpu.memref_slice %arg11[%dma_wait3A_497, %dma_wait3A_498] : memref<8x125xi32, #tpu.memory_space<vmem>> -> memref<1x125xi32, #tpu.memory_space<vmem>>
      %dma_wait3A_500 = tpu.memref_squeeze %dma_wait3A_499 : memref<1x125xi32, #tpu.memory_space<vmem>> -> memref<125xi32, #tpu.memory_space<vmem>>
      %dma_wait3A_501 = arith.constant 0 : i32
      %dma_wait3A_502 = arith.constant 0 : i32
      %dma_wait3A_503 = tpu.memref_slice %arg14[%dma_wait3A_501, %dma_wait3A_502] : memref<10000x128xf32, #tpu.memory_space<vmem_shared>> -> memref<10000x128xf32, #tpu.memory_space<vmem_shared>>
      tpu.wait_indirect_dma semaphore(%arg18 : memref<!tpu.dma_semaphore, #tpu.memory_space<semaphore_mem>>) src(%arg13 : memref<125x128xf32, #tpu.memory_space<vmem>>) dst(%dma_wait3A_503 : memref<10000x128xf32, #tpu.memory_space<vmem_shared>>)
      %dma_start3A_504 = arith.constant 7 : i32
      %dma_start3A_505 = arith.constant 0 : i32
      %dma_start3A_506 = tpu.memref_slice %arg10[%dma_start3A_504, %dma_start3A_505] : memref<8x125xi32, #tpu.memory_space<vmem>> -> memref<1x125xi32, #tpu.memory_space<vmem>>
      %dma_start3A_507 = tpu.memref_squeeze %dma_start3A_506 : memref<1x125xi32, #tpu.memory_space<vmem>> -> memref<125xi32, #tpu.memory_space<vmem>>
      %dma_start3A_508 = arith.constant 0 : i32
      %dma_start3A_509 = arith.constant 0 : i32
      %dma_start3A_510 = tpu.memref_slice %arg2[%dma_start3A_508, %dma_start3A_509] : memref<20000x128xf32, #tpu.memory_space<hbm>> -> memref<20000x128xf32, #tpu.memory_space<hbm>>
      tpu.enqueue_indirect_dma source(%dma_start3A_510 : memref<20000x128xf32, #tpu.memory_space<hbm>>) target(%arg13 : memref<125x128xf32, #tpu.memory_space<vmem>>) offsets(%dma_start3A_507 : memref<125xi32, #tpu.memory_space<vmem>>) semaphore(%arg16 : memref<!tpu.dma_semaphore, #tpu.memory_space<semaphore_mem>>)
      %dma_start3A_511 = arith.constant 6 : i32
      %dma_start3A_512 = arith.constant 0 : i32
      %dma_start3A_513 = tpu.memref_slice %arg11[%dma_start3A_511, %dma_start3A_512] : memref<8x125xi32, #tpu.memory_space<vmem>> -> memref<1x125xi32, #tpu.memory_space<vmem>>
      %dma_start3A_514 = tpu.memref_squeeze %dma_start3A_513 : memref<1x125xi32, #tpu.memory_space<vmem>> -> memref<125xi32, #tpu.memory_space<vmem>>
      %dma_start3A_515 = arith.constant 0 : i32
      %dma_start3A_516 = arith.constant 0 : i32
      %dma_start3A_517 = tpu.memref_slice %arg14[%dma_start3A_515, %dma_start3A_516] : memref<10000x128xf32, #tpu.memory_space<vmem_shared>> -> memref<10000x128xf32, #tpu.memory_space<vmem_shared>>
      tpu.enqueue_indirect_dma source(%arg12 : memref<125x128xf32, #tpu.memory_space<vmem>>) target(%dma_start3A_517 : memref<10000x128xf32, #tpu.memory_space<vmem_shared>>) offsets(%dma_start3A_514 : memref<125xi32, #tpu.memory_space<vmem>>) semaphore(%arg17 : memref<!tpu.dma_semaphore, #tpu.memory_space<semaphore_mem>>) {add = true}
      %dma_wait3A_518 = arith.constant 7 : i32
      %dma_wait3A_519 = arith.constant 0 : i32
      %dma_wait3A_520 = tpu.memref_slice %arg10[%dma_wait3A_518, %dma_wait3A_519] : memref<8x125xi32, #tpu.memory_space<vmem>> -> memref<1x125xi32, #tpu.memory_space<vmem>>
      %dma_wait3A_521 = tpu.memref_squeeze %dma_wait3A_520 : memref<1x125xi32, #tpu.memory_space<vmem>> -> memref<125xi32, #tpu.memory_space<vmem>>
      %dma_wait3A_522 = arith.constant 0 : i32
      %dma_wait3A_523 = arith.constant 0 : i32
      %dma_wait3A_524 = tpu.memref_slice %arg2[%dma_wait3A_522, %dma_wait3A_523] : memref<20000x128xf32, #tpu.memory_space<hbm>> -> memref<20000x128xf32, #tpu.memory_space<hbm>>
      tpu.wait_indirect_dma semaphore(%arg16 : memref<!tpu.dma_semaphore, #tpu.memory_space<semaphore_mem>>) src(%dma_wait3A_524 : memref<20000x128xf32, #tpu.memory_space<hbm>>) dst(%arg13 : memref<125x128xf32, #tpu.memory_space<vmem>>)
      %dma_wait3A_525 = arith.constant 6 : i32
      %dma_wait3A_526 = arith.constant 0 : i32
      %dma_wait3A_527 = tpu.memref_slice %arg11[%dma_wait3A_525, %dma_wait3A_526] : memref<8x125xi32, #tpu.memory_space<vmem>> -> memref<1x125xi32, #tpu.memory_space<vmem>>
      %dma_wait3A_528 = tpu.memref_squeeze %dma_wait3A_527 : memref<1x125xi32, #tpu.memory_space<vmem>> -> memref<125xi32, #tpu.memory_space<vmem>>
      %dma_wait3A_529 = arith.constant 0 : i32
      %dma_wait3A_530 = arith.constant 0 : i32
      %dma_wait3A_531 = tpu.memref_slice %arg14[%dma_wait3A_529, %dma_wait3A_530] : memref<10000x128xf32, #tpu.memory_space<vmem_shared>> -> memref<10000x128xf32, #tpu.memory_space<vmem_shared>>
      tpu.wait_indirect_dma semaphore(%arg17 : memref<!tpu.dma_semaphore, #tpu.memory_space<semaphore_mem>>) src(%arg12 : memref<125x128xf32, #tpu.memory_space<vmem>>) dst(%dma_wait3A_531 : memref<10000x128xf32, #tpu.memory_space<vmem_shared>>)
      %lt3A_532 = arith.constant 4 : i32
      %lt3A_533 = arith.cmpi slt, %scan3A_66, %lt3A_532 : i32
      %convert_element_type3A_534 = arith.extui %lt3A_533 : i1 to i32
      %cond3A_535 = arith.constant 0 : i32
      %cond3A_536 = arith.cmpi ne, %convert_element_type3A_534, %cond3A_535 : i32
      scf.if %cond3A_536 {
        %multiple_of3A_544 = arith.constant 0 : i32
        %multiple_of3A_545 = tpu.assume_multiple %multiple_of3A_544, 8 : i32
        %dma_wait3A_546 = arith.constant 0 : i32
        %dma_wait3A_547 = tpu.memref_slice %arg3[%multiple_of3A_545, %dma_wait3A_546] : memref<1280x125xi32, #tpu.memory_space<hbm>> -> memref<8x125xi32, #tpu.memory_space<hbm>>
        %dma_wait3A_548 = arith.constant 0 : i32
        %dma_wait3A_549 = tpu.memref_slice %arg3[%multiple_of3A_545, %dma_wait3A_548] : memref<1280x125xi32, #tpu.memory_space<hbm>> -> memref<8x125xi32, #tpu.memory_space<hbm>>
        tpu.wait_dma2 semaphore(%arg19 : memref<!tpu.dma_semaphore, #tpu.memory_space<semaphore_mem>>) src(%dma_wait3A_549 : memref<8x125xi32, #tpu.memory_space<hbm>>) dst(%arg8 : memref<8x125xi32, #tpu.memory_space<vmem>>)
        %dma_wait3A_550 = arith.constant 0 : i32
        %dma_wait3A_551 = tpu.memref_slice %arg5[%multiple_of3A_545, %dma_wait3A_550] : memref<1280x125xi32, #tpu.memory_space<hbm>> -> memref<8x125xi32, #tpu.memory_space<hbm>>
        %dma_wait3A_552 = arith.constant 0 : i32
        %dma_wait3A_553 = tpu.memref_slice %arg5[%multiple_of3A_545, %dma_wait3A_552] : memref<1280x125xi32, #tpu.memory_space<hbm>> -> memref<8x125xi32, #tpu.memory_space<hbm>>
        tpu.wait_dma2 semaphore(%arg19 : memref<!tpu.dma_semaphore, #tpu.memory_space<semaphore_mem>>) src(%dma_wait3A_553 : memref<8x125xi32, #tpu.memory_space<hbm>>) dst(%arg9 : memref<8x125xi32, #tpu.memory_space<vmem>>)
        %dma_start3A_554 = arith.constant 0 : i32
        %dma_start3A_555 = arith.constant 0 : i32
        %dma_start3A_556 = tpu.memref_slice %arg8[%dma_start3A_554, %dma_start3A_555] : memref<8x125xi32, #tpu.memory_space<vmem>> -> memref<1x125xi32, #tpu.memory_space<vmem>>
        %dma_start3A_557 = tpu.memref_squeeze %dma_start3A_556 : memref<1x125xi32, #tpu.memory_space<vmem>> -> memref<125xi32, #tpu.memory_space<vmem>>
        %dma_start3A_558 = arith.constant 0 : i32
        %dma_start3A_559 = arith.constant 0 : i32
        %dma_start3A_560 = tpu.memref_slice %arg2[%dma_start3A_558, %dma_start3A_559] : memref<20000x128xf32, #tpu.memory_space<hbm>> -> memref<20000x128xf32, #tpu.memory_space<hbm>>
        tpu.enqueue_indirect_dma source(%dma_start3A_560 : memref<20000x128xf32, #tpu.memory_space<hbm>>) target(%arg12 : memref<125x128xf32, #tpu.memory_space<vmem>>) offsets(%dma_start3A_557 : memref<125xi32, #tpu.memory_space<vmem>>) semaphore(%arg15 : memref<!tpu.dma_semaphore, #tpu.memory_space<semaphore_mem>>)
      } else {
      }
      %dma_start3A_537 = arith.constant 7 : i32
      %dma_start3A_538 = arith.constant 0 : i32
      %dma_start3A_539 = tpu.memref_slice %arg11[%dma_start3A_537, %dma_start3A_538] : memref<8x125xi32, #tpu.memory_space<vmem>> -> memref<1x125xi32, #tpu.memory_space<vmem>>
      %dma_start3A_540 = tpu.memref_squeeze %dma_start3A_539 : memref<1x125xi32, #tpu.memory_space<vmem>> -> memref<125xi32, #tpu.memory_space<vmem>>
      %dma_start3A_541 = arith.constant 0 : i32
      %dma_start3A_542 = arith.constant 0 : i32
      %dma_start3A_543 = tpu.memref_slice %arg14[%dma_start3A_541, %dma_start3A_542] : memref<10000x128xf32, #tpu.memory_space<vmem_shared>> -> memref<10000x128xf32, #tpu.memory_space<vmem_shared>>
      tpu.enqueue_indirect_dma source(%arg13 : memref<125x128xf32, #tpu.memory_space<vmem>>) target(%dma_start3A_543 : memref<10000x128xf32, #tpu.memory_space<vmem_shared>>) offsets(%dma_start3A_540 : memref<125xi32, #tpu.memory_space<vmem>>) semaphore(%arg18 : memref<!tpu.dma_semaphore, #tpu.memory_space<semaphore_mem>>) {add = true}
    }
    %scan3A_48 = arith.constant 5 : i32
    %dma_wait3A = arith.constant 7 : i32
    %dma_wait3A_49 = arith.constant 0 : i32
    %dma_wait3A_50 = tpu.memref_slice %arg11[%dma_wait3A, %dma_wait3A_49] : memref<8x125xi32, #tpu.memory_space<vmem>> -> memref<1x125xi32, #tpu.memory_space<vmem>>
    %dma_wait3A_51 = tpu.memref_squeeze %dma_wait3A_50 : memref<1x125xi32, #tpu.memory_space<vmem>> -> memref<125xi32, #tpu.memory_space<vmem>>
    %dma_wait3A_52 = arith.constant 0 : i32
    %dma_wait3A_53 = arith.constant 0 : i32
    %dma_wait3A_54 = tpu.memref_slice %arg14[%dma_wait3A_52, %dma_wait3A_53] : memref<10000x128xf32, #tpu.memory_space<vmem_shared>> -> memref<10000x128xf32, #tpu.memory_space<vmem_shared>>
    tpu.wait_indirect_dma semaphore(%arg18 : memref<!tpu.dma_semaphore, #tpu.memory_space<semaphore_mem>>) src(%arg13 : memref<125x128xf32, #tpu.memory_space<vmem>>) dst(%dma_wait3A_54 : memref<10000x128xf32, #tpu.memory_space<vmem_shared>>)
    %barrier3A_55 = arith.constant 0 : index
    tpu.barrier barrier_id(%barrier3A_55)
    %eq3A_56 = arith.constant 0 : i32
    %eq3A_57 = arith.cmpi eq, %arg0, %eq3A_56 : i32
    %convert_element_type3A_58 = arith.extui %eq3A_57 : i1 to i32
    %cond3A_59 = arith.constant 0 : i32
    %cond3A_60 = arith.cmpi ne, %convert_element_type3A_58, %cond3A_59 : i32
    scf.if %cond3A_60 {
      %mul3A_66 = arith.constant 624 : i32
      %mul3A_67 = arith.muli %arg1, %mul3A_66 : i32
      %multiple_of3A_68 = tpu.assume_multiple %mul3A_67, 8 : i32
      "tpu.region"() ({
        %run_scoped3A = tpu.sem_alloc : memref<!tpu.dma_semaphore, #tpu.memory_space<semaphore_mem>>
        %dma_start3A_74 = arith.constant 0 : i32
        %dma_start3A_75 = tpu.memref_slice %arg6[%multiple_of3A_68, %dma_start3A_74] : memref<10000x128xf32, #tpu.memory_space<hbm>> -> memref<624x128xf32, #tpu.memory_space<hbm>>
        %dma_start3A_76 = arith.constant 0 : i32
        %dma_start3A_77 = tpu.memref_slice %arg14[%multiple_of3A_68, %dma_start3A_76] : memref<10000x128xf32, #tpu.memory_space<vmem_shared>> -> memref<624x128xf32, #tpu.memory_space<vmem_shared>>
        tpu.enqueue_dma source(%dma_start3A_77 : memref<624x128xf32, #tpu.memory_space<vmem_shared>>) target(%dma_start3A_75 : memref<624x128xf32, #tpu.memory_space<hbm>>) target_semaphore(%run_scoped3A : memref<!tpu.dma_semaphore, #tpu.memory_space<semaphore_mem>>)
        %dma_wait3A_78 = arith.constant 0 : i32
        %dma_wait3A_79 = tpu.memref_slice %arg6[%multiple_of3A_68, %dma_wait3A_78] : memref<10000x128xf32, #tpu.memory_space<hbm>> -> memref<624x128xf32, #tpu.memory_space<hbm>>
        %dma_wait3A_80 = arith.constant 0 : i32
        %dma_wait3A_81 = tpu.memref_slice %arg14[%multiple_of3A_68, %dma_wait3A_80] : memref<10000x128xf32, #tpu.memory_space<vmem_shared>> -> memref<624x128xf32, #tpu.memory_space<vmem_shared>>
        tpu.wait_dma2 semaphore(%run_scoped3A : memref<!tpu.dma_semaphore, #tpu.memory_space<semaphore_mem>>) src(%dma_wait3A_81 : memref<624x128xf32, #tpu.memory_space<vmem_shared>>) dst(%dma_wait3A_79 : memref<624x128xf32, #tpu.memory_space<hbm>>)
        tpu.yield
      }) : () -> ()
      %eq3A_69 = arith.constant 15 : i32
      %eq3A_70 = arith.cmpi eq, %arg1, %eq3A_69 : i32
      %convert_element_type3A_71 = arith.extui %eq3A_70 : i1 to i32
      %cond3A_72 = arith.constant 0 : i32
      %cond3A_73 = arith.cmpi ne, %convert_element_type3A_71, %cond3A_72 : i32
      scf.if %cond3A_73 {
        "tpu.region"() ({
          %run_scoped3A = tpu.sem_alloc : memref<!tpu.dma_semaphore, #tpu.memory_space<semaphore_mem>>
          %dma_start3A_74 = arith.constant 9984 : i32
          %dma_start3A_75 = arith.constant 0 : i32
          %dma_start3A_76 = tpu.memref_slice %arg6[%dma_start3A_74, %dma_start3A_75] : memref<10000x128xf32, #tpu.memory_space<hbm>> -> memref<16x128xf32, #tpu.memory_space<hbm>>
          %dma_start3A_77 = arith.constant 9984 : i32
          %dma_start3A_78 = arith.constant 0 : i32
          %dma_start3A_79 = tpu.memref_slice %arg14[%dma_start3A_77, %dma_start3A_78] : memref<10000x128xf32, #tpu.memory_space<vmem_shared>> -> memref<16x128xf32, #tpu.memory_space<vmem_shared>>
          tpu.enqueue_dma source(%dma_start3A_79 : memref<16x128xf32, #tpu.memory_space<vmem_shared>>) target(%dma_start3A_76 : memref<16x128xf32, #tpu.memory_space<hbm>>) target_semaphore(%run_scoped3A : memref<!tpu.dma_semaphore, #tpu.memory_space<semaphore_mem>>)
          %dma_wait3A_80 = arith.constant 9984 : i32
          %dma_wait3A_81 = arith.constant 0 : i32
          %dma_wait3A_82 = tpu.memref_slice %arg6[%dma_wait3A_80, %dma_wait3A_81] : memref<10000x128xf32, #tpu.memory_space<hbm>> -> memref<16x128xf32, #tpu.memory_space<hbm>>
          %dma_wait3A_83 = arith.constant 9984 : i32
          %dma_wait3A_84 = arith.constant 0 : i32
          %dma_wait3A_85 = tpu.memref_slice %arg14[%dma_wait3A_83, %dma_wait3A_84] : memref<10000x128xf32, #tpu.memory_space<vmem_shared>> -> memref<16x128xf32, #tpu.memory_space<vmem_shared>>
          tpu.wait_dma2 semaphore(%run_scoped3A : memref<!tpu.dma_semaphore, #tpu.memory_space<semaphore_mem>>) src(%dma_wait3A_85 : memref<16x128xf32, #tpu.memory_space<vmem_shared>>) dst(%dma_wait3A_82 : memref<16x128xf32, #tpu.memory_space<hbm>>)
          tpu.yield
        }) : () -> ()
      } else {
      }
    } else {
    }
    %eq3A_61 = arith.constant 1 : i32
    %eq3A_62 = arith.cmpi eq, %arg0, %eq3A_61 : i32
    %convert_element_type3A_63 = arith.extui %eq3A_62 : i1 to i32
    %cond3A_64 = arith.constant 0 : i32
    %cond3A_65 = arith.cmpi ne, %convert_element_type3A_63, %cond3A_64 : i32
    scf.if %cond3A_65 {
      %mul3A_66 = arith.constant 624 : i32
      %mul3A_67 = arith.muli %arg1, %mul3A_66 : i32
      %multiple_of3A_68 = tpu.assume_multiple %mul3A_67, 8 : i32
      "tpu.region"() ({
        %run_scoped3A = tpu.sem_alloc : memref<!tpu.dma_semaphore, #tpu.memory_space<semaphore_mem>>
        %dma_start3A_74 = arith.constant 0 : i32
        %dma_start3A_75 = tpu.memref_slice %arg7[%multiple_of3A_68, %dma_start3A_74] : memref<10000x128xf32, #tpu.memory_space<hbm>> -> memref<624x128xf32, #tpu.memory_space<hbm>>
        %dma_start3A_76 = arith.constant 0 : i32
        %dma_start3A_77 = tpu.memref_slice %arg14[%multiple_of3A_68, %dma_start3A_76] : memref<10000x128xf32, #tpu.memory_space<vmem_shared>> -> memref<624x128xf32, #tpu.memory_space<vmem_shared>>
        tpu.enqueue_dma source(%dma_start3A_77 : memref<624x128xf32, #tpu.memory_space<vmem_shared>>) target(%dma_start3A_75 : memref<624x128xf32, #tpu.memory_space<hbm>>) target_semaphore(%run_scoped3A : memref<!tpu.dma_semaphore, #tpu.memory_space<semaphore_mem>>)
        %dma_wait3A_78 = arith.constant 0 : i32
        %dma_wait3A_79 = tpu.memref_slice %arg7[%multiple_of3A_68, %dma_wait3A_78] : memref<10000x128xf32, #tpu.memory_space<hbm>> -> memref<624x128xf32, #tpu.memory_space<hbm>>
        %dma_wait3A_80 = arith.constant 0 : i32
        %dma_wait3A_81 = tpu.memref_slice %arg14[%multiple_of3A_68, %dma_wait3A_80] : memref<10000x128xf32, #tpu.memory_space<vmem_shared>> -> memref<624x128xf32, #tpu.memory_space<vmem_shared>>
        tpu.wait_dma2 semaphore(%run_scoped3A : memref<!tpu.dma_semaphore, #tpu.memory_space<semaphore_mem>>) src(%dma_wait3A_81 : memref<624x128xf32, #tpu.memory_space<vmem_shared>>) dst(%dma_wait3A_79 : memref<624x128xf32, #tpu.memory_space<hbm>>)
        tpu.yield
      }) : () -> ()
      %eq3A_69 = arith.constant 15 : i32
      %eq3A_70 = arith.cmpi eq, %arg1, %eq3A_69 : i32
      %convert_element_type3A_71 = arith.extui %eq3A_70 : i1 to i32
      %cond3A_72 = arith.constant 0 : i32
      %cond3A_73 = arith.cmpi ne, %convert_element_type3A_71, %cond3A_72 : i32
      scf.if %cond3A_73 {
        "tpu.region"() ({
          %run_scoped3A = tpu.sem_alloc : memref<!tpu.dma_semaphore, #tpu.memory_space<semaphore_mem>>
          %dma_start3A_74 = arith.constant 9984 : i32
          %dma_start3A_75 = arith.constant 0 : i32
          %dma_start3A_76 = tpu.memref_slice %arg7[%dma_start3A_74, %dma_start3A_75] : memref<10000x128xf32, #tpu.memory_space<hbm>> -> memref<16x128xf32, #tpu.memory_space<hbm>>
          %dma_start3A_77 = arith.constant 9984 : i32
          %dma_start3A_78 = arith.constant 0 : i32
          %dma_start3A_79 = tpu.memref_slice %arg14[%dma_start3A_77, %dma_start3A_78] : memref<10000x128xf32, #tpu.memory_space<vmem_shared>> -> memref<16x128xf32, #tpu.memory_space<vmem_shared>>
          tpu.enqueue_dma source(%dma_start3A_79 : memref<16x128xf32, #tpu.memory_space<vmem_shared>>) target(%dma_start3A_76 : memref<16x128xf32, #tpu.memory_space<hbm>>) target_semaphore(%run_scoped3A : memref<!tpu.dma_semaphore, #tpu.memory_space<semaphore_mem>>)
          %dma_wait3A_80 = arith.constant 9984 : i32
          %dma_wait3A_81 = arith.constant 0 : i32
          %dma_wait3A_82 = tpu.memref_slice %arg7[%dma_wait3A_80, %dma_wait3A_81] : memref<10000x128xf32, #tpu.memory_space<hbm>> -> memref<16x128xf32, #tpu.memory_space<hbm>>
          %dma_wait3A_83 = arith.constant 9984 : i32
          %dma_wait3A_84 = arith.constant 0 : i32
          %dma_wait3A_85 = tpu.memref_slice %arg14[%dma_wait3A_83, %dma_wait3A_84] : memref<10000x128xf32, #tpu.memory_space<vmem_shared>> -> memref<16x128xf32, #tpu.memory_space<vmem_shared>>
          tpu.wait_dma2 semaphore(%run_scoped3A : memref<!tpu.dma_semaphore, #tpu.memory_space<semaphore_mem>>) src(%dma_wait3A_85 : memref<16x128xf32, #tpu.memory_space<vmem_shared>>) dst(%dma_wait3A_82 : memref<16x128xf32, #tpu.memory_space<hbm>>)
          tpu.yield
        }) : () -> ()
      } else {
      }
    } else {
    }
    return
  }
}

#map = affine_map<(d0, d1) -> (0, 0)>
module attributes {stable_mosaic.version = 14 : i64} {
  func.func @_cnt_body(%arg0: i32, %arg1: i32, %arg2: memref<1280x125xi32, #tpu.memory_space<hbm>>, %arg3: memref<10000x128xf32, #tpu.memory_space<hbm>>, %arg4: memref<10000x128xf32, #tpu.memory_space<hbm>>, %arg5: memref<40x125xi32, #tpu.memory_space<vmem>>, %arg6: memref<125x128xf32, #tpu.memory_space<vmem>>, %arg7: memref<125x128xf32, #tpu.memory_space<vmem>>, %arg8: memref<10000x128xf32, #tpu.memory_space<vmem_shared>>, %arg9: memref<!tpu.dma_semaphore, #tpu.memory_space<semaphore_mem>>) attributes {dimension_semantics = [#tpu.dimension_semantics<core_parallel>, #tpu.dimension_semantics<subcore_parallel>], iteration_bounds = array<i64: 2, 16>, scalar_prefetch = 0 : i64, scratch_operands = 5 : i64, tpu.core_type = #tpu.core_type<sc_vector_subcore>, window_params = [{transform_indices = #map}, {transform_indices = #map}, {transform_indices = #map}]} {
    %broadcast_in_dim3A = arith.constant 1.000000e+00 : f32
    %broadcast_in_dim3A_0 = vector.broadcast %broadcast_in_dim3A : f32 to vector<16xf32>
    %scan3A = arith.constant 0 : i32
    %scan3A_1 = arith.constant 0 : i32
    %scan3A_2 = arith.constant 125 : i32
    %scan3A_3 = arith.addi %scan3A_1, %scan3A_2 : i32
    %scan3A_4 = arith.constant 1 : i32
    scf.for %scan3A_56 = %scan3A_1 to %scan3A_3 step %scan3A_4  : i32 {
      %swap3A = arith.index_cast %scan3A_56 : i32 to index
      %swap3A_57 = arith.constant 0 : index
      %swap3A_58 = tpu.vector_load %arg6[%swap3A, %swap3A_57] {strides = array<i32>} : memref<125x128xf32, #tpu.memory_space<vmem>>, vector<1x16xf32>,
      %swap3A_59 = vector.shape_cast %swap3A_58 : vector<1x16xf32> to vector<16xf32>
      %swap3A_60 = vector.shape_cast %broadcast_in_dim3A_0 : vector<16xf32> to vector<1x16xf32>
      tpu.vector_store %arg6[%swap3A, %swap3A_57], %swap3A_60 {strides = array<i32>} : memref<125x128xf32, #tpu.memory_space<vmem>>, vector<1x16xf32>,
      %swap3A_61 = arith.index_cast %scan3A_56 : i32 to index
      %swap3A_62 = arith.constant 16 : index
      %swap3A_63 = tpu.vector_load %arg6[%swap3A_61, %swap3A_62] {strides = array<i32>} : memref<125x128xf32, #tpu.memory_space<vmem>>, vector<1x16xf32>,
      %swap3A_64 = vector.shape_cast %swap3A_63 : vector<1x16xf32> to vector<16xf32>
      %swap3A_65 = vector.shape_cast %broadcast_in_dim3A_0 : vector<16xf32> to vector<1x16xf32>
      tpu.vector_store %arg6[%swap3A_61, %swap3A_62], %swap3A_65 {strides = array<i32>} : memref<125x128xf32, #tpu.memory_space<vmem>>, vector<1x16xf32>,
      %swap3A_66 = arith.index_cast %scan3A_56 : i32 to index
      %swap3A_67 = arith.constant 32 : index
      %swap3A_68 = tpu.vector_load %arg6[%swap3A_66, %swap3A_67] {strides = array<i32>} : memref<125x128xf32, #tpu.memory_space<vmem>>, vector<1x16xf32>,
      %swap3A_69 = vector.shape_cast %swap3A_68 : vector<1x16xf32> to vector<16xf32>
      %swap3A_70 = vector.shape_cast %broadcast_in_dim3A_0 : vector<16xf32> to vector<1x16xf32>
      tpu.vector_store %arg6[%swap3A_66, %swap3A_67], %swap3A_70 {strides = array<i32>} : memref<125x128xf32, #tpu.memory_space<vmem>>, vector<1x16xf32>,
      %swap3A_71 = arith.index_cast %scan3A_56 : i32 to index
      %swap3A_72 = arith.constant 48 : index
      %swap3A_73 = tpu.vector_load %arg6[%swap3A_71, %swap3A_72] {strides = array<i32>} : memref<125x128xf32, #tpu.memory_space<vmem>>, vector<1x16xf32>,
      %swap3A_74 = vector.shape_cast %swap3A_73 : vector<1x16xf32> to vector<16xf32>
      %swap3A_75 = vector.shape_cast %broadcast_in_dim3A_0 : vector<16xf32> to vector<1x16xf32>
      tpu.vector_store %arg6[%swap3A_71, %swap3A_72], %swap3A_75 {strides = array<i32>} : memref<125x128xf32, #tpu.memory_space<vmem>>, vector<1x16xf32>,
      %swap3A_76 = arith.index_cast %scan3A_56 : i32 to index
      %swap3A_77 = arith.constant 64 : index
      %swap3A_78 = tpu.vector_load %arg6[%swap3A_76, %swap3A_77] {strides = array<i32>} : memref<125x128xf32, #tpu.memory_space<vmem>>, vector<1x16xf32>,
      %swap3A_79 = vector.shape_cast %swap3A_78 : vector<1x16xf32> to vector<16xf32>
      %swap3A_80 = vector.shape_cast %broadcast_in_dim3A_0 : vector<16xf32> to vector<1x16xf32>
      tpu.vector_store %arg6[%swap3A_76, %swap3A_77], %swap3A_80 {strides = array<i32>} : memref<125x128xf32, #tpu.memory_space<vmem>>, vector<1x16xf32>,
      %swap3A_81 = arith.index_cast %scan3A_56 : i32 to index
      %swap3A_82 = arith.constant 80 : index
      %swap3A_83 = tpu.vector_load %arg6[%swap3A_81, %swap3A_82] {strides = array<i32>} : memref<125x128xf32, #tpu.memory_space<vmem>>, vector<1x16xf32>,
      %swap3A_84 = vector.shape_cast %swap3A_83 : vector<1x16xf32> to vector<16xf32>
      %swap3A_85 = vector.shape_cast %broadcast_in_dim3A_0 : vector<16xf32> to vector<1x16xf32>
      tpu.vector_store %arg6[%swap3A_81, %swap3A_82], %swap3A_85 {strides = array<i32>} : memref<125x128xf32, #tpu.memory_space<vmem>>, vector<1x16xf32>,
      %swap3A_86 = arith.index_cast %scan3A_56 : i32 to index
      %swap3A_87 = arith.constant 96 : index
      %swap3A_88 = tpu.vector_load %arg6[%swap3A_86, %swap3A_87] {strides = array<i32>} : memref<125x128xf32, #tpu.memory_space<vmem>>, vector<1x16xf32>,
      %swap3A_89 = vector.shape_cast %swap3A_88 : vector<1x16xf32> to vector<16xf32>
      %swap3A_90 = vector.shape_cast %broadcast_in_dim3A_0 : vector<16xf32> to vector<1x16xf32>
      tpu.vector_store %arg6[%swap3A_86, %swap3A_87], %swap3A_90 {strides = array<i32>} : memref<125x128xf32, #tpu.memory_space<vmem>>, vector<1x16xf32>,
      %swap3A_91 = arith.index_cast %scan3A_56 : i32 to index
      %swap3A_92 = arith.constant 112 : index
      %swap3A_93 = tpu.vector_load %arg6[%swap3A_91, %swap3A_92] {strides = array<i32>} : memref<125x128xf32, #tpu.memory_space<vmem>>, vector<1x16xf32>,
      %swap3A_94 = vector.shape_cast %swap3A_93 : vector<1x16xf32> to vector<16xf32>
      %swap3A_95 = vector.shape_cast %broadcast_in_dim3A_0 : vector<16xf32> to vector<1x16xf32>
      tpu.vector_store %arg6[%swap3A_91, %swap3A_92], %swap3A_95 {strides = array<i32>} : memref<125x128xf32, #tpu.memory_space<vmem>>, vector<1x16xf32>,
    }
    %scan3A_5 = arith.constant 125 : i32
    %broadcast_in_dim3A_6 = arith.constant 0.000000e+00 : f32
    %broadcast_in_dim3A_7 = vector.broadcast %broadcast_in_dim3A_6 : f32 to vector<16xf32>
    %scan3A_8 = arith.constant 0 : i32
    %scan3A_9 = arith.constant 0 : i32
    %scan3A_10 = arith.constant 125 : i32
    %scan3A_11 = arith.addi %scan3A_9, %scan3A_10 : i32
    %scan3A_12 = arith.constant 1 : i32
    scf.for %scan3A_56 = %scan3A_9 to %scan3A_11 step %scan3A_12  : i32 {
      %swap3A = arith.index_cast %scan3A_56 : i32 to index
      %swap3A_57 = arith.constant 0 : index
      %swap3A_58 = tpu.vector_load %arg7[%swap3A, %swap3A_57] {strides = array<i32>} : memref<125x128xf32, #tpu.memory_space<vmem>>, vector<1x16xf32>,
      %swap3A_59 = vector.shape_cast %swap3A_58 : vector<1x16xf32> to vector<16xf32>
      %swap3A_60 = vector.shape_cast %broadcast_in_dim3A_7 : vector<16xf32> to vector<1x16xf32>
      tpu.vector_store %arg7[%swap3A, %swap3A_57], %swap3A_60 {strides = array<i32>} : memref<125x128xf32, #tpu.memory_space<vmem>>, vector<1x16xf32>,
      %swap3A_61 = arith.index_cast %scan3A_56 : i32 to index
      %swap3A_62 = arith.constant 16 : index
      %swap3A_63 = tpu.vector_load %arg7[%swap3A_61, %swap3A_62] {strides = array<i32>} : memref<125x128xf32, #tpu.memory_space<vmem>>, vector<1x16xf32>,
      %swap3A_64 = vector.shape_cast %swap3A_63 : vector<1x16xf32> to vector<16xf32>
      %swap3A_65 = vector.shape_cast %broadcast_in_dim3A_7 : vector<16xf32> to vector<1x16xf32>
      tpu.vector_store %arg7[%swap3A_61, %swap3A_62], %swap3A_65 {strides = array<i32>} : memref<125x128xf32, #tpu.memory_space<vmem>>, vector<1x16xf32>,
      %swap3A_66 = arith.index_cast %scan3A_56 : i32 to index
      %swap3A_67 = arith.constant 32 : index
      %swap3A_68 = tpu.vector_load %arg7[%swap3A_66, %swap3A_67] {strides = array<i32>} : memref<125x128xf32, #tpu.memory_space<vmem>>, vector<1x16xf32>,
      %swap3A_69 = vector.shape_cast %swap3A_68 : vector<1x16xf32> to vector<16xf32>
      %swap3A_70 = vector.shape_cast %broadcast_in_dim3A_7 : vector<16xf32> to vector<1x16xf32>
      tpu.vector_store %arg7[%swap3A_66, %swap3A_67], %swap3A_70 {strides = array<i32>} : memref<125x128xf32, #tpu.memory_space<vmem>>, vector<1x16xf32>,
      %swap3A_71 = arith.index_cast %scan3A_56 : i32 to index
      %swap3A_72 = arith.constant 48 : index
      %swap3A_73 = tpu.vector_load %arg7[%swap3A_71, %swap3A_72] {strides = array<i32>} : memref<125x128xf32, #tpu.memory_space<vmem>>, vector<1x16xf32>,
      %swap3A_74 = vector.shape_cast %swap3A_73 : vector<1x16xf32> to vector<16xf32>
      %swap3A_75 = vector.shape_cast %broadcast_in_dim3A_7 : vector<16xf32> to vector<1x16xf32>
      tpu.vector_store %arg7[%swap3A_71, %swap3A_72], %swap3A_75 {strides = array<i32>} : memref<125x128xf32, #tpu.memory_space<vmem>>, vector<1x16xf32>,
      %swap3A_76 = arith.index_cast %scan3A_56 : i32 to index
      %swap3A_77 = arith.constant 64 : index
      %swap3A_78 = tpu.vector_load %arg7[%swap3A_76, %swap3A_77] {strides = array<i32>} : memref<125x128xf32, #tpu.memory_space<vmem>>, vector<1x16xf32>,
      %swap3A_79 = vector.shape_cast %swap3A_78 : vector<1x16xf32> to vector<16xf32>
      %swap3A_80 = vector.shape_cast %broadcast_in_dim3A_7 : vector<16xf32> to vector<1x16xf32>
      tpu.vector_store %arg7[%swap3A_76, %swap3A_77], %swap3A_80 {strides = array<i32>} : memref<125x128xf32, #tpu.memory_space<vmem>>, vector<1x16xf32>,
      %swap3A_81 = arith.index_cast %scan3A_56 : i32 to index
      %swap3A_82 = arith.constant 80 : index
      %swap3A_83 = tpu.vector_load %arg7[%swap3A_81, %swap3A_82] {strides = array<i32>} : memref<125x128xf32, #tpu.memory_space<vmem>>, vector<1x16xf32>,
      %swap3A_84 = vector.shape_cast %swap3A_83 : vector<1x16xf32> to vector<16xf32>
      %swap3A_85 = vector.shape_cast %broadcast_in_dim3A_7 : vector<16xf32> to vector<1x16xf32>
      tpu.vector_store %arg7[%swap3A_81, %swap3A_82], %swap3A_85 {strides = array<i32>} : memref<125x128xf32, #tpu.memory_space<vmem>>, vector<1x16xf32>,
      %swap3A_86 = arith.index_cast %scan3A_56 : i32 to index
      %swap3A_87 = arith.constant 96 : index
      %swap3A_88 = tpu.vector_load %arg7[%swap3A_86, %swap3A_87] {strides = array<i32>} : memref<125x128xf32, #tpu.memory_space<vmem>>, vector<1x16xf32>,
      %swap3A_89 = vector.shape_cast %swap3A_88 : vector<1x16xf32> to vector<16xf32>
      %swap3A_90 = vector.shape_cast %broadcast_in_dim3A_7 : vector<16xf32> to vector<1x16xf32>
      tpu.vector_store %arg7[%swap3A_86, %swap3A_87], %swap3A_90 {strides = array<i32>} : memref<125x128xf32, #tpu.memory_space<vmem>>, vector<1x16xf32>,
      %swap3A_91 = arith.index_cast %scan3A_56 : i32 to index
      %swap3A_92 = arith.constant 112 : index
      %swap3A_93 = tpu.vector_load %arg7[%swap3A_91, %swap3A_92] {strides = array<i32>} : memref<125x128xf32, #tpu.memory_space<vmem>>, vector<1x16xf32>,
      %swap3A_94 = vector.shape_cast %swap3A_93 : vector<1x16xf32> to vector<16xf32>
      %swap3A_95 = vector.shape_cast %broadcast_in_dim3A_7 : vector<16xf32> to vector<1x16xf32>
      tpu.vector_store %arg7[%swap3A_91, %swap3A_92], %swap3A_95 {strides = array<i32>} : memref<125x128xf32, #tpu.memory_space<vmem>>, vector<1x16xf32>,
    }
    %scan3A_13 = arith.constant 125 : i32
    %mul3A = arith.constant 624 : i32
    %mul3A_14 = arith.muli %arg1, %mul3A : i32
    %add3A = arith.constant 0 : i32
    %add3A_15 = arith.addi %mul3A_14, %add3A : i32
    %multiple_of3A = tpu.assume_multiple %add3A_15, 8 : i32
    "tpu.region"() ({
      %run_scoped3A = tpu.sem_alloc : memref<!tpu.dma_semaphore, #tpu.memory_space<semaphore_mem>>
      %dma_start3A = arith.constant 0 : i32
      %dma_start3A_56 = arith.constant 0 : i32
      %dma_start3A_57 = tpu.memref_slice %arg7[%dma_start3A, %dma_start3A_56] : memref<125x128xf32, #tpu.memory_space<vmem>> -> memref<104x128xf32, #tpu.memory_space<vmem>>
      %dma_start3A_58 = arith.constant 0 : i32
      %dma_start3A_59 = tpu.memref_slice %arg8[%multiple_of3A, %dma_start3A_58] : memref<10000x128xf32, #tpu.memory_space<vmem_shared>> -> memref<104x128xf32, #tpu.memory_space<vmem_shared>>
      %dma_start3A_60 = arith.constant 0 : i32
      %dma_start3A_61 = tpu.memref_slice %arg8[%multiple_of3A, %dma_start3A_60] : memref<10000x128xf32, #tpu.memory_space<vmem_shared>> -> memref<104x128xf32, #tpu.memory_space<vmem_shared>>
      %dma_start3A_62 = arith.constant 0 : i32
      %dma_start3A_63 = arith.constant 0 : i32
      %dma_start3A_64 = tpu.memref_slice %arg7[%dma_start3A_62, %dma_start3A_63] : memref<125x128xf32, #tpu.memory_space<vmem>> -> memref<104x128xf32, #tpu.memory_space<vmem>>
      tpu.enqueue_dma source(%dma_start3A_64 : memref<104x128xf32, #tpu.memory_space<vmem>>) target(%dma_start3A_61 : memref<104x128xf32, #tpu.memory_space<vmem_shared>>) target_semaphore(%run_scoped3A : memref<!tpu.dma_semaphore, #tpu.memory_space<semaphore_mem>>)
      %dma_wait3A = arith.constant 0 : i32
      %dma_wait3A_65 = arith.constant 0 : i32
      %dma_wait3A_66 = tpu.memref_slice %arg7[%dma_wait3A, %dma_wait3A_65] : memref<125x128xf32, #tpu.memory_space<vmem>> -> memref<104x128xf32, #tpu.memory_space<vmem>>
      %dma_wait3A_67 = arith.constant 0 : i32
      %dma_wait3A_68 = tpu.memref_slice %arg8[%multiple_of3A, %dma_wait3A_67] : memref<10000x128xf32, #tpu.memory_space<vmem_shared>> -> memref<104x128xf32, #tpu.memory_space<vmem_shared>>
      %dma_wait3A_69 = arith.constant 0 : i32
      %dma_wait3A_70 = tpu.memref_slice %arg8[%multiple_of3A, %dma_wait3A_69] : memref<10000x128xf32, #tpu.memory_space<vmem_shared>> -> memref<104x128xf32, #tpu.memory_space<vmem_shared>>
      %dma_wait3A_71 = arith.constant 0 : i32
      %dma_wait3A_72 = arith.constant 0 : i32
      %dma_wait3A_73 = tpu.memref_slice %arg7[%dma_wait3A_71, %dma_wait3A_72] : memref<125x128xf32, #tpu.memory_space<vmem>> -> memref<104x128xf32, #tpu.memory_space<vmem>>
      tpu.wait_dma2 semaphore(%run_scoped3A : memref<!tpu.dma_semaphore, #tpu.memory_space<semaphore_mem>>) src(%dma_wait3A_73 : memref<104x128xf32, #tpu.memory_space<vmem>>) dst(%dma_wait3A_70 : memref<104x128xf32, #tpu.memory_space<vmem_shared>>)
      tpu.yield
    }) : () -> ()
    %add3A_16 = arith.constant 104 : i32
    %add3A_17 = arith.addi %mul3A_14, %add3A_16 : i32
    %multiple_of3A_18 = tpu.assume_multiple %add3A_17, 8 : i32
    "tpu.region"() ({
      %run_scoped3A = tpu.sem_alloc : memref<!tpu.dma_semaphore, #tpu.memory_space<semaphore_mem>>
      %dma_start3A = arith.constant 0 : i32
      %dma_start3A_56 = arith.constant 0 : i32
      %dma_start3A_57 = tpu.memref_slice %arg7[%dma_start3A, %dma_start3A_56] : memref<125x128xf32, #tpu.memory_space<vmem>> -> memref<104x128xf32, #tpu.memory_space<vmem>>
      %dma_start3A_58 = arith.constant 0 : i32
      %dma_start3A_59 = tpu.memref_slice %arg8[%multiple_of3A_18, %dma_start3A_58] : memref<10000x128xf32, #tpu.memory_space<vmem_shared>> -> memref<104x128xf32, #tpu.memory_space<vmem_shared>>
      %dma_start3A_60 = arith.constant 0 : i32
      %dma_start3A_61 = tpu.memref_slice %arg8[%multiple_of3A_18, %dma_start3A_60] : memref<10000x128xf32, #tpu.memory_space<vmem_shared>> -> memref<104x128xf32, #tpu.memory_space<vmem_shared>>
      %dma_start3A_62 = arith.constant 0 : i32
      %dma_start3A_63 = arith.constant 0 : i32
      %dma_start3A_64 = tpu.memref_slice %arg7[%dma_start3A_62, %dma_start3A_63] : memref<125x128xf32, #tpu.memory_space<vmem>> -> memref<104x128xf32, #tpu.memory_space<vmem>>
      tpu.enqueue_dma source(%dma_start3A_64 : memref<104x128xf32, #tpu.memory_space<vmem>>) target(%dma_start3A_61 : memref<104x128xf32, #tpu.memory_space<vmem_shared>>) target_semaphore(%run_scoped3A : memref<!tpu.dma_semaphore, #tpu.memory_space<semaphore_mem>>)
      %dma_wait3A = arith.constant 0 : i32
      %dma_wait3A_65 = arith.constant 0 : i32
      %dma_wait3A_66 = tpu.memref_slice %arg7[%dma_wait3A, %dma_wait3A_65] : memref<125x128xf32, #tpu.memory_space<vmem>> -> memref<104x128xf32, #tpu.memory_space<vmem>>
      %dma_wait3A_67 = arith.constant 0 : i32
      %dma_wait3A_68 = tpu.memref_slice %arg8[%multiple_of3A_18, %dma_wait3A_67] : memref<10000x128xf32, #tpu.memory_space<vmem_shared>> -> memref<104x128xf32, #tpu.memory_space<vmem_shared>>
      %dma_wait3A_69 = arith.constant 0 : i32
      %dma_wait3A_70 = tpu.memref_slice %arg8[%multiple_of3A_18, %dma_wait3A_69] : memref<10000x128xf32, #tpu.memory_space<vmem_shared>> -> memref<104x128xf32, #tpu.memory_space<vmem_shared>>
      %dma_wait3A_71 = arith.constant 0 : i32
      %dma_wait3A_72 = arith.constant 0 : i32
      %dma_wait3A_73 = tpu.memref_slice %arg7[%dma_wait3A_71, %dma_wait3A_72] : memref<125x128xf32, #tpu.memory_space<vmem>> -> memref<104x128xf32, #tpu.memory_space<vmem>>
      tpu.wait_dma2 semaphore(%run_scoped3A : memref<!tpu.dma_semaphore, #tpu.memory_space<semaphore_mem>>) src(%dma_wait3A_73 : memref<104x128xf32, #tpu.memory_space<vmem>>) dst(%dma_wait3A_70 : memref<104x128xf32, #tpu.memory_space<vmem_shared>>)
      tpu.yield
    }) : () -> ()
    %add3A_19 = arith.constant 208 : i32
    %add3A_20 = arith.addi %mul3A_14, %add3A_19 : i32
    %multiple_of3A_21 = tpu.assume_multiple %add3A_20, 8 : i32
    "tpu.region"() ({
      %run_scoped3A = tpu.sem_alloc : memref<!tpu.dma_semaphore, #tpu.memory_space<semaphore_mem>>
      %dma_start3A = arith.constant 0 : i32
      %dma_start3A_56 = arith.constant 0 : i32
      %dma_start3A_57 = tpu.memref_slice %arg7[%dma_start3A, %dma_start3A_56] : memref<125x128xf32, #tpu.memory_space<vmem>> -> memref<104x128xf32, #tpu.memory_space<vmem>>
      %dma_start3A_58 = arith.constant 0 : i32
      %dma_start3A_59 = tpu.memref_slice %arg8[%multiple_of3A_21, %dma_start3A_58] : memref<10000x128xf32, #tpu.memory_space<vmem_shared>> -> memref<104x128xf32, #tpu.memory_space<vmem_shared>>
      %dma_start3A_60 = arith.constant 0 : i32
      %dma_start3A_61 = tpu.memref_slice %arg8[%multiple_of3A_21, %dma_start3A_60] : memref<10000x128xf32, #tpu.memory_space<vmem_shared>> -> memref<104x128xf32, #tpu.memory_space<vmem_shared>>
      %dma_start3A_62 = arith.constant 0 : i32
      %dma_start3A_63 = arith.constant 0 : i32
      %dma_start3A_64 = tpu.memref_slice %arg7[%dma_start3A_62, %dma_start3A_63] : memref<125x128xf32, #tpu.memory_space<vmem>> -> memref<104x128xf32, #tpu.memory_space<vmem>>
      tpu.enqueue_dma source(%dma_start3A_64 : memref<104x128xf32, #tpu.memory_space<vmem>>) target(%dma_start3A_61 : memref<104x128xf32, #tpu.memory_space<vmem_shared>>) target_semaphore(%run_scoped3A : memref<!tpu.dma_semaphore, #tpu.memory_space<semaphore_mem>>)
      %dma_wait3A = arith.constant 0 : i32
      %dma_wait3A_65 = arith.constant 0 : i32
      %dma_wait3A_66 = tpu.memref_slice %arg7[%dma_wait3A, %dma_wait3A_65] : memref<125x128xf32, #tpu.memory_space<vmem>> -> memref<104x128xf32, #tpu.memory_space<vmem>>
      %dma_wait3A_67 = arith.constant 0 : i32
      %dma_wait3A_68 = tpu.memref_slice %arg8[%multiple_of3A_21, %dma_wait3A_67] : memref<10000x128xf32, #tpu.memory_space<vmem_shared>> -> memref<104x128xf32, #tpu.memory_space<vmem_shared>>
      %dma_wait3A_69 = arith.constant 0 : i32
      %dma_wait3A_70 = tpu.memref_slice %arg8[%multiple_of3A_21, %dma_wait3A_69] : memref<10000x128xf32, #tpu.memory_space<vmem_shared>> -> memref<104x128xf32, #tpu.memory_space<vmem_shared>>
      %dma_wait3A_71 = arith.constant 0 : i32
      %dma_wait3A_72 = arith.constant 0 : i32
      %dma_wait3A_73 = tpu.memref_slice %arg7[%dma_wait3A_71, %dma_wait3A_72] : memref<125x128xf32, #tpu.memory_space<vmem>> -> memref<104x128xf32, #tpu.memory_space<vmem>>
      tpu.wait_dma2 semaphore(%run_scoped3A : memref<!tpu.dma_semaphore, #tpu.memory_space<semaphore_mem>>) src(%dma_wait3A_73 : memref<104x128xf32, #tpu.memory_space<vmem>>) dst(%dma_wait3A_70 : memref<104x128xf32, #tpu.memory_space<vmem_shared>>)
      tpu.yield
    }) : () -> ()
    %add3A_22 = arith.constant 312 : i32
    %add3A_23 = arith.addi %mul3A_14, %add3A_22 : i32
    %multiple_of3A_24 = tpu.assume_multiple %add3A_23, 8 : i32
    "tpu.region"() ({
      %run_scoped3A = tpu.sem_alloc : memref<!tpu.dma_semaphore, #tpu.memory_space<semaphore_mem>>
      %dma_start3A = arith.constant 0 : i32
      %dma_start3A_56 = arith.constant 0 : i32
      %dma_start3A_57 = tpu.memref_slice %arg7[%dma_start3A, %dma_start3A_56] : memref<125x128xf32, #tpu.memory_space<vmem>> -> memref<104x128xf32, #tpu.memory_space<vmem>>
      %dma_start3A_58 = arith.constant 0 : i32
      %dma_start3A_59 = tpu.memref_slice %arg8[%multiple_of3A_24, %dma_start3A_58] : memref<10000x128xf32, #tpu.memory_space<vmem_shared>> -> memref<104x128xf32, #tpu.memory_space<vmem_shared>>
      %dma_start3A_60 = arith.constant 0 : i32
      %dma_start3A_61 = tpu.memref_slice %arg8[%multiple_of3A_24, %dma_start3A_60] : memref<10000x128xf32, #tpu.memory_space<vmem_shared>> -> memref<104x128xf32, #tpu.memory_space<vmem_shared>>
      %dma_start3A_62 = arith.constant 0 : i32
      %dma_start3A_63 = arith.constant 0 : i32
      %dma_start3A_64 = tpu.memref_slice %arg7[%dma_start3A_62, %dma_start3A_63] : memref<125x128xf32, #tpu.memory_space<vmem>> -> memref<104x128xf32, #tpu.memory_space<vmem>>
      tpu.enqueue_dma source(%dma_start3A_64 : memref<104x128xf32, #tpu.memory_space<vmem>>) target(%dma_start3A_61 : memref<104x128xf32, #tpu.memory_space<vmem_shared>>) target_semaphore(%run_scoped3A : memref<!tpu.dma_semaphore, #tpu.memory_space<semaphore_mem>>)
      %dma_wait3A = arith.constant 0 : i32
      %dma_wait3A_65 = arith.constant 0 : i32
      %dma_wait3A_66 = tpu.memref_slice %arg7[%dma_wait3A, %dma_wait3A_65] : memref<125x128xf32, #tpu.memory_space<vmem>> -> memref<104x128xf32, #tpu.memory_space<vmem>>
      %dma_wait3A_67 = arith.constant 0 : i32
      %dma_wait3A_68 = tpu.memref_slice %arg8[%multiple_of3A_24, %dma_wait3A_67] : memref<10000x128xf32, #tpu.memory_space<vmem_shared>> -> memref<104x128xf32, #tpu.memory_space<vmem_shared>>
      %dma_wait3A_69 = arith.constant 0 : i32
      %dma_wait3A_70 = tpu.memref_slice %arg8[%multiple_of3A_24, %dma_wait3A_69] : memref<10000x128xf32, #tpu.memory_space<vmem_shared>> -> memref<104x128xf32, #tpu.memory_space<vmem_shared>>
      %dma_wait3A_71 = arith.constant 0 : i32
      %dma_wait3A_72 = arith.constant 0 : i32
      %dma_wait3A_73 = tpu.memref_slice %arg7[%dma_wait3A_71, %dma_wait3A_72] : memref<125x128xf32, #tpu.memory_space<vmem>> -> memref<104x128xf32, #tpu.memory_space<vmem>>
      tpu.wait_dma2 semaphore(%run_scoped3A : memref<!tpu.dma_semaphore, #tpu.memory_space<semaphore_mem>>) src(%dma_wait3A_73 : memref<104x128xf32, #tpu.memory_space<vmem>>) dst(%dma_wait3A_70 : memref<104x128xf32, #tpu.memory_space<vmem_shared>>)
      tpu.yield
    }) : () -> ()
    %add3A_25 = arith.constant 416 : i32
    %add3A_26 = arith.addi %mul3A_14, %add3A_25 : i32
    %multiple_of3A_27 = tpu.assume_multiple %add3A_26, 8 : i32
    "tpu.region"() ({
      %run_scoped3A = tpu.sem_alloc : memref<!tpu.dma_semaphore, #tpu.memory_space<semaphore_mem>>
      %dma_start3A = arith.constant 0 : i32
      %dma_start3A_56 = arith.constant 0 : i32
      %dma_start3A_57 = tpu.memref_slice %arg7[%dma_start3A, %dma_start3A_56] : memref<125x128xf32, #tpu.memory_space<vmem>> -> memref<104x128xf32, #tpu.memory_space<vmem>>
      %dma_start3A_58 = arith.constant 0 : i32
      %dma_start3A_59 = tpu.memref_slice %arg8[%multiple_of3A_27, %dma_start3A_58] : memref<10000x128xf32, #tpu.memory_space<vmem_shared>> -> memref<104x128xf32, #tpu.memory_space<vmem_shared>>
      %dma_start3A_60 = arith.constant 0 : i32
      %dma_start3A_61 = tpu.memref_slice %arg8[%multiple_of3A_27, %dma_start3A_60] : memref<10000x128xf32, #tpu.memory_space<vmem_shared>> -> memref<104x128xf32, #tpu.memory_space<vmem_shared>>
      %dma_start3A_62 = arith.constant 0 : i32
      %dma_start3A_63 = arith.constant 0 : i32
      %dma_start3A_64 = tpu.memref_slice %arg7[%dma_start3A_62, %dma_start3A_63] : memref<125x128xf32, #tpu.memory_space<vmem>> -> memref<104x128xf32, #tpu.memory_space<vmem>>
      tpu.enqueue_dma source(%dma_start3A_64 : memref<104x128xf32, #tpu.memory_space<vmem>>) target(%dma_start3A_61 : memref<104x128xf32, #tpu.memory_space<vmem_shared>>) target_semaphore(%run_scoped3A : memref<!tpu.dma_semaphore, #tpu.memory_space<semaphore_mem>>)
      %dma_wait3A = arith.constant 0 : i32
      %dma_wait3A_65 = arith.constant 0 : i32
      %dma_wait3A_66 = tpu.memref_slice %arg7[%dma_wait3A, %dma_wait3A_65] : memref<125x128xf32, #tpu.memory_space<vmem>> -> memref<104x128xf32, #tpu.memory_space<vmem>>
      %dma_wait3A_67 = arith.constant 0 : i32
      %dma_wait3A_68 = tpu.memref_slice %arg8[%multiple_of3A_27, %dma_wait3A_67] : memref<10000x128xf32, #tpu.memory_space<vmem_shared>> -> memref<104x128xf32, #tpu.memory_space<vmem_shared>>
      %dma_wait3A_69 = arith.constant 0 : i32
      %dma_wait3A_70 = tpu.memref_slice %arg8[%multiple_of3A_27, %dma_wait3A_69] : memref<10000x128xf32, #tpu.memory_space<vmem_shared>> -> memref<104x128xf32, #tpu.memory_space<vmem_shared>>
      %dma_wait3A_71 = arith.constant 0 : i32
      %dma_wait3A_72 = arith.constant 0 : i32
      %dma_wait3A_73 = tpu.memref_slice %arg7[%dma_wait3A_71, %dma_wait3A_72] : memref<125x128xf32, #tpu.memory_space<vmem>> -> memref<104x128xf32, #tpu.memory_space<vmem>>
      tpu.wait_dma2 semaphore(%run_scoped3A : memref<!tpu.dma_semaphore, #tpu.memory_space<semaphore_mem>>) src(%dma_wait3A_73 : memref<104x128xf32, #tpu.memory_space<vmem>>) dst(%dma_wait3A_70 : memref<104x128xf32, #tpu.memory_space<vmem_shared>>)
      tpu.yield
    }) : () -> ()
    %add3A_28 = arith.constant 520 : i32
    %add3A_29 = arith.addi %mul3A_14, %add3A_28 : i32
    %multiple_of3A_30 = tpu.assume_multiple %add3A_29, 8 : i32
    "tpu.region"() ({
      %run_scoped3A = tpu.sem_alloc : memref<!tpu.dma_semaphore, #tpu.memory_space<semaphore_mem>>
      %dma_start3A = arith.constant 0 : i32
      %dma_start3A_56 = arith.constant 0 : i32
      %dma_start3A_57 = tpu.memref_slice %arg7[%dma_start3A, %dma_start3A_56] : memref<125x128xf32, #tpu.memory_space<vmem>> -> memref<104x128xf32, #tpu.memory_space<vmem>>
      %dma_start3A_58 = arith.constant 0 : i32
      %dma_start3A_59 = tpu.memref_slice %arg8[%multiple_of3A_30, %dma_start3A_58] : memref<10000x128xf32, #tpu.memory_space<vmem_shared>> -> memref<104x128xf32, #tpu.memory_space<vmem_shared>>
      %dma_start3A_60 = arith.constant 0 : i32
      %dma_start3A_61 = tpu.memref_slice %arg8[%multiple_of3A_30, %dma_start3A_60] : memref<10000x128xf32, #tpu.memory_space<vmem_shared>> -> memref<104x128xf32, #tpu.memory_space<vmem_shared>>
      %dma_start3A_62 = arith.constant 0 : i32
      %dma_start3A_63 = arith.constant 0 : i32
      %dma_start3A_64 = tpu.memref_slice %arg7[%dma_start3A_62, %dma_start3A_63] : memref<125x128xf32, #tpu.memory_space<vmem>> -> memref<104x128xf32, #tpu.memory_space<vmem>>
      tpu.enqueue_dma source(%dma_start3A_64 : memref<104x128xf32, #tpu.memory_space<vmem>>) target(%dma_start3A_61 : memref<104x128xf32, #tpu.memory_space<vmem_shared>>) target_semaphore(%run_scoped3A : memref<!tpu.dma_semaphore, #tpu.memory_space<semaphore_mem>>)
      %dma_wait3A = arith.constant 0 : i32
      %dma_wait3A_65 = arith.constant 0 : i32
      %dma_wait3A_66 = tpu.memref_slice %arg7[%dma_wait3A, %dma_wait3A_65] : memref<125x128xf32, #tpu.memory_space<vmem>> -> memref<104x128xf32, #tpu.memory_space<vmem>>
      %dma_wait3A_67 = arith.constant 0 : i32
      %dma_wait3A_68 = tpu.memref_slice %arg8[%multiple_of3A_30, %dma_wait3A_67] : memref<10000x128xf32, #tpu.memory_space<vmem_shared>> -> memref<104x128xf32, #tpu.memory_space<vmem_shared>>
      %dma_wait3A_69 = arith.constant 0 : i32
      %dma_wait3A_70 = tpu.memref_slice %arg8[%multiple_of3A_30, %dma_wait3A_69] : memref<10000x128xf32, #tpu.memory_space<vmem_shared>> -> memref<104x128xf32, #tpu.memory_space<vmem_shared>>
      %dma_wait3A_71 = arith.constant 0 : i32
      %dma_wait3A_72 = arith.constant 0 : i32
      %dma_wait3A_73 = tpu.memref_slice %arg7[%dma_wait3A_71, %dma_wait3A_72] : memref<125x128xf32, #tpu.memory_space<vmem>> -> memref<104x128xf32, #tpu.memory_space<vmem>>
      tpu.wait_dma2 semaphore(%run_scoped3A : memref<!tpu.dma_semaphore, #tpu.memory_space<semaphore_mem>>) src(%dma_wait3A_73 : memref<104x128xf32, #tpu.memory_space<vmem>>) dst(%dma_wait3A_70 : memref<104x128xf32, #tpu.memory_space<vmem_shared>>)
      tpu.yield
    }) : () -> ()
    %eq3A = arith.constant 15 : i32
    %eq3A_31 = arith.cmpi eq, %arg1, %eq3A : i32
    %convert_element_type3A = arith.extui %eq3A_31 : i1 to i32
    %cond3A = arith.constant 0 : i32
    %cond3A_32 = arith.cmpi ne, %convert_element_type3A, %cond3A : i32
    scf.if %cond3A_32 {
      "tpu.region"() ({
        %run_scoped3A = tpu.sem_alloc : memref<!tpu.dma_semaphore, #tpu.memory_space<semaphore_mem>>
        %dma_start3A = arith.constant 0 : i32
        %dma_start3A_56 = arith.constant 0 : i32
        %dma_start3A_57 = tpu.memref_slice %arg7[%dma_start3A, %dma_start3A_56] : memref<125x128xf32, #tpu.memory_space<vmem>> -> memref<16x128xf32, #tpu.memory_space<vmem>>
        %dma_start3A_58 = arith.constant 9984 : i32
        %dma_start3A_59 = arith.constant 0 : i32
        %dma_start3A_60 = tpu.memref_slice %arg8[%dma_start3A_58, %dma_start3A_59] : memref<10000x128xf32, #tpu.memory_space<vmem_shared>> -> memref<16x128xf32, #tpu.memory_space<vmem_shared>>
        %dma_start3A_61 = arith.constant 9984 : i32
        %dma_start3A_62 = arith.constant 0 : i32
        %dma_start3A_63 = tpu.memref_slice %arg8[%dma_start3A_61, %dma_start3A_62] : memref<10000x128xf32, #tpu.memory_space<vmem_shared>> -> memref<16x128xf32, #tpu.memory_space<vmem_shared>>
        %dma_start3A_64 = arith.constant 0 : i32
        %dma_start3A_65 = arith.constant 0 : i32
        %dma_start3A_66 = tpu.memref_slice %arg7[%dma_start3A_64, %dma_start3A_65] : memref<125x128xf32, #tpu.memory_space<vmem>> -> memref<16x128xf32, #tpu.memory_space<vmem>>
        tpu.enqueue_dma source(%dma_start3A_66 : memref<16x128xf32, #tpu.memory_space<vmem>>) target(%dma_start3A_63 : memref<16x128xf32, #tpu.memory_space<vmem_shared>>) target_semaphore(%run_scoped3A : memref<!tpu.dma_semaphore, #tpu.memory_space<semaphore_mem>>)
        %dma_wait3A = arith.constant 0 : i32
        %dma_wait3A_67 = arith.constant 0 : i32
        %dma_wait3A_68 = tpu.memref_slice %arg7[%dma_wait3A, %dma_wait3A_67] : memref<125x128xf32, #tpu.memory_space<vmem>> -> memref<16x128xf32, #tpu.memory_space<vmem>>
        %dma_wait3A_69 = arith.constant 9984 : i32
        %dma_wait3A_70 = arith.constant 0 : i32
        %dma_wait3A_71 = tpu.memref_slice %arg8[%dma_wait3A_69, %dma_wait3A_70] : memref<10000x128xf32, #tpu.memory_space<vmem_shared>> -> memref<16x128xf32, #tpu.memory_space<vmem_shared>>
        %dma_wait3A_72 = arith.constant 9984 : i32
        %dma_wait3A_73 = arith.constant 0 : i32
        %dma_wait3A_74 = tpu.memref_slice %arg8[%dma_wait3A_72, %dma_wait3A_73] : memref<10000x128xf32, #tpu.memory_space<vmem_shared>> -> memref<16x128xf32, #tpu.memory_space<vmem_shared>>
        %dma_wait3A_75 = arith.constant 0 : i32
        %dma_wait3A_76 = arith.constant 0 : i32
        %dma_wait3A_77 = tpu.memref_slice %arg7[%dma_wait3A_75, %dma_wait3A_76] : memref<125x128xf32, #tpu.memory_space<vmem>> -> memref<16x128xf32, #tpu.memory_space<vmem>>
        tpu.wait_dma2 semaphore(%run_scoped3A : memref<!tpu.dma_semaphore, #tpu.memory_space<semaphore_mem>>) src(%dma_wait3A_77 : memref<16x128xf32, #tpu.memory_space<vmem>>) dst(%dma_wait3A_74 : memref<16x128xf32, #tpu.memory_space<vmem_shared>>)
        tpu.yield
      }) : () -> ()
    } else {
    }
    %mul3A_33 = arith.constant 2 : i32
    %mul3A_34 = arith.muli %arg1, %mul3A_33 : i32
    %add3A_35 = arith.addi %mul3A_34, %arg0 : i32
    %mul3A_36 = arith.constant 40 : i32
    %mul3A_37 = arith.muli %add3A_35, %mul3A_36 : i32
    %multiple_of3A_38 = tpu.assume_multiple %mul3A_37, 8 : i32
    "tpu.region"() ({
      %run_scoped3A = tpu.sem_alloc : memref<!tpu.dma_semaphore, #tpu.memory_space<semaphore_mem>>
      %dma_start3A = arith.constant 0 : i32
      %dma_start3A_56 = tpu.memref_slice %arg2[%multiple_of3A_38, %dma_start3A] : memref<1280x125xi32, #tpu.memory_space<hbm>> -> memref<40x125xi32, #tpu.memory_space<hbm>>
      %dma_start3A_57 = arith.constant 0 : i32
      %dma_start3A_58 = tpu.memref_slice %arg2[%multiple_of3A_38, %dma_start3A_57] : memref<1280x125xi32, #tpu.memory_space<hbm>> -> memref<40x125xi32, #tpu.memory_space<hbm>>
      tpu.enqueue_dma source(%dma_start3A_58 : memref<40x125xi32, #tpu.memory_space<hbm>>) target(%arg5 : memref<40x125xi32, #tpu.memory_space<vmem>>) target_semaphore(%run_scoped3A : memref<!tpu.dma_semaphore, #tpu.memory_space<semaphore_mem>>)
      %dma_wait3A = arith.constant 0 : i32
      %dma_wait3A_59 = tpu.memref_slice %arg2[%multiple_of3A_38, %dma_wait3A] : memref<1280x125xi32, #tpu.memory_space<hbm>> -> memref<40x125xi32, #tpu.memory_space<hbm>>
      %dma_wait3A_60 = arith.constant 0 : i32
      %dma_wait3A_61 = tpu.memref_slice %arg2[%multiple_of3A_38, %dma_wait3A_60] : memref<1280x125xi32, #tpu.memory_space<hbm>> -> memref<40x125xi32, #tpu.memory_space<hbm>>
      tpu.wait_dma2 semaphore(%run_scoped3A : memref<!tpu.dma_semaphore, #tpu.memory_space<semaphore_mem>>) src(%dma_wait3A_61 : memref<40x125xi32, #tpu.memory_space<hbm>>) dst(%arg5 : memref<40x125xi32, #tpu.memory_space<vmem>>)
      tpu.yield
    }) : () -> ()
    %barrier3A = arith.constant 0 : index
    tpu.barrier barrier_id(%barrier3A)
    %scan3A_39 = arith.constant 0 : i32
    %scan3A_40 = arith.constant 0 : i32
    %scan3A_41 = arith.constant 5 : i32
    %scan3A_42 = arith.addi %scan3A_40, %scan3A_41 : i32
    %scan3A_43 = arith.constant 1 : i32
    scf.for %scan3A_56 = %scan3A_40 to %scan3A_42 step %scan3A_43  : i32 {
      %mul3A_57 = arith.constant 8 : i32
      %mul3A_58 = arith.muli %scan3A_56, %mul3A_57 : i32
      %add3A_59 = arith.constant 0 : i32
      %add3A_60 = arith.addi %mul3A_58, %add3A_59 : i32
      %dma_start3A = arith.constant 0 : i32
      %dma_start3A_61 = tpu.memref_slice %arg5[%add3A_60, %dma_start3A] : memref<40x125xi32, #tpu.memory_space<vmem>> -> memref<1x125xi32, #tpu.memory_space<vmem>>
      %dma_start3A_62 = tpu.memref_squeeze %dma_start3A_61 : memref<1x125xi32, #tpu.memory_space<vmem>> -> memref<125xi32, #tpu.memory_space<vmem>>
      %dma_start3A_63 = arith.constant 0 : i32
      %dma_start3A_64 = arith.constant 0 : i32
      %dma_start3A_65 = tpu.memref_slice %arg8[%dma_start3A_63, %dma_start3A_64] : memref<10000x128xf32, #tpu.memory_space<vmem_shared>> -> memref<10000x128xf32, #tpu.memory_space<vmem_shared>>
      tpu.enqueue_indirect_dma source(%arg6 : memref<125x128xf32, #tpu.memory_space<vmem>>) target(%dma_start3A_65 : memref<10000x128xf32, #tpu.memory_space<vmem_shared>>) offsets(%dma_start3A_62 : memref<125xi32, #tpu.memory_space<vmem>>) semaphore(%arg9 : memref<!tpu.dma_semaphore, #tpu.memory_space<semaphore_mem>>) {add = true}
      %mul3A_66 = arith.constant 8 : i32
      %mul3A_67 = arith.muli %scan3A_56, %mul3A_66 : i32
      %add3A_68 = arith.constant 1 : i32
      %add3A_69 = arith.addi %mul3A_67, %add3A_68 : i32
      %dma_start3A_70 = arith.constant 0 : i32
      %dma_start3A_71 = tpu.memref_slice %arg5[%add3A_69, %dma_start3A_70] : memref<40x125xi32, #tpu.memory_space<vmem>> -> memref<1x125xi32, #tpu.memory_space<vmem>>
      %dma_start3A_72 = tpu.memref_squeeze %dma_start3A_71 : memref<1x125xi32, #tpu.memory_space<vmem>> -> memref<125xi32, #tpu.memory_space<vmem>>
      %dma_start3A_73 = arith.constant 0 : i32
      %dma_start3A_74 = arith.constant 0 : i32
      %dma_start3A_75 = tpu.memref_slice %arg8[%dma_start3A_73, %dma_start3A_74] : memref<10000x128xf32, #tpu.memory_space<vmem_shared>> -> memref<10000x128xf32, #tpu.memory_space<vmem_shared>>
      tpu.enqueue_indirect_dma source(%arg6 : memref<125x128xf32, #tpu.memory_space<vmem>>) target(%dma_start3A_75 : memref<10000x128xf32, #tpu.memory_space<vmem_shared>>) offsets(%dma_start3A_72 : memref<125xi32, #tpu.memory_space<vmem>>) semaphore(%arg9 : memref<!tpu.dma_semaphore, #tpu.memory_space<semaphore_mem>>) {add = true}
      %mul3A_76 = arith.constant 8 : i32
      %mul3A_77 = arith.muli %scan3A_56, %mul3A_76 : i32
      %add3A_78 = arith.constant 2 : i32
      %add3A_79 = arith.addi %mul3A_77, %add3A_78 : i32
      %dma_start3A_80 = arith.constant 0 : i32
      %dma_start3A_81 = tpu.memref_slice %arg5[%add3A_79, %dma_start3A_80] : memref<40x125xi32, #tpu.memory_space<vmem>> -> memref<1x125xi32, #tpu.memory_space<vmem>>
      %dma_start3A_82 = tpu.memref_squeeze %dma_start3A_81 : memref<1x125xi32, #tpu.memory_space<vmem>> -> memref<125xi32, #tpu.memory_space<vmem>>
      %dma_start3A_83 = arith.constant 0 : i32
      %dma_start3A_84 = arith.constant 0 : i32
      %dma_start3A_85 = tpu.memref_slice %arg8[%dma_start3A_83, %dma_start3A_84] : memref<10000x128xf32, #tpu.memory_space<vmem_shared>> -> memref<10000x128xf32, #tpu.memory_space<vmem_shared>>
      tpu.enqueue_indirect_dma source(%arg6 : memref<125x128xf32, #tpu.memory_space<vmem>>) target(%dma_start3A_85 : memref<10000x128xf32, #tpu.memory_space<vmem_shared>>) offsets(%dma_start3A_82 : memref<125xi32, #tpu.memory_space<vmem>>) semaphore(%arg9 : memref<!tpu.dma_semaphore, #tpu.memory_space<semaphore_mem>>) {add = true}
      %mul3A_86 = arith.constant 8 : i32
      %mul3A_87 = arith.muli %scan3A_56, %mul3A_86 : i32
      %add3A_88 = arith.constant 3 : i32
      %add3A_89 = arith.addi %mul3A_87, %add3A_88 : i32
      %dma_start3A_90 = arith.constant 0 : i32
      %dma_start3A_91 = tpu.memref_slice %arg5[%add3A_89, %dma_start3A_90] : memref<40x125xi32, #tpu.memory_space<vmem>> -> memref<1x125xi32, #tpu.memory_space<vmem>>
      %dma_start3A_92 = tpu.memref_squeeze %dma_start3A_91 : memref<1x125xi32, #tpu.memory_space<vmem>> -> memref<125xi32, #tpu.memory_space<vmem>>
      %dma_start3A_93 = arith.constant 0 : i32
      %dma_start3A_94 = arith.constant 0 : i32
      %dma_start3A_95 = tpu.memref_slice %arg8[%dma_start3A_93, %dma_start3A_94] : memref<10000x128xf32, #tpu.memory_space<vmem_shared>> -> memref<10000x128xf32, #tpu.memory_space<vmem_shared>>
      tpu.enqueue_indirect_dma source(%arg6 : memref<125x128xf32, #tpu.memory_space<vmem>>) target(%dma_start3A_95 : memref<10000x128xf32, #tpu.memory_space<vmem_shared>>) offsets(%dma_start3A_92 : memref<125xi32, #tpu.memory_space<vmem>>) semaphore(%arg9 : memref<!tpu.dma_semaphore, #tpu.memory_space<semaphore_mem>>) {add = true}
      %mul3A_96 = arith.constant 8 : i32
      %mul3A_97 = arith.muli %scan3A_56, %mul3A_96 : i32
      %add3A_98 = arith.constant 4 : i32
      %add3A_99 = arith.addi %mul3A_97, %add3A_98 : i32
      %dma_start3A_100 = arith.constant 0 : i32
      %dma_start3A_101 = tpu.memref_slice %arg5[%add3A_99, %dma_start3A_100] : memref<40x125xi32, #tpu.memory_space<vmem>> -> memref<1x125xi32, #tpu.memory_space<vmem>>
      %dma_start3A_102 = tpu.memref_squeeze %dma_start3A_101 : memref<1x125xi32, #tpu.memory_space<vmem>> -> memref<125xi32, #tpu.memory_space<vmem>>
      %dma_start3A_103 = arith.constant 0 : i32
      %dma_start3A_104 = arith.constant 0 : i32
      %dma_start3A_105 = tpu.memref_slice %arg8[%dma_start3A_103, %dma_start3A_104] : memref<10000x128xf32, #tpu.memory_space<vmem_shared>> -> memref<10000x128xf32, #tpu.memory_space<vmem_shared>>
      tpu.enqueue_indirect_dma source(%arg6 : memref<125x128xf32, #tpu.memory_space<vmem>>) target(%dma_start3A_105 : memref<10000x128xf32, #tpu.memory_space<vmem_shared>>) offsets(%dma_start3A_102 : memref<125xi32, #tpu.memory_space<vmem>>) semaphore(%arg9 : memref<!tpu.dma_semaphore, #tpu.memory_space<semaphore_mem>>) {add = true}
      %mul3A_106 = arith.constant 8 : i32
      %mul3A_107 = arith.muli %scan3A_56, %mul3A_106 : i32
      %add3A_108 = arith.constant 5 : i32
      %add3A_109 = arith.addi %mul3A_107, %add3A_108 : i32
      %dma_start3A_110 = arith.constant 0 : i32
      %dma_start3A_111 = tpu.memref_slice %arg5[%add3A_109, %dma_start3A_110] : memref<40x125xi32, #tpu.memory_space<vmem>> -> memref<1x125xi32, #tpu.memory_space<vmem>>
      %dma_start3A_112 = tpu.memref_squeeze %dma_start3A_111 : memref<1x125xi32, #tpu.memory_space<vmem>> -> memref<125xi32, #tpu.memory_space<vmem>>
      %dma_start3A_113 = arith.constant 0 : i32
      %dma_start3A_114 = arith.constant 0 : i32
      %dma_start3A_115 = tpu.memref_slice %arg8[%dma_start3A_113, %dma_start3A_114] : memref<10000x128xf32, #tpu.memory_space<vmem_shared>> -> memref<10000x128xf32, #tpu.memory_space<vmem_shared>>
      tpu.enqueue_indirect_dma source(%arg6 : memref<125x128xf32, #tpu.memory_space<vmem>>) target(%dma_start3A_115 : memref<10000x128xf32, #tpu.memory_space<vmem_shared>>) offsets(%dma_start3A_112 : memref<125xi32, #tpu.memory_space<vmem>>) semaphore(%arg9 : memref<!tpu.dma_semaphore, #tpu.memory_space<semaphore_mem>>) {add = true}
      %mul3A_116 = arith.constant 8 : i32
      %mul3A_117 = arith.muli %scan3A_56, %mul3A_116 : i32
      %add3A_118 = arith.constant 6 : i32
      %add3A_119 = arith.addi %mul3A_117, %add3A_118 : i32
      %dma_start3A_120 = arith.constant 0 : i32
      %dma_start3A_121 = tpu.memref_slice %arg5[%add3A_119, %dma_start3A_120] : memref<40x125xi32, #tpu.memory_space<vmem>> -> memref<1x125xi32, #tpu.memory_space<vmem>>
      %dma_start3A_122 = tpu.memref_squeeze %dma_start3A_121 : memref<1x125xi32, #tpu.memory_space<vmem>> -> memref<125xi32, #tpu.memory_space<vmem>>
      %dma_start3A_123 = arith.constant 0 : i32
      %dma_start3A_124 = arith.constant 0 : i32
      %dma_start3A_125 = tpu.memref_slice %arg8[%dma_start3A_123, %dma_start3A_124] : memref<10000x128xf32, #tpu.memory_space<vmem_shared>> -> memref<10000x128xf32, #tpu.memory_space<vmem_shared>>
      tpu.enqueue_indirect_dma source(%arg6 : memref<125x128xf32, #tpu.memory_space<vmem>>) target(%dma_start3A_125 : memref<10000x128xf32, #tpu.memory_space<vmem_shared>>) offsets(%dma_start3A_122 : memref<125xi32, #tpu.memory_space<vmem>>) semaphore(%arg9 : memref<!tpu.dma_semaphore, #tpu.memory_space<semaphore_mem>>) {add = true}
      %mul3A_126 = arith.constant 8 : i32
      %mul3A_127 = arith.muli %scan3A_56, %mul3A_126 : i32
      %add3A_128 = arith.constant 7 : i32
      %add3A_129 = arith.addi %mul3A_127, %add3A_128 : i32
      %dma_start3A_130 = arith.constant 0 : i32
      %dma_start3A_131 = tpu.memref_slice %arg5[%add3A_129, %dma_start3A_130] : memref<40x125xi32, #tpu.memory_space<vmem>> -> memref<1x125xi32, #tpu.memory_space<vmem>>
      %dma_start3A_132 = tpu.memref_squeeze %dma_start3A_131 : memref<1x125xi32, #tpu.memory_space<vmem>> -> memref<125xi32, #tpu.memory_space<vmem>>
      %dma_start3A_133 = arith.constant 0 : i32
      %dma_start3A_134 = arith.constant 0 : i32
      %dma_start3A_135 = tpu.memref_slice %arg8[%dma_start3A_133, %dma_start3A_134] : memref<10000x128xf32, #tpu.memory_space<vmem_shared>> -> memref<10000x128xf32, #tpu.memory_space<vmem_shared>>
      tpu.enqueue_indirect_dma source(%arg6 : memref<125x128xf32, #tpu.memory_space<vmem>>) target(%dma_start3A_135 : memref<10000x128xf32, #tpu.memory_space<vmem_shared>>) offsets(%dma_start3A_132 : memref<125xi32, #tpu.memory_space<vmem>>) semaphore(%arg9 : memref<!tpu.dma_semaphore, #tpu.memory_space<semaphore_mem>>) {add = true}
      %dma_wait3A = arith.constant 0 : i32
      %dma_wait3A_136 = tpu.memref_slice %arg5[%add3A_60, %dma_wait3A] : memref<40x125xi32, #tpu.memory_space<vmem>> -> memref<1x125xi32, #tpu.memory_space<vmem>>
      %dma_wait3A_137 = tpu.memref_squeeze %dma_wait3A_136 : memref<1x125xi32, #tpu.memory_space<vmem>> -> memref<125xi32, #tpu.memory_space<vmem>>
      %dma_wait3A_138 = arith.constant 0 : i32
      %dma_wait3A_139 = arith.constant 0 : i32
      %dma_wait3A_140 = tpu.memref_slice %arg8[%dma_wait3A_138, %dma_wait3A_139] : memref<10000x128xf32, #tpu.memory_space<vmem_shared>> -> memref<10000x128xf32, #tpu.memory_space<vmem_shared>>
      tpu.wait_indirect_dma semaphore(%arg9 : memref<!tpu.dma_semaphore, #tpu.memory_space<semaphore_mem>>) src(%arg6 : memref<125x128xf32, #tpu.memory_space<vmem>>) dst(%dma_wait3A_140 : memref<10000x128xf32, #tpu.memory_space<vmem_shared>>)
      %dma_wait3A_141 = arith.constant 0 : i32
      %dma_wait3A_142 = tpu.memref_slice %arg5[%add3A_69, %dma_wait3A_141] : memref<40x125xi32, #tpu.memory_space<vmem>> -> memref<1x125xi32, #tpu.memory_space<vmem>>
      %dma_wait3A_143 = tpu.memref_squeeze %dma_wait3A_142 : memref<1x125xi32, #tpu.memory_space<vmem>> -> memref<125xi32, #tpu.memory_space<vmem>>
      %dma_wait3A_144 = arith.constant 0 : i32
      %dma_wait3A_145 = arith.constant 0 : i32
      %dma_wait3A_146 = tpu.memref_slice %arg8[%dma_wait3A_144, %dma_wait3A_145] : memref<10000x128xf32, #tpu.memory_space<vmem_shared>> -> memref<10000x128xf32, #tpu.memory_space<vmem_shared>>
      tpu.wait_indirect_dma semaphore(%arg9 : memref<!tpu.dma_semaphore, #tpu.memory_space<semaphore_mem>>) src(%arg6 : memref<125x128xf32, #tpu.memory_space<vmem>>) dst(%dma_wait3A_146 : memref<10000x128xf32, #tpu.memory_space<vmem_shared>>)
      %dma_wait3A_147 = arith.constant 0 : i32
      %dma_wait3A_148 = tpu.memref_slice %arg5[%add3A_79, %dma_wait3A_147] : memref<40x125xi32, #tpu.memory_space<vmem>> -> memref<1x125xi32, #tpu.memory_space<vmem>>
      %dma_wait3A_149 = tpu.memref_squeeze %dma_wait3A_148 : memref<1x125xi32, #tpu.memory_space<vmem>> -> memref<125xi32, #tpu.memory_space<vmem>>
      %dma_wait3A_150 = arith.constant 0 : i32
      %dma_wait3A_151 = arith.constant 0 : i32
      %dma_wait3A_152 = tpu.memref_slice %arg8[%dma_wait3A_150, %dma_wait3A_151] : memref<10000x128xf32, #tpu.memory_space<vmem_shared>> -> memref<10000x128xf32, #tpu.memory_space<vmem_shared>>
      tpu.wait_indirect_dma semaphore(%arg9 : memref<!tpu.dma_semaphore, #tpu.memory_space<semaphore_mem>>) src(%arg6 : memref<125x128xf32, #tpu.memory_space<vmem>>) dst(%dma_wait3A_152 : memref<10000x128xf32, #tpu.memory_space<vmem_shared>>)
      %dma_wait3A_153 = arith.constant 0 : i32
      %dma_wait3A_154 = tpu.memref_slice %arg5[%add3A_89, %dma_wait3A_153] : memref<40x125xi32, #tpu.memory_space<vmem>> -> memref<1x125xi32, #tpu.memory_space<vmem>>
      %dma_wait3A_155 = tpu.memref_squeeze %dma_wait3A_154 : memref<1x125xi32, #tpu.memory_space<vmem>> -> memref<125xi32, #tpu.memory_space<vmem>>
      %dma_wait3A_156 = arith.constant 0 : i32
      %dma_wait3A_157 = arith.constant 0 : i32
      %dma_wait3A_158 = tpu.memref_slice %arg8[%dma_wait3A_156, %dma_wait3A_157] : memref<10000x128xf32, #tpu.memory_space<vmem_shared>> -> memref<10000x128xf32, #tpu.memory_space<vmem_shared>>
      tpu.wait_indirect_dma semaphore(%arg9 : memref<!tpu.dma_semaphore, #tpu.memory_space<semaphore_mem>>) src(%arg6 : memref<125x128xf32, #tpu.memory_space<vmem>>) dst(%dma_wait3A_158 : memref<10000x128xf32, #tpu.memory_space<vmem_shared>>)
      %dma_wait3A_159 = arith.constant 0 : i32
      %dma_wait3A_160 = tpu.memref_slice %arg5[%add3A_99, %dma_wait3A_159] : memref<40x125xi32, #tpu.memory_space<vmem>> -> memref<1x125xi32, #tpu.memory_space<vmem>>
      %dma_wait3A_161 = tpu.memref_squeeze %dma_wait3A_160 : memref<1x125xi32, #tpu.memory_space<vmem>> -> memref<125xi32, #tpu.memory_space<vmem>>
      %dma_wait3A_162 = arith.constant 0 : i32
      %dma_wait3A_163 = arith.constant 0 : i32
      %dma_wait3A_164 = tpu.memref_slice %arg8[%dma_wait3A_162, %dma_wait3A_163] : memref<10000x128xf32, #tpu.memory_space<vmem_shared>> -> memref<10000x128xf32, #tpu.memory_space<vmem_shared>>
      tpu.wait_indirect_dma semaphore(%arg9 : memref<!tpu.dma_semaphore, #tpu.memory_space<semaphore_mem>>) src(%arg6 : memref<125x128xf32, #tpu.memory_space<vmem>>) dst(%dma_wait3A_164 : memref<10000x128xf32, #tpu.memory_space<vmem_shared>>)
      %dma_wait3A_165 = arith.constant 0 : i32
      %dma_wait3A_166 = tpu.memref_slice %arg5[%add3A_109, %dma_wait3A_165] : memref<40x125xi32, #tpu.memory_space<vmem>> -> memref<1x125xi32, #tpu.memory_space<vmem>>
      %dma_wait3A_167 = tpu.memref_squeeze %dma_wait3A_166 : memref<1x125xi32, #tpu.memory_space<vmem>> -> memref<125xi32, #tpu.memory_space<vmem>>
      %dma_wait3A_168 = arith.constant 0 : i32
      %dma_wait3A_169 = arith.constant 0 : i32
      %dma_wait3A_170 = tpu.memref_slice %arg8[%dma_wait3A_168, %dma_wait3A_169] : memref<10000x128xf32, #tpu.memory_space<vmem_shared>> -> memref<10000x128xf32, #tpu.memory_space<vmem_shared>>
      tpu.wait_indirect_dma semaphore(%arg9 : memref<!tpu.dma_semaphore, #tpu.memory_space<semaphore_mem>>) src(%arg6 : memref<125x128xf32, #tpu.memory_space<vmem>>) dst(%dma_wait3A_170 : memref<10000x128xf32, #tpu.memory_space<vmem_shared>>)
      %dma_wait3A_171 = arith.constant 0 : i32
      %dma_wait3A_172 = tpu.memref_slice %arg5[%add3A_119, %dma_wait3A_171] : memref<40x125xi32, #tpu.memory_space<vmem>> -> memref<1x125xi32, #tpu.memory_space<vmem>>
      %dma_wait3A_173 = tpu.memref_squeeze %dma_wait3A_172 : memref<1x125xi32, #tpu.memory_space<vmem>> -> memref<125xi32, #tpu.memory_space<vmem>>
      %dma_wait3A_174 = arith.constant 0 : i32
      %dma_wait3A_175 = arith.constant 0 : i32
      %dma_wait3A_176 = tpu.memref_slice %arg8[%dma_wait3A_174, %dma_wait3A_175] : memref<10000x128xf32, #tpu.memory_space<vmem_shared>> -> memref<10000x128xf32, #tpu.memory_space<vmem_shared>>
      tpu.wait_indirect_dma semaphore(%arg9 : memref<!tpu.dma_semaphore, #tpu.memory_space<semaphore_mem>>) src(%arg6 : memref<125x128xf32, #tpu.memory_space<vmem>>) dst(%dma_wait3A_176 : memref<10000x128xf32, #tpu.memory_space<vmem_shared>>)
      %dma_wait3A_177 = arith.constant 0 : i32
      %dma_wait3A_178 = tpu.memref_slice %arg5[%add3A_129, %dma_wait3A_177] : memref<40x125xi32, #tpu.memory_space<vmem>> -> memref<1x125xi32, #tpu.memory_space<vmem>>
      %dma_wait3A_179 = tpu.memref_squeeze %dma_wait3A_178 : memref<1x125xi32, #tpu.memory_space<vmem>> -> memref<125xi32, #tpu.memory_space<vmem>>
      %dma_wait3A_180 = arith.constant 0 : i32
      %dma_wait3A_181 = arith.constant 0 : i32
      %dma_wait3A_182 = tpu.memref_slice %arg8[%dma_wait3A_180, %dma_wait3A_181] : memref<10000x128xf32, #tpu.memory_space<vmem_shared>> -> memref<10000x128xf32, #tpu.memory_space<vmem_shared>>
      tpu.wait_indirect_dma semaphore(%arg9 : memref<!tpu.dma_semaphore, #tpu.memory_space<semaphore_mem>>) src(%arg6 : memref<125x128xf32, #tpu.memory_space<vmem>>) dst(%dma_wait3A_182 : memref<10000x128xf32, #tpu.memory_space<vmem_shared>>)
    }
    %scan3A_44 = arith.constant 5 : i32
    %barrier3A_45 = arith.constant 0 : index
    tpu.barrier barrier_id(%barrier3A_45)
    %eq3A_46 = arith.constant 0 : i32
    %eq3A_47 = arith.cmpi eq, %arg0, %eq3A_46 : i32
    %convert_element_type3A_48 = arith.extui %eq3A_47 : i1 to i32
    %cond3A_49 = arith.constant 0 : i32
    %cond3A_50 = arith.cmpi ne, %convert_element_type3A_48, %cond3A_49 : i32
    scf.if %cond3A_50 {
      %mul3A_56 = arith.constant 624 : i32
      %mul3A_57 = arith.muli %arg1, %mul3A_56 : i32
      %multiple_of3A_58 = tpu.assume_multiple %mul3A_57, 8 : i32
      "tpu.region"() ({
        %run_scoped3A = tpu.sem_alloc : memref<!tpu.dma_semaphore, #tpu.memory_space<semaphore_mem>>
        %dma_start3A = arith.constant 0 : i32
        %dma_start3A_64 = tpu.memref_slice %arg3[%multiple_of3A_58, %dma_start3A] : memref<10000x128xf32, #tpu.memory_space<hbm>> -> memref<624x128xf32, #tpu.memory_space<hbm>>
        %dma_start3A_65 = arith.constant 0 : i32
        %dma_start3A_66 = tpu.memref_slice %arg8[%multiple_of3A_58, %dma_start3A_65] : memref<10000x128xf32, #tpu.memory_space<vmem_shared>> -> memref<624x128xf32, #tpu.memory_space<vmem_shared>>
        tpu.enqueue_dma source(%dma_start3A_66 : memref<624x128xf32, #tpu.memory_space<vmem_shared>>) target(%dma_start3A_64 : memref<624x128xf32, #tpu.memory_space<hbm>>) target_semaphore(%run_scoped3A : memref<!tpu.dma_semaphore, #tpu.memory_space<semaphore_mem>>)
        %dma_wait3A = arith.constant 0 : i32
        %dma_wait3A_67 = tpu.memref_slice %arg3[%multiple_of3A_58, %dma_wait3A] : memref<10000x128xf32, #tpu.memory_space<hbm>> -> memref<624x128xf32, #tpu.memory_space<hbm>>
        %dma_wait3A_68 = arith.constant 0 : i32
        %dma_wait3A_69 = tpu.memref_slice %arg8[%multiple_of3A_58, %dma_wait3A_68] : memref<10000x128xf32, #tpu.memory_space<vmem_shared>> -> memref<624x128xf32, #tpu.memory_space<vmem_shared>>
        tpu.wait_dma2 semaphore(%run_scoped3A : memref<!tpu.dma_semaphore, #tpu.memory_space<semaphore_mem>>) src(%dma_wait3A_69 : memref<624x128xf32, #tpu.memory_space<vmem_shared>>) dst(%dma_wait3A_67 : memref<624x128xf32, #tpu.memory_space<hbm>>)
        tpu.yield
      }) : () -> ()
      %eq3A_59 = arith.constant 15 : i32
      %eq3A_60 = arith.cmpi eq, %arg1, %eq3A_59 : i32
      %convert_element_type3A_61 = arith.extui %eq3A_60 : i1 to i32
      %cond3A_62 = arith.constant 0 : i32
      %cond3A_63 = arith.cmpi ne, %convert_element_type3A_61, %cond3A_62 : i32
      scf.if %cond3A_63 {
        "tpu.region"() ({
          %run_scoped3A = tpu.sem_alloc : memref<!tpu.dma_semaphore, #tpu.memory_space<semaphore_mem>>
          %dma_start3A = arith.constant 9984 : i32
          %dma_start3A_64 = arith.constant 0 : i32
          %dma_start3A_65 = tpu.memref_slice %arg3[%dma_start3A, %dma_start3A_64] : memref<10000x128xf32, #tpu.memory_space<hbm>> -> memref<16x128xf32, #tpu.memory_space<hbm>>
          %dma_start3A_66 = arith.constant 9984 : i32
          %dma_start3A_67 = arith.constant 0 : i32
          %dma_start3A_68 = tpu.memref_slice %arg8[%dma_start3A_66, %dma_start3A_67] : memref<10000x128xf32, #tpu.memory_space<vmem_shared>> -> memref<16x128xf32, #tpu.memory_space<vmem_shared>>
          tpu.enqueue_dma source(%dma_start3A_68 : memref<16x128xf32, #tpu.memory_space<vmem_shared>>) target(%dma_start3A_65 : memref<16x128xf32, #tpu.memory_space<hbm>>) target_semaphore(%run_scoped3A : memref<!tpu.dma_semaphore, #tpu.memory_space<semaphore_mem>>)
          %dma_wait3A = arith.constant 9984 : i32
          %dma_wait3A_69 = arith.constant 0 : i32
          %dma_wait3A_70 = tpu.memref_slice %arg3[%dma_wait3A, %dma_wait3A_69] : memref<10000x128xf32, #tpu.memory_space<hbm>> -> memref<16x128xf32, #tpu.memory_space<hbm>>
          %dma_wait3A_71 = arith.constant 9984 : i32
          %dma_wait3A_72 = arith.constant 0 : i32
          %dma_wait3A_73 = tpu.memref_slice %arg8[%dma_wait3A_71, %dma_wait3A_72] : memref<10000x128xf32, #tpu.memory_space<vmem_shared>> -> memref<16x128xf32, #tpu.memory_space<vmem_shared>>
          tpu.wait_dma2 semaphore(%run_scoped3A : memref<!tpu.dma_semaphore, #tpu.memory_space<semaphore_mem>>) src(%dma_wait3A_73 : memref<16x128xf32, #tpu.memory_space<vmem_shared>>) dst(%dma_wait3A_70 : memref<16x128xf32, #tpu.memory_space<hbm>>)
          tpu.yield
        }) : () -> ()
      } else {
      }
    } else {
    }
    %eq3A_51 = arith.constant 1 : i32
    %eq3A_52 = arith.cmpi eq, %arg0, %eq3A_51 : i32
    %convert_element_type3A_53 = arith.extui %eq3A_52 : i1 to i32
    %cond3A_54 = arith.constant 0 : i32
    %cond3A_55 = arith.cmpi ne, %convert_element_type3A_53, %cond3A_54 : i32
    scf.if %cond3A_55 {
      %mul3A_56 = arith.constant 624 : i32
      %mul3A_57 = arith.muli %arg1, %mul3A_56 : i32
      %multiple_of3A_58 = tpu.assume_multiple %mul3A_57, 8 : i32
      "tpu.region"() ({
        %run_scoped3A = tpu.sem_alloc : memref<!tpu.dma_semaphore, #tpu.memory_space<semaphore_mem>>
        %dma_start3A = arith.constant 0 : i32
        %dma_start3A_64 = tpu.memref_slice %arg4[%multiple_of3A_58, %dma_start3A] : memref<10000x128xf32, #tpu.memory_space<hbm>> -> memref<624x128xf32, #tpu.memory_space<hbm>>
        %dma_start3A_65 = arith.constant 0 : i32
        %dma_start3A_66 = tpu.memref_slice %arg8[%multiple_of3A_58, %dma_start3A_65] : memref<10000x128xf32, #tpu.memory_space<vmem_shared>> -> memref<624x128xf32, #tpu.memory_space<vmem_shared>>
        tpu.enqueue_dma source(%dma_start3A_66 : memref<624x128xf32, #tpu.memory_space<vmem_shared>>) target(%dma_start3A_64 : memref<624x128xf32, #tpu.memory_space<hbm>>) target_semaphore(%run_scoped3A : memref<!tpu.dma_semaphore, #tpu.memory_space<semaphore_mem>>)
        %dma_wait3A = arith.constant 0 : i32
        %dma_wait3A_67 = tpu.memref_slice %arg4[%multiple_of3A_58, %dma_wait3A] : memref<10000x128xf32, #tpu.memory_space<hbm>> -> memref<624x128xf32, #tpu.memory_space<hbm>>
        %dma_wait3A_68 = arith.constant 0 : i32
        %dma_wait3A_69 = tpu.memref_slice %arg8[%multiple_of3A_58, %dma_wait3A_68] : memref<10000x128xf32, #tpu.memory_space<vmem_shared>> -> memref<624x128xf32, #tpu.memory_space<vmem_shared>>
        tpu.wait_dma2 semaphore(%run_scoped3A : memref<!tpu.dma_semaphore, #tpu.memory_space<semaphore_mem>>) src(%dma_wait3A_69 : memref<624x128xf32, #tpu.memory_space<vmem_shared>>) dst(%dma_wait3A_67 : memref<624x128xf32, #tpu.memory_space<hbm>>)
        tpu.yield
      }) : () -> ()
      %eq3A_59 = arith.constant 15 : i32
      %eq3A_60 = arith.cmpi eq, %arg1, %eq3A_59 : i32
      %convert_element_type3A_61 = arith.extui %eq3A_60 : i1 to i32
      %cond3A_62 = arith.constant 0 : i32
      %cond3A_63 = arith.cmpi ne, %convert_element_type3A_61, %cond3A_62 : i32
      scf.if %cond3A_63 {
        "tpu.region"() ({
          %run_scoped3A = tpu.sem_alloc : memref<!tpu.dma_semaphore, #tpu.memory_space<semaphore_mem>>
          %dma_start3A = arith.constant 9984 : i32
          %dma_start3A_64 = arith.constant 0 : i32
          %dma_start3A_65 = tpu.memref_slice %arg4[%dma_start3A, %dma_start3A_64] : memref<10000x128xf32, #tpu.memory_space<hbm>> -> memref<16x128xf32, #tpu.memory_space<hbm>>
          %dma_start3A_66 = arith.constant 9984 : i32
          %dma_start3A_67 = arith.constant 0 : i32
          %dma_start3A_68 = tpu.memref_slice %arg8[%dma_start3A_66, %dma_start3A_67] : memref<10000x128xf32, #tpu.memory_space<vmem_shared>> -> memref<16x128xf32, #tpu.memory_space<vmem_shared>>
          tpu.enqueue_dma source(%dma_start3A_68 : memref<16x128xf32, #tpu.memory_space<vmem_shared>>) target(%dma_start3A_65 : memref<16x128xf32, #tpu.memory_space<hbm>>) target_semaphore(%run_scoped3A : memref<!tpu.dma_semaphore, #tpu.memory_space<semaphore_mem>>)
          %dma_wait3A = arith.constant 9984 : i32
          %dma_wait3A_69 = arith.constant 0 : i32
          %dma_wait3A_70 = tpu.memref_slice %arg4[%dma_wait3A, %dma_wait3A_69] : memref<10000x128xf32, #tpu.memory_space<hbm>> -> memref<16x128xf32, #tpu.memory_space<hbm>>
          %dma_wait3A_71 = arith.constant 9984 : i32
          %dma_wait3A_72 = arith.constant 0 : i32
          %dma_wait3A_73 = tpu.memref_slice %arg8[%dma_wait3A_71, %dma_wait3A_72] : memref<10000x128xf32, #tpu.memory_space<vmem_shared>> -> memref<16x128xf32, #tpu.memory_space<vmem_shared>>
          tpu.wait_dma2 semaphore(%run_scoped3A : memref<!tpu.dma_semaphore, #tpu.memory_space<semaphore_mem>>) src(%dma_wait3A_73 : memref<16x128xf32, #tpu.memory_space<vmem_shared>>) dst(%dma_wait3A_70 : memref<16x128xf32, #tpu.memory_space<hbm>>)
          tpu.yield
        }) : () -> ()
      } else {
      }
    } else {
    }
    return
  }
}

module attributes {stable_mosaic.version = 14 : i64} {
  func.func @_pre_body(%arg0: i32, %arg1: i32, %arg2: memref<1000x256xf32, #tpu.memory_space<vmem>>, %arg3: memref<256x128xf32, #tpu.memory_space<vmem>>, %arg4: memref<1000x128xf32, #tpu.memory_space<vmem>>) attributes {dimension_semantics = [#tpu.dimension_semantics<arbitrary>, #tpu.dimension_semantics<arbitrary>], iteration_bounds = array<i64: 10, 2>, scalar_prefetch = 0 : i64, scratch_operands = 0 : i64, tpu.core_type = #tpu.core_type<tc>, window_params = [{transform_indices = @transform_0, window_bounds = array<i64: 1000, 256>}, {transform_indices = @transform_1, window_bounds = array<i64: 256, 128>}, {transform_indices = @transform_2, window_bounds = array<i64: 1000, 128>}]} {
    %get3A = arith.constant 0 : index
    %get3A_0 = arith.constant 0 : index
    %get3A_1 = vector.load %arg2[%get3A, %get3A_0] : memref<1000x256xf32, #tpu.memory_space<vmem>>, vector<1000x256xf32>
    %get3A_2 = arith.constant 0 : index
    %get3A_3 = arith.constant 0 : index
    %get3A_4 = vector.load %arg3[%get3A_2, %get3A_3] : memref<256x128xf32, #tpu.memory_space<vmem>>, vector<256x128xf32>
    %dot_general3A = arith.constant dense<0.000000e+00> : vector<1000x128xf32>
    %dot_general3A_5 = tpu.matmul %get3A_1, %get3A_4, %dot_general3A {dimension_numbers = #tpu.dot_dimension_numbers<[1], [0], [0], [1], [0, 0, 1, 1], [], []>, transpose_lhs_hint = false} : vector<1000x256xf32>, vector<256x128xf32>, vector<1000x128xf32> -> vector<1000x128xf32>
    %max3A = arith.constant 0.000000e+00 : f32
    %max3A_6 = vector.broadcast %max3A : f32 to vector<1000x128xf32>
    %max3A_7 = arith.maximumf %dot_general3A_5, %max3A_6 : vector<1000x128xf32>
    %swap3A = arith.constant 0 : index
    %swap3A_8 = arith.constant 0 : index
    %swap3A_9 = vector.load %arg4[%swap3A, %swap3A_8] : memref<1000x128xf32, #tpu.memory_space<vmem>>, vector<1000x128xf32>
    tpu.vector_store %arg4[%swap3A, %swap3A_8], %max3A_7 {strides = array<i32>} : memref<1000x128xf32, #tpu.memory_space<vmem>>, vector<1000x128xf32>,
    return
  }
  func.func @transform_0(%arg0: i32, %arg1: i32) -> (i32, i32) {
    %c0_i32 = arith.constant 0 : i32
    %c0_i32_0 = arith.constant 0 : i32
    return %arg0, %c0_i32 : i32, i32
  }
  func.func @transform_1(%arg0: i32, %arg1: i32) -> (i32, i32) {
    %c0_i32 = arith.constant 0 : i32
    %c0_i32_0 = arith.constant 0 : i32
    return %c0_i32, %arg1 : i32, i32
  }
  func.func @transform_2(%arg0: i32, %arg1: i32) -> (i32, i32) {
    %mul3A = arith.constant 10 : i32
    %mul3A_0 = arith.muli %arg1, %mul3A : i32
    %add3A = arith.addi %mul3A_0, %arg0 : i32
    %c0_i32 = arith.constant 0 : i32
    %c0_i32_1 = arith.constant 0 : i32
    return %add3A, %c0_i32 : i32, i32
  }
}

module attributes {stable_mosaic.version = 14 : i64} {
  func.func @_final_body(%arg0: i32, %arg1: memref<1000x256xf32, #tpu.memory_space<vmem>>, %arg2: memref<1000x128xf32, #tpu.memory_space<vmem>>, %arg3: memref<1000x128xf32, #tpu.memory_space<vmem>>, %arg4: memref<1000x128xf32, #tpu.memory_space<vmem>>, %arg5: memref<1000x128xf32, #tpu.memory_space<vmem>>, %arg6: memref<256x256xf32, #tpu.memory_space<vmem>>, %arg7: memref<256x256xf32, #tpu.memory_space<vmem>>, %arg8: memref<1000x256xf32, #tpu.memory_space<vmem>>) attributes {dimension_semantics = [#tpu.dimension_semantics<arbitrary>], iteration_bounds = array<i64: 10>, scalar_prefetch = 0 : i64, scratch_operands = 0 : i64, tpu.core_type = #tpu.core_type<tc>, window_params = [{transform_indices = @transform_0, window_bounds = array<i64: 1000, 256>}, {transform_indices = @transform_1, window_bounds = array<i64: 1000, 128>}, {transform_indices = @transform_2, window_bounds = array<i64: 1000, 128>}, {transform_indices = @transform_3, window_bounds = array<i64: 1000, 128>}, {transform_indices = @transform_4, window_bounds = array<i64: 1000, 128>}, {pipeline_mode = #tpu.pipeline_mode<synchronous>, transform_indices = @transform_5, window_bounds = array<i64: 256, 256>}, {pipeline_mode = #tpu.pipeline_mode<synchronous>, transform_indices = @transform_6, window_bounds = array<i64: 256, 256>}, {transform_indices = @transform_7, window_bounds = array<i64: 1000, 256>}]} {
    %get3A = arith.constant 0 : index
    %get3A_0 = arith.constant 0 : index
    %get3A_1 = vector.load %arg4[%get3A, %get3A_0] : memref<1000x128xf32, #tpu.memory_space<vmem>>, vector<1000x1xf32>
    %get3A_2 = arith.constant 0 : index
    %get3A_3 = arith.constant 0 : index
    %get3A_4 = vector.load %arg5[%get3A_2, %get3A_3] : memref<1000x128xf32, #tpu.memory_space<vmem>>, vector<1000x1xf32>
    %add3A = arith.addf %get3A_1, %get3A_4 : vector<1000x1xf32>
    %max3A = arith.constant 1.000000e+00 : f32
    %max3A_5 = vector.broadcast %max3A : f32 to vector<1000x1xf32>
    %max3A_6 = arith.maximumf %add3A, %max3A_5 : vector<1000x1xf32>
    %div3A = arith.constant 1.000000e+00 : f32
    %div3A_7 = vector.broadcast %div3A : f32 to vector<1000x1xf32>
    %div3A_8 = arith.divf %div3A_7, %max3A_6 : vector<1000x1xf32>
    %get3A_9 = arith.constant 0 : index
    %get3A_10 = arith.constant 0 : index
    %get3A_11 = vector.load %arg7[%get3A_9, %get3A_10] : memref<256x256xf32, #tpu.memory_space<vmem>>, vector<256x256xf32>
    %get3A_12 = arith.constant 0 : index
    %get3A_13 = arith.constant 0 : index
    %get3A_14 = vector.load %arg1[%get3A_12, %get3A_13] : memref<1000x256xf32, #tpu.memory_space<vmem>>, vector<1000x256xf32>
    %get3A_15 = arith.constant 0 : index
    %get3A_16 = arith.constant 0 : index
    %get3A_17 = vector.load %arg6[%get3A_15, %get3A_16] : memref<256x256xf32, #tpu.memory_space<vmem>>, vector<256x256xf32>
    %dot_general3A = arith.constant dense<0.000000e+00> : vector<1000x256xf32>
    %dot_general3A_18 = tpu.matmul %get3A_14, %get3A_17, %dot_general3A {dimension_numbers = #tpu.dot_dimension_numbers<[1], [0], [0], [1], [0, 0, 1, 1], [], []>, transpose_lhs_hint = false} : vector<1000x256xf32>, vector<256x256xf32>, vector<1000x256xf32> -> vector<1000x256xf32>
    %get3A_19 = arith.constant 0 : index
    %get3A_20 = arith.constant 0 : index
    %get3A_21 = vector.load %arg2[%get3A_19, %get3A_20] : memref<1000x128xf32, #tpu.memory_space<vmem>>, vector<1000x128xf32>
    %mul3A = vector.broadcast %div3A_8 : vector<1000x1xf32> to vector<1000x128xf32>
    %mul3A_22 = arith.mulf %get3A_21, %mul3A : vector<1000x128xf32>
    %slice3A = vector.extract_strided_slice %get3A_11 {offsets = [0, 0], sizes = [128, 256], strides = [1, 1]} : vector<256x256xf32> to vector<128x256xf32>
    %dot_general3A_23 = arith.constant dense<0.000000e+00> : vector<1000x256xf32>
    %dot_general3A_24 = tpu.matmul %mul3A_22, %slice3A, %dot_general3A_23 {dimension_numbers = #tpu.dot_dimension_numbers<[1], [0], [0], [1], [0, 0, 1, 1], [], []>, transpose_lhs_hint = false} : vector<1000x128xf32>, vector<128x256xf32>, vector<1000x256xf32> -> vector<1000x256xf32>
    %add3A_25 = arith.addf %dot_general3A_18, %dot_general3A_24 : vector<1000x256xf32>
    %get3A_26 = arith.constant 0 : index
    %get3A_27 = arith.constant 0 : index
    %get3A_28 = vector.load %arg3[%get3A_26, %get3A_27] : memref<1000x128xf32, #tpu.memory_space<vmem>>, vector<1000x128xf32>
    %mul3A_29 = vector.broadcast %div3A_8 : vector<1000x1xf32> to vector<1000x128xf32>
    %mul3A_30 = arith.mulf %get3A_28, %mul3A_29 : vector<1000x128xf32>
    %slice3A_31 = vector.extract_strided_slice %get3A_11 {offsets = [128, 0], sizes = [128, 256], strides = [1, 1]} : vector<256x256xf32> to vector<128x256xf32>
    %dot_general3A_32 = arith.constant dense<0.000000e+00> : vector<1000x256xf32>
    %dot_general3A_33 = tpu.matmul %mul3A_30, %slice3A_31, %dot_general3A_32 {dimension_numbers = #tpu.dot_dimension_numbers<[1], [0], [0], [1], [0, 0, 1, 1], [], []>, transpose_lhs_hint = false} : vector<1000x128xf32>, vector<128x256xf32>, vector<1000x256xf32> -> vector<1000x256xf32>
    %add3A_34 = arith.addf %add3A_25, %dot_general3A_33 : vector<1000x256xf32>
    %max3A_35 = arith.constant 0.000000e+00 : f32
    %max3A_36 = vector.broadcast %max3A_35 : f32 to vector<1000x256xf32>
    %max3A_37 = arith.maximumf %add3A_34, %max3A_36 : vector<1000x256xf32>
    %swap3A = arith.constant 0 : index
    %swap3A_38 = arith.constant 0 : index
    %swap3A_39 = vector.load %arg8[%swap3A, %swap3A_38] : memref<1000x256xf32, #tpu.memory_space<vmem>>, vector<1000x256xf32>
    tpu.vector_store %arg8[%swap3A, %swap3A_38], %max3A_37 {strides = array<i32>} : memref<1000x256xf32, #tpu.memory_space<vmem>>, vector<1000x256xf32>,
    return
  }
  func.func @transform_0(%arg0: i32) -> (i32, i32) {
    %c0_i32 = arith.constant 0 : i32
    %c0_i32_0 = arith.constant 0 : i32
    return %arg0, %c0_i32 : i32, i32
  }
  func.func @transform_1(%arg0: i32) -> (i32, i32) {
    %c0_i32 = arith.constant 0 : i32
    %c0_i32_0 = arith.constant 0 : i32
    return %arg0, %c0_i32 : i32, i32
  }
  func.func @transform_2(%arg0: i32) -> (i32, i32) {
    %c0_i32 = arith.constant 0 : i32
    %c0_i32_0 = arith.constant 0 : i32
    return %arg0, %c0_i32 : i32, i32
  }
  func.func @transform_3(%arg0: i32) -> (i32, i32) {
    %c0_i32 = arith.constant 0 : i32
    %c0_i32_0 = arith.constant 0 : i32
    return %arg0, %c0_i32 : i32, i32
  }
  func.func @transform_4(%arg0: i32) -> (i32, i32) {
    %c0_i32 = arith.constant 0 : i32
    %c0_i32_0 = arith.constant 0 : i32
    return %arg0, %c0_i32 : i32, i32
  }
  func.func @transform_5(%arg0: i32) -> (i32, i32) {
    %c0_i32 = arith.constant 0 : i32
    %c0_i32_0 = arith.constant 0 : i32
    %c0_i32_1 = arith.constant 0 : i32
    return %c0_i32, %c0_i32_0 : i32, i32
  }
  func.func @transform_6(%arg0: i32) -> (i32, i32) {
    %c0_i32 = arith.constant 0 : i32
    %c0_i32_0 = arith.constant 0 : i32
    %c0_i32_1 = arith.constant 0 : i32
    return %c0_i32, %c0_i32_0 : i32, i32
  }
  func.func @transform_7(%arg0: i32) -> (i32, i32) {
    %c0_i32 = arith.constant 0 : i32
    %c0_i32_0 = arith.constant 0 : i32
    return %arg0, %c0_i32 : i32, i32
  }
}

</mosaic_0001>

<sc_bundles>
// kernel: kernel.6.cloned.1.call-start
scs
__scs_entry_jumppad:
0x0: {  	(pc) =	sbr.rel $0x88, $3  }
0x1: {  	(tag) =	ssettag $0x0;
	lr =	simm.s32 $0x1  }
0x2: {  	[smem:$0x3F9B] =	sst lr;
	_ =	strace $0xD0000000  }
0x3: {  	_ = 	snop  }
0x4: {  	_ = 	snop  }
0x5: {  	_ = 	snop  }
0x6: {  	_ = 	snop  }
0x7: {  	_ = 	snop  }
__scs_overlays_trampoline_lowered:
0x8: {  	[smem:$0x3FAA] =	sst s0  }
0x9: {  	[smem:$0x3FAB] =	sst s1  }
0xa: {  	[smem:$0x3FAC] =	sst s2  }
0xb: {  	[smem:$0x3FAD] =	sst s3  }
0xc: {  	[smem:$0x3FAE] =	sst s4  }
0xd: {  	[smem:$0x3FAF] =	sst s5  }
0xe: {  	[smem:$0x3FB0] =	sst s6  }
0xf: {  	[smem:$0x3FB1] =	sst s7  }
0x10: {  	[smem:$0x3FB2] =	sst s8  }
0x11: {  	[smem:$0x3FB3] =	sst s9;
	s0 =	simm.s32 @!p0 $0x0  }
0x12: {  	s1 =	sld [smem:$0x3F99];
	s0 =	simm.s32 @p0 $0x1  }
0x13: {  	[smem:$0x3FB4] =	sst s0;
	s0 =	simm.s32 @!p1 $0x0  }
0x14: {  	s2 =	sld [smem:$0x3F98];
	s0 =	simm.s32 @p1 $0x1  }
0x15: {  	[smem:$0x3FB5] =	sst s0;
	s0 =	simm.s32 @!p2 $0x0  }
0x16: {  	s3 =	sld [smem:$0x3FDB];
	s0 =	simm.s32 @p2 $0x1  }
0x17: {  	s4 =	simm.s32 $0x1BF5;
	[smem:$0x3FB7] =	sst s0  }
0x18: {  	s0 =	sld [smem:$0x3F9A];
	_ =	swait.ge [sflag:s4], $0x0  }
0x19: {  	s7 =	sld [smem:$0x3F9B]  }
0x1a: {  	s8 =	sadd.s32 $0xFFFFE003, lr  }
0x1b: {  	s9 =	sadd.s32 $0xFFFFFEF7, lr;
	s5 =	simm.s32 $0xFFFFFFFF;
	p2 =	slt.u32 s8, $0xFFFFF086  }
0x1c: {  	p1 =	slt.u32 s9, $0xF7A;
	s5 =	simm.s32 @!p2 $0x0  }
0x1d: {  	s5 =	simm.s32 @p1 $0x1;
	p0 =	seq.s32 s7, s2  }
0x1e: {  	s7 =	smul.u32 @!p0 $0xF7A, s2;
	p2 =	seq.s32 @!p0 s5, $0x0  }
0x1f: {  	s9 =	smul.u32 $0xF7A, s1;
	s8 =	simm.s32 @!p0 $0x1BF5;
	p2 =	por !p2, p0  }
0x20: {  	[sflag:s8] =	ssyncset.s32 @!p0 $0xFFFFF086;
	s6 =	sadd.s32 @!p0 s3, s7;
	s7 =	simm.s32 @!p0 $0x108  }
0x21: {  	s3 =	sadd.s32 s3, s9;
	s6 =	sadd.s32 @!p0 $0x88, s6;
	s7 =	simm.s32 @p2 $0x1082  }
0x22: {  	[simem:s7], [sflag:s8] =	dma.local @!p0 [hbm:s6], $0xF7A  }
0x23: {  	s9 =	sor.u32 $0xD0000000, s2;
	s6 =	simm.s32 $0x108;
	_ =	swait.ge @!p0 [sflag:s8], $0x0  }
0x24: {  	s3 =	sadd.s32 $0x88, s3;
	s6 =	simm.s32 @!p1 $0x1082;
	[sflag:s4] =	ssyncset.s32 $0xFFFFF086  }
0x25: {  	[simem:s6], [sflag:s4] =	dma.local [hbm:s3], $0xF7A  }
0x26: {  	[smem:$0x3F9B] =	sst s1;
	(tag) =	ssettag s2;
	_ =	strace s9  }
0x27: {  	s1 =	sld [smem:$0x3FAB]  }
0x28: {  	s2 =	sld [smem:$0x3FAC]  }
0x29: {  	s4 =	sld [smem:$0x3FAE]  }
0x2a: {  	p0 =	seq.s32 s5, $0x0;
	s5 =	sld [smem:$0x3FAF]  }
0x2b: {  	s6 =	sld [smem:$0x3FB0]  }
0x2c: {  	s7 =	sld [smem:$0x3FB1]  }
0x2d: {  	s3 =	simm.s32 $0x108;
	s8 =	sld [smem:$0x3FB2]  }
0x2e: {  	s3 =	simm.s32 @!p0 $0x1082;
	s9 =	sld [smem:$0x3FB3]  }
0x2f: {  	lr =	sadd.s32 s0, s3;
	s0 =	sld [smem:$0x3FAA]  }
0x30: {  	s3 =	sld [smem:$0x3FAD]  }
0x31: {  	[smem:$0x3FB6] =	sst s10  }
0x32: {  	s10 =	sld [smem:$0x3FB4];
	_ =	sdelay $0x3  }
0x33: {  	p0 =	seq.s32 s10, $0x1;
	s10 =	sld [smem:$0x3FB6];
	_ =	sdelay $0x3  }
0x34: {  	[smem:$0x3FB6] =	sst s10  }
0x35: {  	s10 =	sld [smem:$0x3FB5];
	_ =	sdelay $0x3  }
0x36: {  	p1 =	seq.s32 s10, $0x1;
	s10 =	sld [smem:$0x3FB6];
	_ =	sdelay $0x3  }
0x37: {  	[smem:$0x3FB6] =	sst s10  }
0x38: {  	s10 =	sld [smem:$0x3FB7]  }
0x39: {  	_ = 	snop;
	(pc) =	sbr.ind lr, $3  }
0x3a: {  	_ = 	snop  }
0x3b: {  	_ = 	snop  }
0x3c: {  	p2 =	seq.s32 s10, $0x1;
	s10 =	sld [smem:$0x3FB6]  }
0x3d: {  	_ =	shalt  }
0x3e: {  	_ =	shalt  }
0x3f: {  	_ =	shalt  }
0x40: {  	_ =	shalt  }
0x41: {  	_ =	shalt  }
0x42: {  	_ =	shalt  }
0x43: {  	_ =	shalt  }
0x44: {  	_ =	shalt  }
0x45: {  	_ =	shalt  }
0x46: {  	_ =	shalt  }
0x47: {  	_ =	shalt  }
0x48: {  	_ =	shalt  }
0x49: {  	_ =	shalt  }
0x4a: {  	_ =	shalt  }
0x4b: {  	_ =	shalt  }
0x4c: {  	_ =	shalt  }
0x4d: {  	_ =	shalt  }
0x4e: {  	_ =	shalt  }
0x4f: {  	_ =	shalt  }
0x50: {  	_ =	shalt  }
0x51: {  	_ =	shalt  }
0x52: {  	_ =	shalt  }
0x53: {  	_ =	shalt  }
0x54: {  	_ =	shalt  }
0x55: {  	_ =	shalt  }
0x56: {  	_ =	shalt  }
0x57: {  	_ =	shalt  }
0x58: {  	_ =	shalt  }
0x59: {  	_ =	shalt  }
0x5a: {  	_ =	shalt  }
0x5b: {  	_ =	shalt  }
0x5c: {  	_ =	shalt  }
0x5d: {  	_ =	shalt  }
0x5e: {  	_ =	shalt  }
0x5f: {  	_ =	shalt  }
0x60: {  	_ =	shalt  }
0x61: {  	_ =	shalt  }
0x62: {  	_ =	shalt  }
0x63: {  	_ =	shalt  }
0x64: {  	_ =	shalt  }
0x65: {  	_ =	shalt  }
0x66: {  	_ =	shalt  }
0x67: {  	_ =	shalt  }
0x68: {  	_ =	shalt  }
0x69: {  	_ =	shalt  }
0x6a: {  	_ =	shalt  }
0x6b: {  	_ =	shalt  }
0x6c: {  	_ =	shalt  }
0x6d: {  	_ =	shalt  }
0x6e: {  	_ =	shalt  }
0x6f: {  	_ =	shalt  }
0x70: {  	_ =	shalt  }
0x71: {  	_ =	shalt  }
0x72: {  	_ =	shalt  }
0x73: {  	_ =	shalt  }
0x74: {  	_ =	shalt  }
0x75: {  	_ =	shalt  }
0x76: {  	_ =	shalt  }
0x77: {  	_ =	shalt  }
0x78: {  	_ =	shalt  }
0x79: {  	_ =	shalt  }
0x7a: {  	_ =	shalt  }
0x7b: {  	_ =	shalt  }
0x7c: {  	_ =	shalt  }
0x7d: {  	_ =	shalt  }
0x7e: {  	_ =	shalt  }
0x7f: {  	_ =	shalt  }
0x80: {  	_ =	shalt  }
0x81: {  	_ =	shalt  }
0x82: {  	_ =	shalt  }
0x83: {  	_ =	shalt  }
0x84: {  	_ =	shalt  }
0x85: {  	_ =	shalt  }
0x86: {  	_ =	shalt  }
0x87: {  	_ =	shalt  }
.Lfunc_end0:
.L_simem_size_0:
called_computation_lowered:
.L_overlay_start_0:
0x88: {  	s2 =	sld [smem:$0x3FD9]  }
0x89: {  	s3 =	sld [smem:$0x3FFE];
	_ =	sdelay $0x1  }
0x8a: {  	s1 =	srdreg.scid  }
0x8b: {  	s0 =	sand.u32 $0x1, s1  }
0x8c: {  	s17 =	sshll.u32 s0, $0xA;
	s2 =	sadd.s32 s3, s2  }
0x8d: {  	s2 =	sadd.s32 s2, s17  }
0x8e: {  	[smem:$0x3FC2] =	sst s2  }
0x8f: {  	_ = 	snop  }
0x90: {  	(tm) =	ssettm $0x1  }
0x91: {  	s18 =	sld [smem:$0x3FFB];
	_ =	sdelay $0x3  }
0x92: {  	_ =	strace s18  }
0x93: {  	s2 =	sld [smem:$0x3FFC];
	_ =	sdelay $0x3  }
0x94: {  	_ =	strace s2  }
0x95: {  	s2 =	sld [smem:$0x3FFD];
	_ =	sdelay $0x3  }
0x96: {  	_ =	strace s2  }
0x97: {  	_ =	strace $0x8FFFFFFF  }
0x98: {  	s19 =	sld [smem:$0x3FDB];
	_ =	sdelay $0x1  }
0x99: {  	s20 =	simm.s32 $_scs_section_size  }
0x9a: {  	s4 =	simm.s32 $_size__tile_overlayer_lowered;
	s5 =	simm.s32 $_tile_overlayer_lowered  }
0x9b: {  	s6 =	simm.s32 $0x1BFF;
	s21 =	sshll.u32 s5, $0x1;
	s3 =	sadd.s32 s20, s19  }
0x9c: {  	s22 =	simm.s32 $0x0;
	s4 =	sshll.u32 s4, $0x1;
	s5 =	sadd.s32 s21, s3  }
0x9d: {  	[timem:s22], [sflag:s6] =	dma.local [hbm:s5], s4  }
0x9e: {  	_ =	swait.ge [sflag:s6], s4  }
0x9f: {  	s4 =	ssub.s32 $0x0, s4;
	[sflag:s6] =	ssyncset.done $0x0  }
0xa0: {  	[sflag:s6] =	ssyncadd.s32 s4;
	_ =	sdelay $0x1  }
0xa1: {  	s23 =	simm.s32 $0x1B8B  }
0xa2: {  	_ =	swait.ge [sflag:s23], $0x1  }
0xa3: {  	[sflag:s23] =	ssyncset.done $0x0  }
0xa4: {  	[sflag:s23] =	ssyncadd.s32 $0xFFFFFFFF  }
0xa5: {  	s4 =	sld [smem:$0x0]  }
0xa6: {  	s5 =	sand.u32 $0xFFFFFFFE, s1  }
0xa7: {  	p0 =	sne.s32 s1, s5  }
0xa8: {  	s5 =	sshll.u32 @p0 s5, $0xE  }
0xa9: {  	s5 =	sadd.s32 @p0 $0x11B8D, s5;
	s6 =	sshll.u32 @p0 s4, $0x11  }
0xaa: {  	s5 =	sor.u32 @p0 s6, s5  }
0xab: {  	[sflag:s5] =	ssyncadd.remote.s32 @p0 $0x1;
	_ =	sdelay $0x1  }
0xac: {  	s5 =	simm.s32 @p0 $0x1B8D  }
0xad: {  	_ =	swait.eq @p0 [sflag:s5], $0x1  }
0xae: {  	[sflag:s5] =	ssyncadd.s32 @p0 $0xFFFFFFFF  }
0xaf: {  	s6 =	sshll.u32 @!p0 s1, $0xE  }
0xb0: {  	s6 =	sor.u32 @!p0 $0x4000, s6;
	s5 =	simm.s32 @!p0 $0x1B8D  }
0xb1: {  	s4 =	sshll.u32 @!p0 s4, $0x11;
	s6 =	sadd.s32 @!p0 $0x11B8D, s6;
	_ =	swait.eq @!p0 [sflag:s5], $0x1  }
0xb2: {  	s4 =	sor.u32 @!p0 s4, s6;
	[sflag:s5] =	ssyncadd.s32 @!p0 $0xFFFFFFFF  }
0xb3: {  	s25 =	simm.s32 $0x1B8E;
	s24 =	sld [smem:$0x3FFE];
	[sflag:s4] =	ssyncadd.remote.s32 @!p0 $0x1  }
0xb4: {  	s26 =	simm.s32 $execute0_lowered;
	[smem:$0x3FD2] =	sst s25  }
0xb5: {  	s5 =	sshll.u32 s26, $0x1;
	_ =	strace $0x80000049;
	[dreg:$0x1] =	wrdreg $0xFFFFFFFF  }
0xb6: {  	s28 =	simm.s32 $_size_execute0_lowered;
	s3 =	sadd.s32 s3, s5;
	[dreg:$0x0] =	wrdreg $0x0  }
0xb7: {  	s5 =	sshll.u32 s28, $0x1;
	[dreg:$0x2] =	wrdreg s3  }
0xb8: {  	[dreg:$0x3] =	wrdreg s5  }
0xb9: {  	[dreg:$0x4] =	wrdreg $0xC0  }
0xba: {  	_ =	task [dreg:s22], $0x5FFFF  }
0xbb: {  	[dreg:$0x1] =	wrdreg $0xFFFFFFFF  }
0xbc: {  	[dreg:$0x0] =	wrdreg $0x60  }
0xbd: {  	[dreg:$0x2] =	wrdreg s24  }
0xbe: {  	[dreg:$0x3] =	wrdreg $0x94000  }
0xbf: {  	[dreg:$0x4] =	wrdreg $0x9  }
0xc0: {  	_ =	task.clear_ibuf [dreg:s22], $0x5FFFF;
	_ =	strace $0x90000049  }
0xc1: {  	s29 =	simm.s32 $0x9;
	_ =	strace $0x8000004B  }
0xc2: {  	_ =	swait.ge [sflag:s29], $0x1  }
0xc3: {  	[sflag:s29] =	ssyncadd.s32 $0xFFFFFFFF  }
0xc4: {  	_ =	strace $0x9000004B  }
0xc5: {  	_ =	sfence  }
0xc6: {  	s30 =	sld [smem:$0x0];
	_ =	sdelay $0x2  }
0xc7: {  	s31 =	sshll.u32 s1, $0xD;
	s1 =	sshrl.u32 s1, $0x2  }
0xc8: {  	s4 =	sand.u32 $0x4000, s31;
	s1 =	sadd.s32 s1, s30  }
0xc9: {  	s0 =	sor.u32 s4, s0;
	s1 =	sshll.u32 s1, $0x11  }
0xca: {  	s0 =	sor.u32 s1, s0  }
0xcb: {  	s0 =	sadd.s32 $0x8F2B, s0  }
0xcc: {  	[sflag:s0] =	ssyncadd.remote.s32 $0x1  }
0xcd: {  	_ =	sfence.sel $0xFFFF  }
0xce: {  	[dreg:$0x0] =	wrdreg $0xFFFFFFFF;
	(pc) =	sbr.abs _section_cstart, $3  }
0xcf: {  	[dreg:$0x1] =	wrdreg $0xFFFFFFFF  }
0xd0: {  	_ =	task.clear_ibuf [dreg:s22], $0x2FFFF;
	_ =	strace $0x9FFFFFFF  }
0xd1: {  	(tm) =	ssettm $0x7FFFFFFF  }
tec
execute0_lowered:
.L_overlay_start_1:
0x0: {  	(tag) =	ssettag $0x1  }
0x1: {  	s0 =	srdreg.scid;
	s1 =	rddreg [dreg:$0x0]  }
0x2: {  	s14 =	stileid.u32;
	s2 =	rddreg [dreg:$0x1];
	s17 =	simm.s32 $0x5400  }
0x3: {  	s18 =	simm.s32 $0x2;
	s19 =	simm.s32 $0x7D;
	s20 =	simm.s32 $0x1400  }
0x4: {  	s29 =	simm.s32 $0x1;
	s28 =	simm.s32 $0x1080;
	s30 =	simm.s32 $0x1100  }
0x5: {  	s31 =	simm.s32 $0x1200;
	s21 =	simm.s32 $0x1380;
	s22 =	simm.s32 $0x0  }
0x6: {  	s0 =	sand.u32 $0x1, s0;
	s3 =	sshll.u32 s14, $0x1;
	s5 =	smul.u32 $0x4E000, s14  }
0x7: {  	s15 =	sadd.s32 $0x5EE00, s1;
	s16 =	sadd.s32 $0x86000, s1;
	s24 =	smul.u32 $0x2700, s14  }
0x8: {  	s12 =	sadd.s32 $0x138000, s2;
	p1 =	sne.s32 s14, $0xF;
	p2 =	seq.s32 s14, $0xF  }
0x9: {  	s4 =	sor.u32 s0, s3;
	s3 =	simm.s32 $0x0;
	s7 =	ssub.s32 $0x2, s0  }
0xa: {  	p0 =	seq.s32 s0, $0x1;
	s0 =	simm.s32 $0x1180;
	[smem:$0x7FF] =	sst s3  }
0xb: {  	s25 =	sadd.s32 s15, s24;
	_ =	strace $0x8000004A;
	[dreg:$0x3] =	wrdreg s15  }
0xc: {  	s4 =	smul.u32 $0x280, s4;
	s5 =	sshrl.u32 s5, $0x2;
	[dreg:$0x5] =	wrdreg s25  }
0xd: {  	s23 =	sshrl.u32 s7, $0x1;
	s26 =	sadd.s32 s16, s24;
	[dreg:$0x4] =	wrdreg s16  }
0xe: {  	s24 =	simm.s32 $0xE80;
	s6 =	sadd.s32 s5, s2;
	[dreg:$0x6] =	wrdreg s26  }
.Ltmp0:
0xf: {  	s15 =	simm.s32 $0xF00;
	s25 =	simm.s32 $0xF80;
	(pc) =	sbr.rel .LBB2_1-.Ltmp0, $4  }
0x10: {  	s26 =	simm.s32 $0x1000;
	s4 =	sadd.s32 s4, s1;
	s1 =	ssub.s32 s7, s23  }
0x11: {  	s7 =	sadd.s32 $0x3400, s6;
	s8 =	sadd.s32 $0x6800, s6;
	s9 =	sadd.s32 $0x9C00, s6  }
0x12: {  	s10 =	sadd.s32 $0xD000, s6;
	s11 =	sadd.s32 $0x10400, s6;
	s13 =	sadd.s32 $0x1A00, s4  }
0x13: {  	v0 =	vimm.f32 $1.000000000e+00;
	v1 =	vimm.f32 $0.0e+00;
	s16 =	smax.u32 s1, $0x1;
	s1 =	simm.s32 $0x1280;
	s4 =	simm.s32 $0x1300  }
.LBB2_8:
0x14: {  	s14 =	sadd.s32 $0x27000, s14;
	s23 =	sshrl.u32 s12, $0x3  }
0x15: {  	[hbm:s14], [sflag:s5] =	dma.local [spmem:s23], $0x100  }
0x16: {  	_ =	swait.ge [sflag:s18], $0x100  }
0x17: {  	[sflag:s18] =	ssyncset.done $0x0  }
0x18: {  	[sflag:s18] =	ssyncadd.s32 $0xFFFFFF00  }
.LBB2_9:
0x19: {  	s22 =	sadd.s32 $0x1, s22  }
0x1a: {  	p3 =	sne.s32 s22, s16  }
.Ltmp1:
0x1b: {  	_ = 	snop;
	(pc) =	sbr.rel @!p3 .LBB2_10-.Ltmp1, $1  }
0x1c: {  	_ =	sdelay $0x3  }
.LBB2_1:
0x1d: {  	s23 =	simm.s32 $0x0;
	s5 =	simm.s32 $0x200  }
.LBB2_2:
0x1e: {  	p3 =	sne.s32 s5, $0xF800;
	[tilespmem:s23+$0x1470] =	vst v0  }
0x1f: {  	[tilespmem:s23+$0x1400] =	vst v0  }
0x20: {  	[tilespmem:s23+$0x1410] =	vst v0  }
.Ltmp2:
0x21: {  	[tilespmem:s23+$0x1420] =	vst v0;
	(pc) =	sbr.rel @p3 .LBB2_2-.Ltmp2, $4  }
0x22: {  	[tilespmem:s23+$0x1430] =	vst v0  }
0x23: {  	[tilespmem:s23+$0x1440] =	vst v0  }
0x24: {  	[tilespmem:s23+$0x1450] =	vst v0  }
0x25: {  	[tilespmem:s23+$0x1460] =	vst v0;
	s23 =	sshra.s32 s5, $0x2;
	s5 =	sadd.s32 $0x200, s5  }
0x26: {  	[tilespmem:s23+$0x1470] =	vst v0  }
0x27: {  	[tilespmem:s23+$0x1400] =	vst v0  }
0x28: {  	[tilespmem:s23+$0x1410] =	vst v0  }
0x29: {  	[tilespmem:s23+$0x1420] =	vst v0  }
0x2a: {  	[tilespmem:s23+$0x1430] =	vst v0  }
0x2b: {  	[tilespmem:s23+$0x1440] =	vst v0  }
0x2c: {  	[tilespmem:s23+$0x1450] =	vst v0  }
0x2d: {  	[tilespmem:s23+$0x1460] =	vst v0;
	s23 =	simm.s32 $0x0;
	s5 =	simm.s32 $0x200  }
.LBB2_4:
0x2e: {  	p3 =	sne.s32 s5, $0xF800;
	[tilespmem:s23+$0x5470] =	vst v1  }
0x2f: {  	[tilespmem:s23+$0x5400] =	vst v1  }
0x30: {  	[tilespmem:s23+$0x5410] =	vst v1  }
.Ltmp3:
0x31: {  	[tilespmem:s23+$0x5420] =	vst v1;
	(pc) =	sbr.rel @p3 .LBB2_4-.Ltmp3, $4  }
0x32: {  	[tilespmem:s23+$0x5430] =	vst v1  }
0x33: {  	[tilespmem:s23+$0x5440] =	vst v1  }
0x34: {  	[tilespmem:s23+$0x5450] =	vst v1  }
0x35: {  	[tilespmem:s23+$0x5460] =	vst v1;
	s23 =	sshra.s32 s5, $0x2;
	s5 =	sadd.s32 $0x200, s5  }
0x36: {  	[tilespmem:s23+$0x5470] =	vst v1  }
0x37: {  	[tilespmem:s23+$0x5400] =	vst v1  }
0x38: {  	[tilespmem:s23+$0x5410] =	vst v1  }
0x39: {  	[tilespmem:s23+$0x5420] =	vst v1  }
0x3a: {  	[tilespmem:s23+$0x5430] =	vst v1  }
0x3b: {  	[tilespmem:s23+$0x5440] =	vst v1  }
0x3c: {  	[tilespmem:s23+$0x5450] =	vst v1  }
0x3d: {  	[tilespmem:s23+$0x5460] =	vst v1  }
0x3e: {  	[spmem:s6] =	stream.linear.scatter [tilespmem:s17], [sflag:$0x2], $0x3400, $0x38;
	[tilespmem:$0x1CC80] =	vst v63  }
0x3f: {  	_ =	swait.ge [sflag:s18], $0x3400  }
0x40: {  	[sflag:s18] =	ssyncset.done $0x0  }
0x41: {  	[sflag:s18] =	ssyncadd.s32 $0xFFFFCC00  }
0x42: {  	[spmem:s7] =	stream.linear.scatter [tilespmem:s17], [sflag:$0x2], $0x3400, $0x38;
	[tilespmem:$0x1CC80] =	vst v63  }
0x43: {  	_ =	swait.ge [sflag:s18], $0x3400  }
0x44: {  	[sflag:s18] =	ssyncset.done $0x0  }
0x45: {  	[sflag:s18] =	ssyncadd.s32 $0xFFFFCC00  }
0x46: {  	[spmem:s8] =	stream.linear.scatter [tilespmem:s17], [sflag:$0x2], $0x3400, $0x38;
	[tilespmem:$0x1CC80] =	vst v63  }
0x47: {  	_ =	swait.ge [sflag:s18], $0x3400  }
0x48: {  	[sflag:s18] =	ssyncset.done $0x0  }
0x49: {  	[sflag:s18] =	ssyncadd.s32 $0xFFFFCC00  }
0x4a: {  	[spmem:s9] =	stream.linear.scatter [tilespmem:s17], [sflag:$0x2], $0x3400, $0x38;
	[tilespmem:$0x1CC80] =	vst v63  }
0x4b: {  	_ =	swait.ge [sflag:s18], $0x3400  }
0x4c: {  	[sflag:s18] =	ssyncset.done $0x0  }
0x4d: {  	[sflag:s18] =	ssyncadd.s32 $0xFFFFCC00  }
0x4e: {  	[spmem:s10] =	stream.linear.scatter [tilespmem:s17], [sflag:$0x2], $0x3400, $0x38;
	[tilespmem:$0x1CC80] =	vst v63  }
0x4f: {  	_ =	swait.ge [sflag:s18], $0x3400  }
0x50: {  	[sflag:s18] =	ssyncset.done $0x0  }
0x51: {  	[sflag:s18] =	ssyncadd.s32 $0xFFFFCC00  }
0x52: {  	[spmem:s11] =	stream.linear.scatter [tilespmem:s17], [sflag:$0x2], $0x3400, $0x38;
	[tilespmem:$0x1CC80] =	vst v63  }
0x53: {  	_ =	swait.ge [sflag:s18], $0x3400  }
0x54: {  	[sflag:s18] =	ssyncset.done $0x0  }
0x55: {  	s5 =	simm.s32 @!p1 $0x5400;
	[sflag:s18] =	ssyncadd.s32 $0xFFFFCC00  }
0x56: {  	[spmem:s12] =	stream.linear.scatter @!p1 [tilespmem:s5], [sflag:$0x2], $0x800, $0x38;
	[tilespmem:$0x1CC80] =	vst v63  }
0x57: {  	s5 =	simm.s32 @!p1 $0x2  }
0x58: {  	_ =	swait.ge @!p1 [sflag:s5], $0x800  }
0x59: {  	[sflag:s5] =	ssyncset.done @!p1 $0x0  }
0x5a: {  	[sflag:s5] =	ssyncadd.s32 @!p1 $0xFFFFF800  }
0x5b: {  	[tilespmem:s3], [sflag:$0x2] =	stream.linear.gather [hbm4b:s13+s3], $0x1400, $0x38;
	[tilespmem:$0x1CC80] =	vst v63  }
0x5c: {  	_ =	swait.ge [sflag:s18], $0x1400  }
0x5d: {  	[sflag:s18] =	ssyncset.done $0x0  }
0x5e: {  	[sflag:s18] =	ssyncadd.s32 $0xFFFFEC00  }
0x5f: {  	[bflag:$0x0] =	sbarrier.arrive $0xFFFF  }
0x60: {  	[spmem:s2] =	stream.indirect.scatter.add.f32 [tilespmem:s20], [sflag:$0x1], $0x80, s3, s19, $0xb8;
	[tilespmem:$0x1CC80] =	vst v63  }
0x61: {  	s23 =	simm.s32 $0x80  }
0x62: {  	[spmem:s2] =	stream.indirect.scatter.add.f32 [tilespmem:s20], [sflag:$0x1], $0x80, s23, s19, $0xb8;
	[tilespmem:$0x1CC80] =	vst v63  }
0x63: {  	s14 =	simm.s32 $0x100  }
0x64: {  	[spmem:s2] =	stream.indirect.scatter.add.f32 [tilespmem:s20], [sflag:$0x1], $0x80, s14, s19, $0xb8;
	[tilespmem:$0x1CC80] =	vst v63  }
0x65: {  	s23 =	simm.s32 $0x180  }
0x66: {  	[spmem:s2] =	stream.indirect.scatter.add.f32 [tilespmem:s20], [sflag:$0x1], $0x80, s23, s19, $0xb8;
	[tilespmem:$0x1CC80] =	vst v63  }
0x67: {  	s14 =	simm.s32 $0x200  }
0x68: {  	[spmem:s2] =	stream.indirect.scatter.add.f32 [tilespmem:s20], [sflag:$0x1], $0x80, s14, s19, $0xb8;
	[tilespmem:$0x1CC80] =	vst v63  }
0x69: {  	s23 =	simm.s32 $0x280  }
0x6a: {  	[spmem:s2] =	stream.indirect.scatter.add.f32 [tilespmem:s20], [sflag:$0x1], $0x80, s23, s19, $0xb8;
	[tilespmem:$0x1CC80] =	vst v63  }
0x6b: {  	s14 =	simm.s32 $0x300  }
0x6c: {  	[spmem:s2] =	stream.indirect.scatter.add.f32 [tilespmem:s20], [sflag:$0x1], $0x80, s14, s19, $0xb8;
	[tilespmem:$0x1CC80] =	vst v63  }
0x6d: {  	s23 =	simm.s32 $0x380  }
0x6e: {  	[spmem:s2] =	stream.indirect.scatter.add.f32 [tilespmem:s20], [sflag:$0x1], $0x80, s23, s19, $0xb8;
	[tilespmem:$0x1CC80] =	vst v63  }
0x6f: {  	_ =	swait.ge [sflag:s29], $0x3E80  }
0x70: {  	[sflag:s29] =	ssyncset.done $0x0  }
0x71: {  	[sflag:s29] =	ssyncadd.s32 $0xFFFFC180  }
0x72: {  	_ =	swait.ge [sflag:s29], $0x3E80  }
0x73: {  	[sflag:s29] =	ssyncset.done $0x0  }
0x74: {  	[sflag:s29] =	ssyncadd.s32 $0xFFFFC180  }
0x75: {  	_ =	swait.ge [sflag:s29], $0x3E80  }
0x76: {  	[sflag:s29] =	ssyncset.done $0x0  }
0x77: {  	[sflag:s29] =	ssyncadd.s32 $0xFFFFC180  }
0x78: {  	_ =	swait.ge [sflag:s29], $0x3E80  }
0x79: {  	[sflag:s29] =	ssyncset.done $0x0  }
0x7a: {  	[sflag:s29] =	ssyncadd.s32 $0xFFFFC180  }
0x7b: {  	_ =	swait.ge [sflag:s29], $0x3E80  }
0x7c: {  	[sflag:s29] =	ssyncset.done $0x0  }
0x7d: {  	[sflag:s29] =	ssyncadd.s32 $0xFFFFC180  }
0x7e: {  	_ =	swait.ge [sflag:s29], $0x3E80  }
0x7f: {  	[sflag:s29] =	ssyncset.done $0x0  }
0x80: {  	[sflag:s29] =	ssyncadd.s32 $0xFFFFC180  }
0x81: {  	_ =	swait.ge [sflag:s29], $0x3E80  }
0x82: {  	[sflag:s29] =	ssyncset.done $0x0  }
0x83: {  	[sflag:s29] =	ssyncadd.s32 $0xFFFFC180  }
0x84: {  	_ =	swait.ge [sflag:s29], $0x3E80  }
0x85: {  	[sflag:s29] =	ssyncset.done $0x0  }
0x86: {  	s14 =	simm.s32 $0x400;
	[sflag:s29] =	ssyncadd.s32 $0xFFFFC180  }
0x87: {  	[spmem:s2] =	stream.indirect.scatter.add.f32 [tilespmem:s20], [sflag:$0x1], $0x80, s14, s19, $0xb8;
	[tilespmem:$0x1CC80] =	vst v63  }
0x88: {  	s23 =	simm.s32 $0x480  }
0x89: {  	[spmem:s2] =	stream.indirect.scatter.add.f32 [tilespmem:s20], [sflag:$0x1], $0x80, s23, s19, $0xb8;
	[tilespmem:$0x1CC80] =	vst v63  }
0x8a: {  	s14 =	simm.s32 $0x500  }
0x8b: {  	[spmem:s2] =	stream.indirect.scatter.add.f32 [tilespmem:s20], [sflag:$0x1], $0x80, s14, s19, $0xb8;
	[tilespmem:$0x1CC80] =	vst v63  }
0x8c: {  	s23 =	simm.s32 $0x580  }
0x8d: {  	[spmem:s2] =	stream.indirect.scatter.add.f32 [tilespmem:s20], [sflag:$0x1], $0x80, s23, s19, $0xb8;
	[tilespmem:$0x1CC80] =	vst v63  }
0x8e: {  	s14 =	simm.s32 $0x600  }
0x8f: {  	[spmem:s2] =	stream.indirect.scatter.add.f32 [tilespmem:s20], [sflag:$0x1], $0x80, s14, s19, $0xb8;
	[tilespmem:$0x1CC80] =	vst v63  }
0x90: {  	s23 =	simm.s32 $0x680  }
0x91: {  	[spmem:s2] =	stream.indirect.scatter.add.f32 [tilespmem:s20], [sflag:$0x1], $0x80, s23, s19, $0xb8;
	[tilespmem:$0x1CC80] =	vst v63  }
0x92: {  	s14 =	simm.s32 $0x700  }
0x93: {  	[spmem:s2] =	stream.indirect.scatter.add.f32 [tilespmem:s20], [sflag:$0x1], $0x80, s14, s19, $0xb8;
	[tilespmem:$0x1CC80] =	vst v63  }
0x94: {  	s23 =	simm.s32 $0x780  }
0x95: {  	[spmem:s2] =	stream.indirect.scatter.add.f32 [tilespmem:s20], [sflag:$0x1], $0x80, s23, s19, $0xb8;
	[tilespmem:$0x1CC80] =	vst v63  }
0x96: {  	_ =	swait.ge [sflag:s29], $0x3E80  }
0x97: {  	[sflag:s29] =	ssyncset.done $0x0  }
0x98: {  	[sflag:s29] =	ssyncadd.s32 $0xFFFFC180  }
0x99: {  	_ =	swait.ge [sflag:s29], $0x3E80  }
0x9a: {  	[sflag:s29] =	ssyncset.done $0x0  }
0x9b: {  	[sflag:s29] =	ssyncadd.s32 $0xFFFFC180  }
0x9c: {  	_ =	swait.ge [sflag:s29], $0x3E80  }
0x9d: {  	[sflag:s29] =	ssyncset.done $0x0  }
0x9e: {  	[sflag:s29] =	ssyncadd.s32 $0xFFFFC180  }
0x9f: {  	_ =	swait.ge [sflag:s29], $0x3E80  }
0xa0: {  	[sflag:s29] =	ssyncset.done $0x0  }
0xa1: {  	[sflag:s29] =	ssyncadd.s32 $0xFFFFC180  }
0xa2: {  	_ =	swait.ge [sflag:s29], $0x3E80  }
0xa3: {  	[sflag:s29] =	ssyncset.done $0x0  }
0xa4: {  	[sflag:s29] =	ssyncadd.s32 $0xFFFFC180  }
0xa5: {  	_ =	swait.ge [sflag:s29], $0x3E80  }
0xa6: {  	[sflag:s29] =	ssyncset.done $0x0  }
0xa7: {  	[sflag:s29] =	ssyncadd.s32 $0xFFFFC180  }
0xa8: {  	_ =	swait.ge [sflag:s29], $0x3E80  }
0xa9: {  	[sflag:s29] =	ssyncset.done $0x0  }
0xaa: {  	[sflag:s29] =	ssyncadd.s32 $0xFFFFC180  }
0xab: {  	_ =	swait.ge [sflag:s29], $0x3E80  }
0xac: {  	[sflag:s29] =	ssyncset.done $0x0  }
0xad: {  	s14 =	simm.s32 $0x800;
	[sflag:s29] =	ssyncadd.s32 $0xFFFFC180  }
0xae: {  	[spmem:s2] =	stream.indirect.scatter.add.f32 [tilespmem:s20], [sflag:$0x1], $0x80, s14, s19, $0xb8;
	[tilespmem:$0x1CC80] =	vst v63  }
0xaf: {  	s23 =	simm.s32 $0x880  }
0xb0: {  	[spmem:s2] =	stream.indirect.scatter.add.f32 [tilespmem:s20], [sflag:$0x1], $0x80, s23, s19, $0xb8;
	[tilespmem:$0x1CC80] =	vst v63  }
0xb1: {  	s14 =	simm.s32 $0x900  }
0xb2: {  	[spmem:s2] =	stream.indirect.scatter.add.f32 [tilespmem:s20], [sflag:$0x1], $0x80, s14, s19, $0xb8;
	[tilespmem:$0x1CC80] =	vst v63  }
0xb3: {  	s23 =	simm.s32 $0x980  }
0xb4: {  	[spmem:s2] =	stream.indirect.scatter.add.f32 [tilespmem:s20], [sflag:$0x1], $0x80, s23, s19, $0xb8;
	[tilespmem:$0x1CC80] =	vst v63  }
0xb5: {  	s14 =	simm.s32 $0xA00  }
0xb6: {  	[spmem:s2] =	stream.indirect.scatter.add.f32 [tilespmem:s20], [sflag:$0x1], $0x80, s14, s19, $0xb8;
	[tilespmem:$0x1CC80] =	vst v63  }
0xb7: {  	s23 =	simm.s32 $0xA80  }
0xb8: {  	[spmem:s2] =	stream.indirect.scatter.add.f32 [tilespmem:s20], [sflag:$0x1], $0x80, s23, s19, $0xb8;
	[tilespmem:$0x1CC80] =	vst v63  }
0xb9: {  	s14 =	simm.s32 $0xB00  }
0xba: {  	[spmem:s2] =	stream.indirect.scatter.add.f32 [tilespmem:s20], [sflag:$0x1], $0x80, s14, s19, $0xb8;
	[tilespmem:$0x1CC80] =	vst v63  }
0xbb: {  	s23 =	simm.s32 $0xB80  }
0xbc: {  	[spmem:s2] =	stream.indirect.scatter.add.f32 [tilespmem:s20], [sflag:$0x1], $0x80, s23, s19, $0xb8;
	[tilespmem:$0x1CC80] =	vst v63  }
0xbd: {  	_ =	swait.ge [sflag:s29], $0x3E80  }
0xbe: {  	[sflag:s29] =	ssyncset.done $0x0  }
0xbf: {  	[sflag:s29] =	ssyncadd.s32 $0xFFFFC180  }
0xc0: {  	_ =	swait.ge [sflag:s29], $0x3E80  }
0xc1: {  	[sflag:s29] =	ssyncset.done $0x0  }
0xc2: {  	[sflag:s29] =	ssyncadd.s32 $0xFFFFC180  }
0xc3: {  	_ =	swait.ge [sflag:s29], $0x3E80  }
0xc4: {  	[sflag:s29] =	ssyncset.done $0x0  }
0xc5: {  	[sflag:s29] =	ssyncadd.s32 $0xFFFFC180  }
0xc6: {  	_ =	swait.ge [sflag:s29], $0x3E80  }
0xc7: {  	[sflag:s29] =	ssyncset.done $0x0  }
0xc8: {  	[sflag:s29] =	ssyncadd.s32 $0xFFFFC180  }
0xc9: {  	_ =	swait.ge [sflag:s29], $0x3E80  }
0xca: {  	[sflag:s29] =	ssyncset.done $0x0  }
0xcb: {  	[sflag:s29] =	ssyncadd.s32 $0xFFFFC180  }
0xcc: {  	_ =	swait.ge [sflag:s29], $0x3E80  }
0xcd: {  	[sflag:s29] =	ssyncset.done $0x0  }
0xce: {  	[sflag:s29] =	ssyncadd.s32 $0xFFFFC180  }
0xcf: {  	_ =	swait.ge [sflag:s29], $0x3E80  }
0xd0: {  	[sflag:s29] =	ssyncset.done $0x0  }
0xd1: {  	[sflag:s29] =	ssyncadd.s32 $0xFFFFC180  }
0xd2: {  	_ =	swait.ge [sflag:s29], $0x3E80  }
0xd3: {  	[sflag:s29] =	ssyncset.done $0x0  }
0xd4: {  	s14 =	simm.s32 $0xC00;
	[sflag:s29] =	ssyncadd.s32 $0xFFFFC180  }
0xd5: {  	[spmem:s2] =	stream.indirect.scatter.add.f32 [tilespmem:s20], [sflag:$0x1], $0x80, s14, s19, $0xb8;
	[tilespmem:$0x1CC80] =	vst v63  }
0xd6: {  	s23 =	simm.s32 $0xC80  }
0xd7: {  	[spmem:s2] =	stream.indirect.scatter.add.f32 [tilespmem:s20], [sflag:$0x1], $0x80, s23, s19, $0xb8;
	[tilespmem:$0x1CC80] =	vst v63  }
0xd8: {  	s14 =	simm.s32 $0xD00  }
0xd9: {  	[spmem:s2] =	stream.indirect.scatter.add.f32 [tilespmem:s20], [sflag:$0x1], $0x80, s14, s19, $0xb8;
	[tilespmem:$0x1CC80] =	vst v63  }
0xda: {  	s23 =	simm.s32 $0xD80  }
0xdb: {  	[spmem:s2] =	stream.indirect.scatter.add.f32 [tilespmem:s20], [sflag:$0x1], $0x80, s23, s19, $0xb8;
	[tilespmem:$0x1CC80] =	vst v63  }
0xdc: {  	s14 =	simm.s32 $0xE00  }
0xdd: {  	[spmem:s2] =	stream.indirect.scatter.add.f32 [tilespmem:s20], [sflag:$0x1], $0x80, s14, s19, $0xb8;
	[tilespmem:$0x1CC80] =	vst v63  }
0xde: {  	_ = 	snop  }
0xdf: {  	[spmem:s2] =	stream.indirect.scatter.add.f32 [tilespmem:s20], [sflag:$0x1], $0x80, s24, s19, $0xb8;
	[tilespmem:$0x1CC80] =	vst v63  }
0xe0: {  	_ = 	snop  }
0xe1: {  	[spmem:s2] =	stream.indirect.scatter.add.f32 [tilespmem:s20], [sflag:$0x1], $0x80, s15, s19, $0xb8;
	[tilespmem:$0x1CC80] =	vst v63  }
0xe2: {  	_ = 	snop  }
0xe3: {  	[spmem:s2] =	stream.indirect.scatter.add.f32 [tilespmem:s20], [sflag:$0x1], $0x80, s25, s19, $0xb8;
	[tilespmem:$0x1CC80] =	vst v63  }
0xe4: {  	_ =	swait.ge [sflag:s29], $0x3E80  }
0xe5: {  	[sflag:s29] =	ssyncset.done $0x0  }
0xe6: {  	[sflag:s29] =	ssyncadd.s32 $0xFFFFC180  }
0xe7: {  	_ =	swait.ge [sflag:s29], $0x3E80  }
0xe8: {  	[sflag:s29] =	ssyncset.done $0x0  }
0xe9: {  	[sflag:s29] =	ssyncadd.s32 $0xFFFFC180  }
0xea: {  	_ =	swait.ge [sflag:s29], $0x3E80  }
0xeb: {  	[sflag:s29] =	ssyncset.done $0x0  }
0xec: {  	[sflag:s29] =	ssyncadd.s32 $0xFFFFC180  }
0xed: {  	_ =	swait.ge [sflag:s29], $0x3E80  }
0xee: {  	[sflag:s29] =	ssyncset.done $0x0  }
0xef: {  	[sflag:s29] =	ssyncadd.s32 $0xFFFFC180  }
0xf0: {  	_ =	swait.ge [sflag:s29], $0x3E80  }
0xf1: {  	[sflag:s29] =	ssyncset.done $0x0  }
0xf2: {  	[sflag:s29] =	ssyncadd.s32 $0xFFFFC180  }
0xf3: {  	_ =	swait.ge [sflag:s29], $0x3E80  }
0xf4: {  	[sflag:s29] =	ssyncset.done $0x0  }
0xf5: {  	[sflag:s29] =	ssyncadd.s32 $0xFFFFC180  }
0xf6: {  	_ =	swait.ge [sflag:s29], $0x3E80  }
0xf7: {  	[sflag:s29] =	ssyncset.done $0x0  }
0xf8: {  	[sflag:s29] =	ssyncadd.s32 $0xFFFFC180  }
0xf9: {  	_ =	swait.ge [sflag:s29], $0x3E80  }
0xfa: {  	[sflag:s29] =	ssyncset.done $0x0  }
0xfb: {  	[sflag:s29] =	ssyncadd.s32 $0xFFFFC180  }
0xfc: {  	[spmem:s2] =	stream.indirect.scatter.add.f32 [tilespmem:s20], [sflag:$0x1], $0x80, s26, s19, $0xb8;
	[tilespmem:$0x1CC80] =	vst v63  }
0xfd: {  	_ = 	snop  }
0xfe: {  	[spmem:s2] =	stream.indirect.scatter.add.f32 [tilespmem:s20], [sflag:$0x1], $0x80, s28, s19, $0xb8;
	[tilespmem:$0x1CC80] =	vst v63  }
0xff: {  	_ = 	snop  }
0x100: {  	[spmem:s2] =	stream.indirect.scatter.add.f32 [tilespmem:s20], [sflag:$0x1], $0x80, s30, s19, $0xb8;
	[tilespmem:$0x1CC80] =	vst v63  }
0x101: {  	_ = 	snop  }
0x102: {  	[spmem:s2] =	stream.indirect.scatter.add.f32 [tilespmem:s20], [sflag:$0x1], $0x80, s0, s19, $0xb8;
	[tilespmem:$0x1CC80] =	vst v63  }
0x103: {  	_ = 	snop  }
0x104: {  	[spmem:s2] =	stream.indirect.scatter.add.f32 [tilespmem:s20], [sflag:$0x1], $0x80, s31, s19, $0xb8;
	[tilespmem:$0x1CC80] =	vst v63  }
0x105: {  	_ = 	snop  }
0x106: {  	[spmem:s2] =	stream.indirect.scatter.add.f32 [tilespmem:s20], [sflag:$0x1], $0x80, s1, s19, $0xb8;
	[tilespmem:$0x1CC80] =	vst v63  }
0x107: {  	_ = 	snop  }
0x108: {  	[spmem:s2] =	stream.indirect.scatter.add.f32 [tilespmem:s20], [sflag:$0x1], $0x80, s4, s19, $0xb8;
	[tilespmem:$0x1CC80] =	vst v63  }
0x109: {  	_ = 	snop  }
0x10a: {  	[spmem:s2] =	stream.indirect.scatter.add.f32 [tilespmem:s20], [sflag:$0x1], $0x80, s21, s19, $0xb8;
	[tilespmem:$0x1CC80] =	vst v63  }
0x10b: {  	_ =	swait.ge [sflag:s29], $0x3E80  }
0x10c: {  	[sflag:s29] =	ssyncset.done $0x0  }
0x10d: {  	[sflag:s29] =	ssyncadd.s32 $0xFFFFC180  }
0x10e: {  	_ =	swait.ge [sflag:s29], $0x3E80  }
0x10f: {  	[sflag:s29] =	ssyncset.done $0x0  }
0x110: {  	[sflag:s29] =	ssyncadd.s32 $0xFFFFC180  }
0x111: {  	_ =	swait.ge [sflag:s29], $0x3E80  }
0x112: {  	[sflag:s29] =	ssyncset.done $0x0  }
0x113: {  	[sflag:s29] =	ssyncadd.s32 $0xFFFFC180  }
0x114: {  	_ =	swait.ge [sflag:s29], $0x3E80  }
0x115: {  	[sflag:s29] =	ssyncset.done $0x0  }
0x116: {  	[sflag:s29] =	ssyncadd.s32 $0xFFFFC180  }
0x117: {  	_ =	swait.ge [sflag:s29], $0x3E80  }
0x118: {  	[sflag:s29] =	ssyncset.done $0x0  }
0x119: {  	[sflag:s29] =	ssyncadd.s32 $0xFFFFC180  }
0x11a: {  	_ =	swait.ge [sflag:s29], $0x3E80  }
0x11b: {  	[sflag:s29] =	ssyncset.done $0x0  }
0x11c: {  	[sflag:s29] =	ssyncadd.s32 $0xFFFFC180  }
0x11d: {  	_ =	swait.ge [sflag:s29], $0x3E80  }
0x11e: {  	[sflag:s29] =	ssyncset.done $0x0  }
0x11f: {  	[sflag:s29] =	ssyncadd.s32 $0xFFFFC180  }
.Ltmp4:
0x120: {  	_ =	swait.ge [sflag:s29], $0x3E80;
	(pc) =	sbr.rel @!p0 .LBB2_6-.Ltmp4, $4  }
0x121: {  	[sflag:s29] =	ssyncset.done $0x0  }
0x122: {  	s23 =	stileid.u32;
	[sflag:s29] =	ssyncadd.s32 $0xFFFFC180  }
0x123: {  	s14 =	sshll.u32 s23, $0x6;
	[bflag:$0x0] =	sbarrier.arrive $0xFFFF  }
0x124: {  	s23 =	sshrl.u32 s6, $0x3;
	s5 =	sor.u32 $0x1C02, s14  }
0x125: {  	s5 =	sor.u32 $0x1C02, s14;
	s14 =	rddreg [dreg:$0x6]  }
0x126: {  	[hbm:s14], [sflag:s5] =	dma.local [spmem:s23], $0x2700  }
.Ltmp5:
0x127: {  	_ = 	snop;
	(pc) =	sbr.rel @p1 .LBB2_9-.Ltmp5, $4  }
.Ltmp6:
0x128: {  	_ = 	snop;
	(pc) =	sbr.rel @!p1 .LBB2_8-.Ltmp6, $4  }
0x129: {  	_ =	swait.ge [sflag:s18], $0x2700  }
0x12a: {  	[sflag:s18] =	ssyncset.done $0x0  }
0x12b: {  	s14 =	rddreg [dreg:$0x4];
	[sflag:s18] =	ssyncadd.s32 $0xFFFFD900  }
0x12c: {  	_ = 	snop  }
.LBB2_6:
0x12d: {  	s14 =	rddreg [dreg:$0x5]  }
0x12e: {  	[hbm:s14], [sflag:s5] =	dma.local [spmem:s23], $0x2700  }
.Ltmp7:
0x12f: {  	_ = 	snop;
	(pc) =	sbr.rel @p2 .LBB2_8-.Ltmp7, $4  }
.Ltmp8:
0x130: {  	_ = 	snop;
	(pc) =	sbr.rel @!p2 .LBB2_9-.Ltmp8, $4  }
0x131: {  	_ =	swait.ge [sflag:s18], $0x2700  }
0x132: {  	[sflag:s18] =	ssyncset.done $0x0  }
0x133: {  	s14 =	rddreg [dreg:$0x3];
	[sflag:s18] =	ssyncadd.s32 $0xFFFFD900  }
0x134: {  	_ = 	snop  }
.LBB2_10:
0x135: {  	_ =	sfence.sel $0x180000  }
0x136: {  	[bflag:$0x0] =	sbarrier.arrive $0xFFFF  }
0x137: {  	_ =	strace $0x9000004A  }
0x138: {  	s0 =	stileid.u32;
	[bflag:$0x2] =	sbarrier.arrive $0xFFFF  }
0x139: {  	p0 =	sne.s32 s0, $0x0;
	s0 =	rddreg [dreg:$0x2]  }
0x13a: {  	s0 =	sadd.s32 @!p0 $0x100000, s0  }
0x13b: {  	[sflag:s0] =	ssyncadd.tile.s32 @!p0 $0x1;
	_ =	shalt  }
.Lfunc_end2:
_tile_overlayer_lowered:
.L_overlay_start_2:
0x13c: {  	(tag) =	ssettag $0x2  }
0x13d: {  	s0 =	rddreg [dreg:$0x0];
	s2 =	stileid.u32  }
0x13e: {  	s1 =	rddreg [dreg:$0x1];
	p0 =	sne.s32 s2, $0x0  }
0x13f: {  	s3 =	rddreg [dreg:$0x2];
	[bflag:$0x3] =	sbarrier.arrive $0xFFFF;
	s2 =	simm.s32 @!p0 $0x1C02  }
0x140: {  	[timem:s3], [sflag:s2] =	dma.local @!p0 [hbm:s0], s1  }
0x141: {  	s0 =	simm.s32 @!p0 $0x2  }
0x142: {  	_ =	swait.ge @!p0 [sflag:s0], s1  }
0x143: {  	s1 =	ssub.s32 @!p0 $0x0, s1;
	[sflag:s0] =	ssyncset.done @!p0 $0x0  }
0x144: {  	[sflag:s0] =	ssyncadd.s32 @!p0 s1  }
0x145: {  	[bflag:$0x3] =	sbarrier.arrive $0xFFFF  }
0x146: {  	_ =	shalt  }

// kernel: kernel.9.cloned.1.call-start
scs
__scs_entry_jumppad:
0x0: {  	(pc) =	sbr.rel $0x88, $3  }
0x1: {  	(tag) =	ssettag $0x0;
	lr =	simm.s32 $0x1  }
0x2: {  	[smem:$0x3F9B] =	sst lr;
	_ =	strace $0xD0000000  }
0x3: {  	_ = 	snop  }
0x4: {  	_ = 	snop  }
0x5: {  	_ = 	snop  }
0x6: {  	_ = 	snop  }
0x7: {  	_ = 	snop  }
__scs_overlays_trampoline_lowered:
0x8: {  	[smem:$0x3FAA] =	sst s0  }
0x9: {  	[smem:$0x3FAB] =	sst s1  }
0xa: {  	[smem:$0x3FAC] =	sst s2  }
0xb: {  	[smem:$0x3FAD] =	sst s3  }
0xc: {  	[smem:$0x3FAE] =	sst s4  }
0xd: {  	[smem:$0x3FAF] =	sst s5  }
0xe: {  	[smem:$0x3FB0] =	sst s6  }
0xf: {  	[smem:$0x3FB1] =	sst s7  }
0x10: {  	[smem:$0x3FB2] =	sst s8  }
0x11: {  	[smem:$0x3FB3] =	sst s9;
	s0 =	simm.s32 @!p0 $0x0  }
0x12: {  	s1 =	sld [smem:$0x3F99];
	s0 =	simm.s32 @p0 $0x1  }
0x13: {  	[smem:$0x3FB4] =	sst s0;
	s0 =	simm.s32 @!p1 $0x0  }
0x14: {  	s2 =	sld [smem:$0x3F98];
	s0 =	simm.s32 @p1 $0x1  }
0x15: {  	[smem:$0x3FB5] =	sst s0;
	s0 =	simm.s32 @!p2 $0x0  }
0x16: {  	s3 =	sld [smem:$0x3FDB];
	s0 =	simm.s32 @p2 $0x1  }
0x17: {  	s4 =	simm.s32 $0x1BF5;
	[smem:$0x3FB7] =	sst s0  }
0x18: {  	s0 =	sld [smem:$0x3F9A];
	_ =	swait.ge [sflag:s4], $0x0  }
0x19: {  	s7 =	sld [smem:$0x3F9B]  }
0x1a: {  	s8 =	sadd.s32 $0xFFFFE003, lr  }
0x1b: {  	s9 =	sadd.s32 $0xFFFFFEF7, lr;
	s5 =	simm.s32 $0xFFFFFFFF;
	p2 =	slt.u32 s8, $0xFFFFF086  }
0x1c: {  	p1 =	slt.u32 s9, $0xF7A;
	s5 =	simm.s32 @!p2 $0x0  }
0x1d: {  	s5 =	simm.s32 @p1 $0x1;
	p0 =	seq.s32 s7, s2  }
0x1e: {  	s7 =	smul.u32 @!p0 $0xF7A, s2;
	p2 =	seq.s32 @!p0 s5, $0x0  }
0x1f: {  	s9 =	smul.u32 $0xF7A, s1;
	s8 =	simm.s32 @!p0 $0x1BF5;
	p2 =	por !p2, p0  }
0x20: {  	[sflag:s8] =	ssyncset.s32 @!p0 $0xFFFFF086;
	s6 =	sadd.s32 @!p0 s3, s7;
	s7 =	simm.s32 @!p0 $0x108  }
0x21: {  	s3 =	sadd.s32 s3, s9;
	s6 =	sadd.s32 @!p0 $0x88, s6;
	s7 =	simm.s32 @p2 $0x1082  }
0x22: {  	[simem:s7], [sflag:s8] =	dma.local @!p0 [hbm:s6], $0xF7A  }
0x23: {  	s9 =	sor.u32 $0xD0000000, s2;
	s6 =	simm.s32 $0x108;
	_ =	swait.ge @!p0 [sflag:s8], $0x0  }
0x24: {  	s3 =	sadd.s32 $0x88, s3;
	s6 =	simm.s32 @!p1 $0x1082;
	[sflag:s4] =	ssyncset.s32 $0xFFFFF086  }
0x25: {  	[simem:s6], [sflag:s4] =	dma.local [hbm:s3], $0xF7A  }
0x26: {  	[smem:$0x3F9B] =	sst s1;
	(tag) =	ssettag s2;
	_ =	strace s9  }
0x27: {  	s1 =	sld [smem:$0x3FAB]  }
0x28: {  	s2 =	sld [smem:$0x3FAC]  }
0x29: {  	s4 =	sld [smem:$0x3FAE]  }
0x2a: {  	p0 =	seq.s32 s5, $0x0;
	s5 =	sld [smem:$0x3FAF]  }
0x2b: {  	s6 =	sld [smem:$0x3FB0]  }
0x2c: {  	s7 =	sld [smem:$0x3FB1]  }
0x2d: {  	s3 =	simm.s32 $0x108;
	s8 =	sld [smem:$0x3FB2]  }
0x2e: {  	s3 =	simm.s32 @!p0 $0x1082;
	s9 =	sld [smem:$0x3FB3]  }
0x2f: {  	lr =	sadd.s32 s0, s3;
	s0 =	sld [smem:$0x3FAA]  }
0x30: {  	s3 =	sld [smem:$0x3FAD]  }
0x31: {  	[smem:$0x3FB6] =	sst s10  }
0x32: {  	s10 =	sld [smem:$0x3FB4];
	_ =	sdelay $0x3  }
0x33: {  	p0 =	seq.s32 s10, $0x1;
	s10 =	sld [smem:$0x3FB6];
	_ =	sdelay $0x3  }
0x34: {  	[smem:$0x3FB6] =	sst s10  }
0x35: {  	s10 =	sld [smem:$0x3FB5];
	_ =	sdelay $0x3  }
0x36: {  	p1 =	seq.s32 s10, $0x1;
	s10 =	sld [smem:$0x3FB6];
	_ =	sdelay $0x3  }
0x37: {  	[smem:$0x3FB6] =	sst s10  }
0x38: {  	s10 =	sld [smem:$0x3FB7]  }
0x39: {  	_ = 	snop;
	(pc) =	sbr.ind lr, $3  }
0x3a: {  	_ = 	snop  }
0x3b: {  	_ = 	snop  }
0x3c: {  	p2 =	seq.s32 s10, $0x1;
	s10 =	sld [smem:$0x3FB6]  }
0x3d: {  	_ =	shalt  }
0x3e: {  	_ =	shalt  }
0x3f: {  	_ =	shalt  }
0x40: {  	_ =	shalt  }
0x41: {  	_ =	shalt  }
0x42: {  	_ =	shalt  }
0x43: {  	_ =	shalt  }
0x44: {  	_ =	shalt  }
0x45: {  	_ =	shalt  }
0x46: {  	_ =	shalt  }
0x47: {  	_ =	shalt  }
0x48: {  	_ =	shalt  }
0x49: {  	_ =	shalt  }
0x4a: {  	_ =	shalt  }
0x4b: {  	_ =	shalt  }
0x4c: {  	_ =	shalt  }
0x4d: {  	_ =	shalt  }
0x4e: {  	_ =	shalt  }
0x4f: {  	_ =	shalt  }
0x50: {  	_ =	shalt  }
0x51: {  	_ =	shalt  }
0x52: {  	_ =	shalt  }
0x53: {  	_ =	shalt  }
0x54: {  	_ =	shalt  }
0x55: {  	_ =	shalt  }
0x56: {  	_ =	shalt  }
0x57: {  	_ =	shalt  }
0x58: {  	_ =	shalt  }
0x59: {  	_ =	shalt  }
0x5a: {  	_ =	shalt  }
0x5b: {  	_ =	shalt  }
0x5c: {  	_ =	shalt  }
0x5d: {  	_ =	shalt  }
0x5e: {  	_ =	shalt  }
0x5f: {  	_ =	shalt  }
0x60: {  	_ =	shalt  }
0x61: {  	_ =	shalt  }
0x62: {  	_ =	shalt  }
0x63: {  	_ =	shalt  }
0x64: {  	_ =	shalt  }
0x65: {  	_ =	shalt  }
0x66: {  	_ =	shalt  }
0x67: {  	_ =	shalt  }
0x68: {  	_ =	shalt  }
0x69: {  	_ =	shalt  }
0x6a: {  	_ =	shalt  }
0x6b: {  	_ =	shalt  }
0x6c: {  	_ =	shalt  }
0x6d: {  	_ =	shalt  }
0x6e: {  	_ =	shalt  }
0x6f: {  	_ =	shalt  }
0x70: {  	_ =	shalt  }
0x71: {  	_ =	shalt  }
0x72: {  	_ =	shalt  }
0x73: {  	_ =	shalt  }
0x74: {  	_ =	shalt  }
0x75: {  	_ =	shalt  }
0x76: {  	_ =	shalt  }
0x77: {  	_ =	shalt  }
0x78: {  	_ =	shalt  }
0x79: {  	_ =	shalt  }
0x7a: {  	_ =	shalt  }
0x7b: {  	_ =	shalt  }
0x7c: {  	_ =	shalt  }
0x7d: {  	_ =	shalt  }
0x7e: {  	_ =	shalt  }
0x7f: {  	_ =	shalt  }
0x80: {  	_ =	shalt  }
0x81: {  	_ =	shalt  }
0x82: {  	_ =	shalt  }
0x83: {  	_ =	shalt  }
0x84: {  	_ =	shalt  }
0x85: {  	_ =	shalt  }
0x86: {  	_ =	shalt  }
0x87: {  	_ =	shalt  }
.Lfunc_end0:
.L_simem_size_0:
called_computation.1_lowered:
.L_overlay_start_0:
0x88: {  	s2 =	sld [smem:$0x3FD9]  }
0x89: {  	s3 =	sld [smem:$0x3FFE];
	_ =	sdelay $0x1  }
0x8a: {  	s1 =	srdreg.scid  }
0x8b: {  	s0 =	sand.u32 $0x1, s1  }
0x8c: {  	s17 =	sshll.u32 s0, $0xA;
	s2 =	sadd.s32 s3, s2  }
0x8d: {  	s2 =	sadd.s32 s2, s17  }
0x8e: {  	[smem:$0x3FC2] =	sst s2  }
0x8f: {  	_ = 	snop  }
0x90: {  	s2 =	sld [smem:$0x3FD0];
	(tm) =	ssettm $0x1  }
0x91: {  	s18 =	sld [smem:$0x3FFB];
	_ =	sdelay $0x3  }
0x92: {  	_ =	strace s18  }
0x93: {  	s3 =	sld [smem:$0x3FFC];
	_ =	sdelay $0x3  }
0x94: {  	_ =	strace s3  }
0x95: {  	s3 =	sld [smem:$0x3FFD];
	_ =	sdelay $0x3  }
0x96: {  	_ =	strace s3  }
0x97: {  	_ =	strace $0x8FFFFFFF  }
0x98: {  	s19 =	sld [smem:$0x3FDB];
	_ =	sdelay $0x1  }
0x99: {  	s4 =	simm.s32 $_scs_section_size  }
0x9a: {  	s5 =	simm.s32 $_size__tile_overlayer_lowered;
	s6 =	simm.s32 $_tile_overlayer_lowered  }
0x9b: {  	s22 =	simm.s32 $0x1BFF;
	s21 =	sshll.u32 s6, $0x1;
	s3 =	sadd.s32 s4, s19  }
0x9c: {  	s7 =	simm.s32 $0x0;
	s20 =	sshll.u32 s5, $0x1;
	s5 =	sadd.s32 s21, s3  }
0x9d: {  	[timem:s7], [sflag:s22] =	dma.local [hbm:s5], s20  }
0x9e: {  	_ =	swait.ge [sflag:s22], s20  }
0x9f: {  	s4 =	ssub.s32 $0x0, s20;
	[sflag:s22] =	ssyncset.done $0x0  }
0xa0: {  	[sflag:s22] =	ssyncadd.s32 s4;
	_ =	sdelay $0x1  }
0xa1: {  	s23 =	simm.s32 $0x1B8B  }
0xa2: {  	_ =	swait.ge [sflag:s23], $0x1  }
0xa3: {  	[sflag:s23] =	ssyncset.done $0x0  }
0xa4: {  	s25 =	simm.s32 $0x1B8E;
	s24 =	sld [smem:$0x3FFE];
	[sflag:s23] =	ssyncadd.s32 $0xFFFFFFFF  }
0xa5: {  	s26 =	simm.s32 $execute0_lowered;
	[smem:$0x3FD2] =	sst s25  }
0xa6: {  	s5 =	sshll.u32 s26, $0x1;
	_ =	strace $0x80000046;
	[dreg:$0x1] =	wrdreg $0xFFFFFFFF  }
0xa7: {  	s28 =	simm.s32 $_size_execute0_lowered;
	s3 =	sadd.s32 s3, s5;
	[dreg:$0x0] =	wrdreg $0x0  }
0xa8: {  	s5 =	sshll.u32 s28, $0x1;
	[dreg:$0x2] =	wrdreg s3  }
0xa9: {  	[dreg:$0x3] =	wrdreg s5  }
0xaa: {  	[dreg:$0x4] =	wrdreg $0xC0  }
0xab: {  	_ =	task [dreg:s7], $0x5FFFF  }
0xac: {  	[dreg:$0x1] =	wrdreg $0xFFFFFFFF  }
0xad: {  	[dreg:$0x0] =	wrdreg $0x60  }
0xae: {  	[dreg:$0x2] =	wrdreg s2  }
0xaf: {  	[dreg:$0x3] =	wrdreg s24  }
0xb0: {  	[dreg:$0x4] =	wrdreg $0x90000  }
0xb1: {  	[dreg:$0x5] =	wrdreg $0xA  }
0xb2: {  	_ =	task.clear_ibuf [dreg:s7], $0x6FFFF;
	_ =	strace $0x90000046  }
0xb3: {  	s29 =	simm.s32 $0xA;
	_ =	strace $0x80000048  }
0xb4: {  	_ =	swait.ge [sflag:s29], $0x1  }
0xb5: {  	[sflag:s29] =	ssyncadd.s32 $0xFFFFFFFF  }
0xb6: {  	_ =	strace $0x90000048  }
0xb7: {  	_ =	sfence  }
0xb8: {  	s30 =	sld [smem:$0x0];
	_ =	sdelay $0x2  }
0xb9: {  	s31 =	sshll.u32 s1, $0xD;
	s1 =	sshrl.u32 s1, $0x2  }
0xba: {  	s3 =	sand.u32 $0x4000, s31;
	s1 =	sadd.s32 s1, s30  }
0xbb: {  	s0 =	sor.u32 s3, s0;
	s1 =	sshll.u32 s1, $0x11  }
0xbc: {  	s0 =	sor.u32 s1, s0  }
0xbd: {  	s0 =	sadd.s32 $0x8F2B, s0  }
0xbe: {  	[sflag:s0] =	ssyncadd.remote.s32 $0x1  }
0xbf: {  	_ =	sfence.sel $0xFFFF  }
0xc0: {  	[dreg:$0x0] =	wrdreg $0xFFFFFFFF;
	(pc) =	sbr.abs _section_cstart, $3  }
0xc1: {  	[dreg:$0x1] =	wrdreg $0xFFFFFFFF  }
0xc2: {  	_ =	task.clear_ibuf [dreg:s7], $0x2FFFF;
	_ =	strace $0x9FFFFFFF  }
0xc3: {  	(tm) =	ssettm $0x7FFFFFFF  }
tec
execute0_lowered:
.L_overlay_start_1:
0x0: {  	(tag) =	ssettag $0x1  }
0x1: {  	s1 =	rddreg [dreg:$0x0]  }
0x2: {  	s0 =	rddreg [dreg:$0x1]  }
0x3: {  	s3 =	rddreg [dreg:$0x2];
	s4 =	simm.s32 $0x0  }
0x4: {  	s8 =	stileid.u32;
	s5 =	srdreg.scid;
	s28 =	simm.s32 $0x5000  }
0x5: {  	s29 =	simm.s32 $0x2;
	s30 =	simm.s32 $0x3;
	s15 =	simm.s32 $0x4  }
0x6: {  	s13 =	simm.s32 $0x5;
	s31 =	simm.s32 $0x980;
	s16 =	simm.s32 $0xA00  }
0x7: {  	s11 =	simm.s32 $0xF00;
	s12 =	simm.s32 $0xF80;
	s2 =	smul.u32 $0x500, s8  }
0x8: {  	[smem:$0x7FF] =	sst s4;
	s6 =	smul.u32 $0x4E000, s8;
	s5 =	sand.u32 $0x1, s5  }
0x9: {  	s9 =	sadd.s32 $0x10A00, s0;
	s10 =	sadd.s32 $0x37C00, s0;
	s25 =	sadd.s32 $0x138000, s3  }
0xa: {  	s23 =	smul.u32 $0x2700, s8;
	_ =	strace $0x80000047;
	[dreg:$0xc] =	wrdreg s25  }
0xb: {  	p2 =	seq.s32 s8, $0xF;
	s7 =	ssub.s32 $0x2, s5;
	[dreg:$0x5] =	wrdreg s10  }
0xc: {  	p0 =	seq.s32 s5, $0x0;
	[dreg:$0x4] =	wrdreg s9;
	p1 =	sne.s32 s5, $0x0  }
0xd: {  	s25 =	simm.s32 $0xC00;
	s5 =	simm.s32 $0xD80;
	s2 =	sadd.s32 s2, s0  }
0xe: {  	s6 =	sshrl.u32 s6, $0x2;
	s18 =	sshrl.u32 s7, $0x1;
	s26 =	sadd.s32 s10, s23  }
0xf: {  	s10 =	simm.s32 $0xB80;
	s20 =	sadd.s32 s6, s3;
	s0 =	ssub.s32 s7, s18  }
0x10: {  	s14 =	sadd.s32 $0x1A00, s2;
	[dreg:$0xd] =	wrdreg s26;
	s7 =	simm.s32 $0x6A00  }
0x11: {  	s26 =	simm.s32 $0x0;
	s6 =	sadd.s32 $0x3400, s20;
	[dreg:$0x6] =	wrdreg s20  }
0x12: {  	s19 =	sadd.s32 $0x6800, s20;
	s21 =	sadd.s32 $0x9C00, s20;
	[dreg:$0x7] =	wrdreg s6  }
0x13: {  	s22 =	sadd.s32 $0xD000, s20;
	s24 =	sadd.s32 $0x10400, s20;
	[dreg:$0x8] =	wrdreg s19  }
0x14: {  	s0 =	smax.u32 s0, $0x1;
	s7 =	simm.s32 @!p0 $0xBA00;
	[dreg:$0x9] =	wrdreg s21  }
0x15: {  	p0 =	sne.s32 s8, $0xF;
	s8 =	simm.s32 $0xB00;
	[dreg:$0xa] =	wrdreg s22  }
.Ltmp0:
0x16: {  	[dreg:$0xb] =	wrdreg s24;
	s6 =	sadd.s32 s9, s23;
	(pc) =	sbr.rel .LBB2_1-.Ltmp0, $4  }
0x17: {  	[dreg:$0xf] =	wrdreg s0;
	s18 =	sadd.s32 s7, s2;
	s19 =	simm.s32 $0x1000  }
0x18: {  	s22 =	simm.s32 $0x7D;
	s23 =	simm.s32 $0x1;
	s24 =	simm.s32 $0x800  }
0x19: {  	s21 =	simm.s32 $0xC80;
	s0 =	simm.s32 $0xD00;
	s2 =	simm.s32 $0xE00  }
0x1a: {  	v0 =	vimm.f32 $0.0e+00;
	s9 =	simm.s32 $0xE80;
	[dreg:$0xe] =	wrdreg s6;
	s6 =	simm.s32 $0xA80  }
.LBB2_9:
0x1b: {  	s20 =	rddreg [dreg:$0xc]  }
0x1c: {  	s17 =	sadd.s32 $0x27000, s17;
	s20 =	sshrl.u32 s20, $0x3  }
0x1d: {  	[hbm:s17], [sflag:s7] =	dma.local [spmem:s20], $0x100  }
0x1e: {  	s20 =	simm.s32 $0x6  }
0x1f: {  	_ =	swait.ge [sflag:s20], $0x100  }
0x20: {  	[sflag:s20] =	ssyncset.done $0x0  }
0x21: {  	[sflag:s20] =	ssyncadd.s32 $0xFFFFFF00  }
.LBB2_10:
0x22: {  	s26 =	sadd.s32 $0x1, s26;
	s7 =	rddreg [dreg:$0xf]  }
0x23: {  	p3 =	sne.s32 s26, s7  }
.Ltmp1:
0x24: {  	_ = 	snop;
	(pc) =	sbr.rel @!p3 .LBB2_11-.Ltmp1, $2  }
0x25: {  	_ =	sdelay $0x2  }
0x26: {  	s20 =	rddreg [dreg:$0x6]  }
.LBB2_1:
0x27: {  	[dreg:$0x10] =	wrdreg s26;
	s17 =	simm.s32 $0x0;
	s7 =	simm.s32 $0x200  }
.LBB2_2:
0x28: {  	p3 =	sne.s32 s7, $0xF800;
	[tilespmem:s17+$0x1070] =	vst v0  }
0x29: {  	[tilespmem:s17+$0x1000] =	vst v0  }
0x2a: {  	[tilespmem:s17+$0x1010] =	vst v0  }
.Ltmp2:
0x2b: {  	[tilespmem:s17+$0x1020] =	vst v0;
	(pc) =	sbr.rel @p3 .LBB2_2-.Ltmp2, $4  }
0x2c: {  	[tilespmem:s17+$0x1030] =	vst v0  }
0x2d: {  	[tilespmem:s17+$0x1040] =	vst v0  }
0x2e: {  	[tilespmem:s17+$0x1050] =	vst v0  }
0x2f: {  	[tilespmem:s17+$0x1060] =	vst v0;
	s17 =	sshra.s32 s7, $0x2;
	s7 =	sadd.s32 $0x200, s7  }
0x30: {  	[tilespmem:s17+$0x1070] =	vst v0  }
0x31: {  	[tilespmem:s17+$0x1000] =	vst v0  }
0x32: {  	[tilespmem:s17+$0x1010] =	vst v0  }
0x33: {  	[tilespmem:s17+$0x1020] =	vst v0  }
0x34: {  	[tilespmem:s17+$0x1030] =	vst v0  }
0x35: {  	[tilespmem:s17+$0x1040] =	vst v0  }
0x36: {  	[tilespmem:s17+$0x1050] =	vst v0  }
0x37: {  	[tilespmem:s17+$0x1060] =	vst v0  }
0x38: {  	[spmem:s20] =	stream.linear.scatter [tilespmem:s19], [sflag:$0x6], $0x3400, $0x38;
	[tilespmem:$0x1C880] =	vst v63  }
0x39: {  	s20 =	simm.s32 $0x6  }
0x3a: {  	_ =	swait.ge [sflag:s20], $0x3400  }
0x3b: {  	[sflag:s20] =	ssyncset.done $0x0  }
0x3c: {  	s7 =	rddreg [dreg:$0x7];
	[sflag:s20] =	ssyncadd.s32 $0xFFFFCC00  }
0x3d: {  	[spmem:s7] =	stream.linear.scatter [tilespmem:s19], [sflag:$0x6], $0x3400, $0x38;
	[tilespmem:$0x1C880] =	vst v63  }
0x3e: {  	_ =	swait.ge [sflag:s20], $0x3400  }
0x3f: {  	[sflag:s20] =	ssyncset.done $0x0  }
0x40: {  	s26 =	rddreg [dreg:$0x8];
	[sflag:s20] =	ssyncadd.s32 $0xFFFFCC00  }
0x41: {  	[spmem:s26] =	stream.linear.scatter [tilespmem:s19], [sflag:$0x6], $0x3400, $0x38;
	[tilespmem:$0x1C880] =	vst v63  }
0x42: {  	_ =	swait.ge [sflag:s20], $0x3400  }
0x43: {  	[sflag:s20] =	ssyncset.done $0x0  }
0x44: {  	s17 =	rddreg [dreg:$0x9];
	[sflag:s20] =	ssyncadd.s32 $0xFFFFCC00  }
0x45: {  	[spmem:s17] =	stream.linear.scatter [tilespmem:s19], [sflag:$0x6], $0x3400, $0x38;
	[tilespmem:$0x1C880] =	vst v63  }
0x46: {  	_ =	swait.ge [sflag:s20], $0x3400  }
0x47: {  	[sflag:s20] =	ssyncset.done $0x0  }
0x48: {  	s26 =	rddreg [dreg:$0xa];
	[sflag:s20] =	ssyncadd.s32 $0xFFFFCC00  }
0x49: {  	[spmem:s26] =	stream.linear.scatter [tilespmem:s19], [sflag:$0x6], $0x3400, $0x38;
	[tilespmem:$0x1C880] =	vst v63  }
0x4a: {  	_ =	swait.ge [sflag:s20], $0x3400  }
0x4b: {  	[sflag:s20] =	ssyncset.done $0x0  }
0x4c: {  	s17 =	rddreg [dreg:$0xb];
	[sflag:s20] =	ssyncadd.s32 $0xFFFFCC00  }
0x4d: {  	[spmem:s17] =	stream.linear.scatter [tilespmem:s19], [sflag:$0x6], $0x3400, $0x38;
	[tilespmem:$0x1C880] =	vst v63  }
0x4e: {  	_ =	swait.ge [sflag:s20], $0x3400  }
0x4f: {  	[sflag:s20] =	ssyncset.done $0x0  }
0x50: {  	s7 =	simm.s32 @!p0 $0x1000;
	s17 =	rddreg [dreg:$0xc];
	[sflag:s20] =	ssyncadd.s32 $0xFFFFCC00  }
0x51: {  	[spmem:s17] =	stream.linear.scatter @!p0 [tilespmem:s7], [sflag:$0x6], $0x800, $0x38;
	[tilespmem:$0x1C880] =	vst v63  }
0x52: {  	s7 =	simm.s32 @!p0 $0x6  }
0x53: {  	_ =	swait.ge @!p0 [sflag:s7], $0x800  }
0x54: {  	[sflag:s7] =	ssyncset.done @!p0 $0x0  }
0x55: {  	s17 =	simm.s32 $0x0;
	[sflag:s7] =	ssyncadd.s32 @!p0 $0xFFFFF800  }
0x56: {  	[tilespmem:s17], [sflag:$0x6] =	stream.linear.gather [hbm4b:s18+s17], $0x400, $0x38;
	[tilespmem:$0x1C880] =	vst v63  }
0x57: {  	_ =	swait.ge [sflag:s20], $0x400  }
0x58: {  	[sflag:s20] =	ssyncset.done $0x0  }
0x59: {  	s26 =	simm.s32 $0x400;
	[sflag:s20] =	ssyncadd.s32 $0xFFFFFC00  }
0x5a: {  	[tilespmem:s26], [sflag:$0x6] =	stream.linear.gather [hbm4b:s14+s17], $0x400, $0x38;
	[tilespmem:$0x1C880] =	vst v63  }
0x5b: {  	_ =	swait.ge [sflag:s20], $0x400  }
0x5c: {  	[sflag:s20] =	ssyncset.done $0x0  }
0x5d: {  	[sflag:s20] =	ssyncadd.s32 $0xFFFFFC00  }
0x5e: {  	[bflag:$0x0] =	sbarrier.arrive $0xFFFF  }
0x5f: {  	[tilespmem:s19], [sflag:$0x1] =	stream.indirect.gather [hbm4b:s1+s22], $0x80, s17, s22, $0xb8;
	[tilespmem:$0x1C880] =	vst v63  }
.LBB2_4:
0x60: {  	_ =	swait.ge [sflag:s23], $0x3E80  }
0x61: {  	p3 =	seq.s32 s17, $0x0;
	[sflag:s23] =	ssyncset.done $0x0  }
0x62: {  	s7 =	simm.s32 @!p3 $0x4;
	[sflag:s23] =	ssyncadd.s32 $0xFFFFC180  }
0x63: {  	_ =	swait.ge @!p3 [sflag:s7], $0x3E80  }
0x64: {  	s20 =	sadd.s32 s17, s18;
	[sflag:s7] =	ssyncset.done @!p3 $0x0  }
0x65: {  	s26 =	sadd.s32 $0x80, s20;
	s20 =	sadd.s32 s17, s14;
	[sflag:s7] =	ssyncadd.s32 @!p3 $0xFFFFC180  }
0x66: {  	[tilespmem:s24], [sflag:$0x5] =	stream.linear.gather [hbm4b:s26+s4], $0x400, $0x38;
	[tilespmem:$0x1C880] =	vst v63  }
0x67: {  	s7 =	sadd.s32 $0x80, s20  }
0x68: {  	[tilespmem:s25], [sflag:$0x5] =	stream.linear.gather [hbm4b:s7+s4], $0x400, $0x38;
	[tilespmem:$0x1C880] =	vst v63  }
0x69: {  	s26 =	simm.s32 $0x80  }
0x6a: {  	[tilespmem:s28], [sflag:$0x2] =	stream.indirect.gather [hbm4b:s1+s22], $0x80, s26, s22, $0xb8;
	[tilespmem:$0x1C880] =	vst v63  }
0x6b: {  	s20 =	simm.s32 $0x400  }
0x6c: {  	[spmem:s3] =	stream.indirect.scatter.add.f32 [tilespmem:s19], [sflag:$0x3], $0x80, s20, s22, $0xb8;
	[tilespmem:$0x1C880] =	vst v63  }
0x6d: {  	_ =	swait.ge [sflag:s29], $0x3E80  }
0x6e: {  	[sflag:s29] =	ssyncset.done $0x0  }
0x6f: {  	[sflag:s29] =	ssyncadd.s32 $0xFFFFC180  }
0x70: {  	_ =	swait.ge [sflag:s30], $0x3E80  }
0x71: {  	[sflag:s30] =	ssyncset.done $0x0  }
0x72: {  	s26 =	simm.s32 $0x100;
	[sflag:s30] =	ssyncadd.s32 $0xFFFFC180  }
0x73: {  	[tilespmem:s19], [sflag:$0x1] =	stream.indirect.gather [hbm4b:s1+s22], $0x80, s26, s22, $0xb8;
	[tilespmem:$0x1C880] =	vst v63  }
0x74: {  	s20 =	simm.s32 $0x480  }
0x75: {  	[spmem:s3] =	stream.indirect.scatter.add.f32 [tilespmem:s28], [sflag:$0x4], $0x80, s20, s22, $0xb8;
	[tilespmem:$0x1C880] =	vst v63  }
0x76: {  	_ =	swait.ge [sflag:s23], $0x3E80  }
0x77: {  	[sflag:s23] =	ssyncset.done $0x0  }
0x78: {  	[sflag:s23] =	ssyncadd.s32 $0xFFFFC180  }
0x79: {  	_ =	swait.ge [sflag:s15], $0x3E80  }
0x7a: {  	[sflag:s15] =	ssyncset.done $0x0  }
0x7b: {  	s26 =	simm.s32 $0x180;
	[sflag:s15] =	ssyncadd.s32 $0xFFFFC180  }
0x7c: {  	[tilespmem:s28], [sflag:$0x2] =	stream.indirect.gather [hbm4b:s1+s22], $0x80, s26, s22, $0xb8;
	[tilespmem:$0x1C880] =	vst v63  }
0x7d: {  	s20 =	simm.s32 $0x500  }
0x7e: {  	[spmem:s3] =	stream.indirect.scatter.add.f32 [tilespmem:s19], [sflag:$0x3], $0x80, s20, s22, $0xb8;
	[tilespmem:$0x1C880] =	vst v63  }
0x7f: {  	_ =	swait.ge [sflag:s29], $0x3E80  }
0x80: {  	[sflag:s29] =	ssyncset.done $0x0  }
0x81: {  	[sflag:s29] =	ssyncadd.s32 $0xFFFFC180  }
0x82: {  	_ =	swait.ge [sflag:s30], $0x3E80  }
0x83: {  	[sflag:s30] =	ssyncset.done $0x0  }
0x84: {  	s26 =	simm.s32 $0x200;
	[sflag:s30] =	ssyncadd.s32 $0xFFFFC180  }
0x85: {  	[tilespmem:s19], [sflag:$0x1] =	stream.indirect.gather [hbm4b:s1+s22], $0x80, s26, s22, $0xb8;
	[tilespmem:$0x1C880] =	vst v63  }
0x86: {  	s20 =	simm.s32 $0x580  }
0x87: {  	[spmem:s3] =	stream.indirect.scatter.add.f32 [tilespmem:s28], [sflag:$0x4], $0x80, s20, s22, $0xb8;
	[tilespmem:$0x1C880] =	vst v63  }
0x88: {  	_ =	swait.ge [sflag:s23], $0x3E80  }
0x89: {  	[sflag:s23] =	ssyncset.done $0x0  }
0x8a: {  	[sflag:s23] =	ssyncadd.s32 $0xFFFFC180  }
0x8b: {  	_ =	swait.ge [sflag:s15], $0x3E80  }
0x8c: {  	[sflag:s15] =	ssyncset.done $0x0  }
0x8d: {  	s26 =	simm.s32 $0x280;
	[sflag:s15] =	ssyncadd.s32 $0xFFFFC180  }
0x8e: {  	[tilespmem:s28], [sflag:$0x2] =	stream.indirect.gather [hbm4b:s1+s22], $0x80, s26, s22, $0xb8;
	[tilespmem:$0x1C880] =	vst v63  }
0x8f: {  	s20 =	simm.s32 $0x600  }
0x90: {  	[spmem:s3] =	stream.indirect.scatter.add.f32 [tilespmem:s19], [sflag:$0x3], $0x80, s20, s22, $0xb8;
	[tilespmem:$0x1C880] =	vst v63  }
0x91: {  	_ =	swait.ge [sflag:s29], $0x3E80  }
0x92: {  	[sflag:s29] =	ssyncset.done $0x0  }
0x93: {  	[sflag:s29] =	ssyncadd.s32 $0xFFFFC180  }
0x94: {  	_ =	swait.ge [sflag:s30], $0x3E80  }
0x95: {  	[sflag:s30] =	ssyncset.done $0x0  }
0x96: {  	s26 =	simm.s32 $0x300;
	[sflag:s30] =	ssyncadd.s32 $0xFFFFC180  }
0x97: {  	[tilespmem:s19], [sflag:$0x1] =	stream.indirect.gather [hbm4b:s1+s22], $0x80, s26, s22, $0xb8;
	[tilespmem:$0x1C880] =	vst v63  }
0x98: {  	s20 =	simm.s32 $0x680  }
0x99: {  	[spmem:s3] =	stream.indirect.scatter.add.f32 [tilespmem:s28], [sflag:$0x4], $0x80, s20, s22, $0xb8;
	[tilespmem:$0x1C880] =	vst v63  }
0x9a: {  	_ =	swait.ge [sflag:s23], $0x3E80  }
0x9b: {  	[sflag:s23] =	ssyncset.done $0x0  }
0x9c: {  	[sflag:s23] =	ssyncadd.s32 $0xFFFFC180  }
0x9d: {  	_ =	swait.ge [sflag:s15], $0x3E80  }
0x9e: {  	[sflag:s15] =	ssyncset.done $0x0  }
0x9f: {  	s26 =	simm.s32 $0x380;
	[sflag:s15] =	ssyncadd.s32 $0xFFFFC180  }
0xa0: {  	[tilespmem:s28], [sflag:$0x2] =	stream.indirect.gather [hbm4b:s1+s22], $0x80, s26, s22, $0xb8;
	[tilespmem:$0x1C880] =	vst v63  }
0xa1: {  	s20 =	simm.s32 $0x700  }
0xa2: {  	[spmem:s3] =	stream.indirect.scatter.add.f32 [tilespmem:s19], [sflag:$0x3], $0x80, s20, s22, $0xb8;
	[tilespmem:$0x1C880] =	vst v63  }
0xa3: {  	_ =	swait.ge [sflag:s29], $0x3E80  }
0xa4: {  	[sflag:s29] =	ssyncset.done $0x0  }
0xa5: {  	[sflag:s29] =	ssyncadd.s32 $0xFFFFC180  }
0xa6: {  	_ =	swait.ge [sflag:s30], $0x3E80  }
0xa7: {  	[sflag:s30] =	ssyncset.done $0x0  }
0xa8: {  	[sflag:s30] =	ssyncadd.s32 $0xFFFFC180  }
0xa9: {  	_ =	swait.ge [sflag:s13], $0x400  }
0xaa: {  	[sflag:s13] =	ssyncset.done $0x0  }
0xab: {  	[sflag:s13] =	ssyncadd.s32 $0xFFFFFC00  }
0xac: {  	_ =	swait.ge [sflag:s13], $0x400  }
0xad: {  	[sflag:s13] =	ssyncset.done $0x0  }
0xae: {  	[sflag:s13] =	ssyncadd.s32 $0xFFFFFC00  }
0xaf: {  	[tilespmem:s19], [sflag:$0x1] =	stream.indirect.gather [hbm4b:s1+s22], $0x80, s24, s22, $0xb8;
	[tilespmem:$0x1C880] =	vst v63  }
0xb0: {  	s26 =	simm.s32 $0x780  }
0xb1: {  	[spmem:s3] =	stream.indirect.scatter.add.f32 [tilespmem:s28], [sflag:$0x4], $0x80, s26, s22, $0xb8;
	[tilespmem:$0x1C880] =	vst v63  }
0xb2: {  	_ =	swait.ge [sflag:s23], $0x3E80  }
0xb3: {  	[sflag:s23] =	ssyncset.done $0x0  }
0xb4: {  	[sflag:s23] =	ssyncadd.s32 $0xFFFFC180  }
0xb5: {  	p3 =	seq.s32 s17, $0x400;
	_ =	swait.ge [sflag:s15], $0x3E80  }
0xb6: {  	s7 =	sadd.s32 @!p3 s17, s18;
	[sflag:s15] =	ssyncset.done $0x0  }
0xb7: {  	s7 =	sadd.s32 @!p3 $0x100, s7;
	s20 =	simm.s32 @!p3 $0x0;
	[sflag:s15] =	ssyncadd.s32 $0xFFFFC180  }
0xb8: {  	[tilespmem:s20], [sflag:$0x5] =	stream.linear.gather @!p3 [hbm4b:s7+s20], $0x400, $0x38;
	[tilespmem:$0x1C880] =	vst v63  }
0xb9: {  	s7 =	sadd.s32 @!p3 s17, s14  }
0xba: {  	s26 =	simm.s32 @!p3 $0x400;
	s7 =	sadd.s32 @!p3 $0x100, s7  }
0xbb: {  	[tilespmem:s26], [sflag:$0x5] =	stream.linear.gather @!p3 [hbm4b:s7+s20], $0x400, $0x38;
	[tilespmem:$0x1C880] =	vst v63  }
0xbc: {  	s20 =	simm.s32 $0x880  }
0xbd: {  	[tilespmem:s28], [sflag:$0x2] =	stream.indirect.gather [hbm4b:s1+s22], $0x80, s20, s22, $0xb8;
	[tilespmem:$0x1C880] =	vst v63  }
0xbe: {  	_ = 	snop  }
0xbf: {  	[spmem:s3] =	stream.indirect.scatter.add.f32 [tilespmem:s19], [sflag:$0x3], $0x80, s25, s22, $0xb8;
	[tilespmem:$0x1C880] =	vst v63  }
0xc0: {  	_ =	swait.ge [sflag:s29], $0x3E80  }
0xc1: {  	[sflag:s29] =	ssyncset.done $0x0  }
0xc2: {  	[sflag:s29] =	ssyncadd.s32 $0xFFFFC180  }
0xc3: {  	_ =	swait.ge [sflag:s30], $0x3E80  }
0xc4: {  	[sflag:s30] =	ssyncset.done $0x0  }
0xc5: {  	s26 =	simm.s32 $0x900;
	[sflag:s30] =	ssyncadd.s32 $0xFFFFC180  }
0xc6: {  	[tilespmem:s19], [sflag:$0x1] =	stream.indirect.gather [hbm4b:s1+s22], $0x80, s26, s22, $0xb8;
	[tilespmem:$0x1C880] =	vst v63  }
0xc7: {  	_ = 	snop  }
0xc8: {  	[spmem:s3] =	stream.indirect.scatter.add.f32 [tilespmem:s28], [sflag:$0x4], $0x80, s21, s22, $0xb8;
	[tilespmem:$0x1C880] =	vst v63  }
0xc9: {  	_ =	swait.ge [sflag:s23], $0x3E80  }
0xca: {  	[sflag:s23] =	ssyncset.done $0x0  }
0xcb: {  	[sflag:s23] =	ssyncadd.s32 $0xFFFFC180  }
0xcc: {  	_ =	swait.ge [sflag:s15], $0x3E80  }
0xcd: {  	[sflag:s15] =	ssyncset.done $0x0  }
0xce: {  	[sflag:s15] =	ssyncadd.s32 $0xFFFFC180  }
0xcf: {  	[tilespmem:s28], [sflag:$0x2] =	stream.indirect.gather [hbm4b:s1+s22], $0x80, s31, s22, $0xb8;
	[tilespmem:$0x1C880] =	vst v63  }
0xd0: {  	_ = 	snop  }
0xd1: {  	[spmem:s3] =	stream.indirect.scatter.add.f32 [tilespmem:s19], [sflag:$0x3], $0x80, s0, s22, $0xb8;
	[tilespmem:$0x1C880] =	vst v63  }
0xd2: {  	_ =	swait.ge [sflag:s29], $0x3E80  }
0xd3: {  	[sflag:s29] =	ssyncset.done $0x0  }
0xd4: {  	[sflag:s29] =	ssyncadd.s32 $0xFFFFC180  }
0xd5: {  	_ =	swait.ge [sflag:s30], $0x3E80  }
0xd6: {  	[sflag:s30] =	ssyncset.done $0x0  }
0xd7: {  	[sflag:s30] =	ssyncadd.s32 $0xFFFFC180  }
0xd8: {  	[tilespmem:s19], [sflag:$0x1] =	stream.indirect.gather [hbm4b:s1+s22], $0x80, s16, s22, $0xb8;
	[tilespmem:$0x1C880] =	vst v63  }
0xd9: {  	_ = 	snop  }
0xda: {  	[spmem:s3] =	stream.indirect.scatter.add.f32 [tilespmem:s28], [sflag:$0x4], $0x80, s5, s22, $0xb8;
	[tilespmem:$0x1C880] =	vst v63  }
0xdb: {  	_ =	swait.ge [sflag:s23], $0x3E80  }
0xdc: {  	[sflag:s23] =	ssyncset.done $0x0  }
0xdd: {  	[sflag:s23] =	ssyncadd.s32 $0xFFFFC180  }
0xde: {  	_ =	swait.ge [sflag:s15], $0x3E80  }
0xdf: {  	[sflag:s15] =	ssyncset.done $0x0  }
0xe0: {  	[sflag:s15] =	ssyncadd.s32 $0xFFFFC180  }
0xe1: {  	[tilespmem:s28], [sflag:$0x2] =	stream.indirect.gather [hbm4b:s1+s22], $0x80, s6, s22, $0xb8;
	[tilespmem:$0x1C880] =	vst v63  }
0xe2: {  	_ = 	snop  }
0xe3: {  	[spmem:s3] =	stream.indirect.scatter.add.f32 [tilespmem:s19], [sflag:$0x3], $0x80, s2, s22, $0xb8;
	[tilespmem:$0x1C880] =	vst v63  }
0xe4: {  	_ =	swait.ge [sflag:s29], $0x3E80  }
0xe5: {  	[sflag:s29] =	ssyncset.done $0x0  }
0xe6: {  	[sflag:s29] =	ssyncadd.s32 $0xFFFFC180  }
0xe7: {  	_ =	swait.ge [sflag:s30], $0x3E80  }
0xe8: {  	[sflag:s30] =	ssyncset.done $0x0  }
0xe9: {  	[sflag:s30] =	ssyncadd.s32 $0xFFFFC180  }
0xea: {  	[tilespmem:s19], [sflag:$0x1] =	stream.indirect.gather [hbm4b:s1+s22], $0x80, s8, s22, $0xb8;
	[tilespmem:$0x1C880] =	vst v63  }
0xeb: {  	_ = 	snop  }
0xec: {  	[spmem:s3] =	stream.indirect.scatter.add.f32 [tilespmem:s28], [sflag:$0x4], $0x80, s9, s22, $0xb8;
	[tilespmem:$0x1C880] =	vst v63  }
0xed: {  	_ =	swait.ge [sflag:s23], $0x3E80  }
0xee: {  	[sflag:s23] =	ssyncset.done $0x0  }
0xef: {  	[sflag:s23] =	ssyncadd.s32 $0xFFFFC180  }
0xf0: {  	_ =	swait.ge [sflag:s15], $0x3E80  }
0xf1: {  	[sflag:s15] =	ssyncset.done $0x0  }
0xf2: {  	[sflag:s15] =	ssyncadd.s32 $0xFFFFC180  }
0xf3: {  	[tilespmem:s28], [sflag:$0x2] =	stream.indirect.gather [hbm4b:s1+s22], $0x80, s10, s22, $0xb8;
	[tilespmem:$0x1C880] =	vst v63  }
0xf4: {  	_ = 	snop  }
0xf5: {  	[spmem:s3] =	stream.indirect.scatter.add.f32 [tilespmem:s19], [sflag:$0x3], $0x80, s11, s22, $0xb8;
	[tilespmem:$0x1C880] =	vst v63  }
0xf6: {  	_ =	swait.ge [sflag:s29], $0x3E80  }
.Ltmp3:
0xf7: {  	[sflag:s29] =	ssyncset.done $0x0;
	(pc) =	sbr.rel @p3 .LBB2_6-.Ltmp3, $4  }
0xf8: {  	[sflag:s29] =	ssyncadd.s32 $0xFFFFC180  }
0xf9: {  	_ =	swait.ge [sflag:s30], $0x3E80  }
0xfa: {  	[sflag:s30] =	ssyncset.done $0x0  }
0xfb: {  	[sflag:s30] =	ssyncadd.s32 $0xFFFFC180  }
0xfc: {  	_ =	swait.ge [sflag:s13], $0x400  }
0xfd: {  	[sflag:s13] =	ssyncset.done $0x0  }
0xfe: {  	[sflag:s13] =	ssyncadd.s32 $0xFFFFFC00  }
0xff: {  	_ =	swait.ge [sflag:s13], $0x400  }
.Ltmp4:
0x100: {  	[sflag:s13] =	ssyncset.done $0x0;
	(pc) =	sbr.rel .LBB2_4-.Ltmp4, $4  }
0x101: {  	[sflag:s13] =	ssyncadd.s32 $0xFFFFFC00  }
0x102: {  	[tilespmem:s19], [sflag:$0x1] =	stream.indirect.gather [hbm4b:s1+s22], $0x80, s4, s22, $0xb8;
	[tilespmem:$0x1C880] =	vst v63  }
0x103: {  	s17 =	sadd.s32 $0x100, s17  }
0x104: {  	[spmem:s3] =	stream.indirect.scatter.add.f32 [tilespmem:s28], [sflag:$0x4], $0x80, s12, s22, $0xb8;
	[tilespmem:$0x1C880] =	vst v63  }
.LBB2_6:
0x105: {  	[spmem:s3] =	stream.indirect.scatter.add.f32 [tilespmem:s28], [sflag:$0x4], $0x80, s12, s22, $0xb8;
	[tilespmem:$0x1C880] =	vst v63  }
0x106: {  	_ =	swait.ge [sflag:s15], $0x3E80  }
.Ltmp5:
0x107: {  	[sflag:s15] =	ssyncset.done $0x0;
	(pc) =	sbr.rel @p1 .LBB2_8-.Ltmp5, $4  }
0x108: {  	[sflag:s15] =	ssyncadd.s32 $0xFFFFC180  }
0x109: {  	s7 =	stileid.u32;
	[bflag:$0x0] =	sbarrier.arrive $0xFFFF  }
0x10a: {  	s20 =	sshll.u32 s7, $0x6;
	s26 =	rddreg [dreg:$0x6]  }
0x10b: {  	s7 =	sor.u32 $0x1C06, s20;
	s17 =	sshrl.u32 s26, $0x3  }
0x10c: {  	s7 =	sor.u32 $0x1C06, s20;
	s26 =	rddreg [dreg:$0xe]  }
0x10d: {  	[hbm:s26], [sflag:s7] =	dma.local [spmem:s17], $0x2700  }
.Ltmp6:
0x10e: {  	_ = 	snop;
	(pc) =	sbr.rel @p2 .LBB2_9-.Ltmp6, $4  }
.Ltmp7:
0x10f: {  	s26 =	simm.s32 $0x6;
	(pc) =	sbr.rel @!p2 .LBB2_10-.Ltmp7, $4  }
0x110: {  	_ =	swait.ge [sflag:s26], $0x2700  }
0x111: {  	[sflag:s26] =	ssyncset.done $0x0;
	s17 =	rddreg [dreg:$0x4]  }
0x112: {  	[sflag:s26] =	ssyncadd.s32 $0xFFFFD900;
	s26 =	rddreg [dreg:$0x10]  }
0x113: {  	_ = 	snop  }
.LBB2_8:
0x114: {  	s20 =	rddreg [dreg:$0xd]  }
0x115: {  	[hbm:s20], [sflag:s7] =	dma.local [spmem:s17], $0x2700  }
.Ltmp8:
0x116: {  	_ = 	snop;
	(pc) =	sbr.rel @p0 .LBB2_10-.Ltmp8, $4  }
.Ltmp9:
0x117: {  	s26 =	simm.s32 $0x6;
	(pc) =	sbr.rel @!p0 .LBB2_9-.Ltmp9, $4  }
0x118: {  	_ =	swait.ge [sflag:s26], $0x2700  }
0x119: {  	[sflag:s26] =	ssyncset.done $0x0;
	s17 =	rddreg [dreg:$0x5]  }
0x11a: {  	[sflag:s26] =	ssyncadd.s32 $0xFFFFD900;
	s26 =	rddreg [dreg:$0x10]  }
0x11b: {  	_ = 	snop  }
.LBB2_11:
0x11c: {  	_ =	sfence.sel $0x180000  }
0x11d: {  	[bflag:$0x0] =	sbarrier.arrive $0xFFFF  }
0x11e: {  	_ =	strace $0x90000047  }
0x11f: {  	s0 =	stileid.u32;
	[bflag:$0x2] =	sbarrier.arrive $0xFFFF  }
0x120: {  	p0 =	sne.s32 s0, $0x0;
	s0 =	rddreg [dreg:$0x3]  }
0x121: {  	s0 =	sadd.s32 @!p0 $0x100000, s0  }
0x122: {  	[sflag:s0] =	ssyncadd.tile.s32 @!p0 $0x1;
	_ =	shalt  }
.Lfunc_end2:
_tile_overlayer_lowered:
.L_overlay_start_2:
0x123: {  	(tag) =	ssettag $0x2  }
0x124: {  	s0 =	rddreg [dreg:$0x0];
	s2 =	stileid.u32  }
0x125: {  	s1 =	rddreg [dreg:$0x1];
	p0 =	sne.s32 s2, $0x0  }
0x126: {  	s3 =	rddreg [dreg:$0x2];
	[bflag:$0x3] =	sbarrier.arrive $0xFFFF;
	s2 =	simm.s32 @!p0 $0x1C06  }
0x127: {  	[timem:s3], [sflag:s2] =	dma.local @!p0 [hbm:s0], s1  }
0x128: {  	s0 =	simm.s32 @!p0 $0x6  }
0x129: {  	_ =	swait.ge @!p0 [sflag:s0], s1  }
0x12a: {  	s1 =	ssub.s32 @!p0 $0x0, s1;
	[sflag:s0] =	ssyncset.done @!p0 $0x0  }
0x12b: {  	[sflag:s0] =	ssyncadd.s32 @!p0 s1  }
0x12c: {  	[bflag:$0x3] =	sbarrier.arrive $0xFFFF  }
0x12d: {  	_ =	shalt  }

</sc_bundles>
